<compile_context>
chip_gen: v7x
topology: tpu7x:2x2x1
jax: 0.10.2.dev20260603
libtpu: 0.0.44.dev20260713+nightly
codegen_flags: <defaults>
</compile_context>

<pallas_src>
import jax
import jax.numpy as jnp
from jax import lax
from jax.experimental import pallas as pl
from jax.experimental.pallas import tpu as pltpu
from jax.experimental.pallas import tpu_sc as plsc

N = 10000
E = 320000
D_IN = 128
D_HID = 128
D_OUT = 64

NP = 10240
RPT = NP // 16
C = 128
K = 160
EPT = C * K
EPAD = 16 * EPT

BR = 1024
NPB = NP // BR



def _make_segsum(d_half, with_deg):
  mesh = plsc.VectorSubcoreMesh(core_axis_name="c", subcore_axis_name="s")
  out_type = [jax.ShapeDtypeStruct((2 * NP, d_half), jnp.bfloat16)]
  if with_deg:
    out_type.append(jax.ShapeDtypeStruct((2 * NP,), jnp.float32))
  NB = 8
  G = 5
  scratch = [
      pltpu.VMEM((K, C), jnp.int32),
      pltpu.VMEM((K, C), jnp.int32),
      pltpu.VMEM((NB * C, d_half), jnp.bfloat16),
      pltpu.VMEM_SHARED((NP, d_half), jnp.bfloat16),
      pltpu.VMEM_SHARED((NP, d_half), jnp.bfloat16),
  ] + [pltpu.SemaphoreType.DMA] * (2 * NB)
  if with_deg:
    scratch += [
        pltpu.VMEM((C,), jnp.float32),
        pltpu.VMEM_SHARED((NP,), jnp.float32),
        pltpu.SemaphoreType.DMA,
    ]

  def body(ya_hbm, yb_hbm, src_hbm, dst_hbm, zrow_hbm, *rest):
    if with_deg:
      (zdeg_hbm, out_hbm, odeg_hbm, src_v, dst_v, ring, acc, ystage) = rest[:8]
      rest = rest[8:]
    else:
      (out_hbm, src_v, dst_v, ring, acc, ystage) = rest[:6]
      rest = rest[6:]
    gs = rest[:NB]
    ss = rest[NB:2 * NB]
    rest = rest[2 * NB:]
    if with_deg:
      ones_v, dacc, dsem = rest
    rows = [ring.at[pl.ds(b * C, C)] for b in range(NB)]
    cid = lax.axis_index("c")
    sid = lax.axis_index("s")
    row0 = pl.multiple_of(sid * RPT, 8)

    cp0 = pltpu.async_copy(src_hbm.at[sid], src_v, gs[0])
    cp1 = pltpu.async_copy(dst_hbm.at[sid], dst_v, gs[1])
    cp2 = pltpu.async_copy(zrow_hbm, acc.at[pl.ds(row0, RPT)], gs[2])

    @pl.when(cid == 0)
    def _stage_a():
      pltpu.async_copy(ya_hbm.at[pl.ds(row0, RPT)],
                       ystage.at[pl.ds(row0, RPT)], gs[3])

    @pl.when(cid == 1)
    def _stage_b():
      pltpu.async_copy(yb_hbm.at[pl.ds(row0, RPT)],
                       ystage.at[pl.ds(row0, RPT)], gs[3])
    if with_deg:
      for i in range(C // 16):
        ones_v[pl.ds(i * 16, 16)] = jnp.ones((16,), jnp.float32)
      pltpu.sync_copy(zdeg_hbm, dacc.at[pl.ds(row0, RPT)])
    cp0.wait()
    cp1.wait()
    cp2.wait()
    pltpu.make_async_copy(ya_hbm.at[pl.ds(row0, RPT)],
                          ystage.at[pl.ds(row0, RPT)], gs[3]).wait()
    plsc.subcore_barrier()

    for k in range(G):
      pltpu.async_copy(ystage.at[src_v.at[k]], rows[k % NB], gs[k % NB])

    def ring(g, carry):
      k0 = g * NB
      for b in range(NB):
        k = k0 + b
        bg = (b + G) % NB

        @pl.when(k + G < K)
        def _refill():
          @pl.when(k >= NB - G)
          def _reclaim():
            pltpu.make_async_copy(rows[bg], acc.at[dst_v.at[0]],
                                  ss[bg]).wait()
          pltpu.async_copy(ystage.at[src_v.at[k + G]], rows[bg], gs[bg])

        pltpu.make_async_copy(ystage.at[src_v.at[k]], rows[b], gs[b]).wait()
        pltpu.async_copy(rows[b], acc.at[dst_v.at[k]], ss[b], add=True)
        if with_deg:
          @pl.when(jnp.equal(k < K // 2, cid == 0))
          def _deg():
            pltpu.async_copy(ones_v, dacc.at[dst_v.at[k]], dsem, add=True)
      return carry

    lax.fori_loop(0, K // NB, ring, 0)
    for b in range(NB):
      pltpu.make_async_copy(rows[b], acc.at[dst_v.at[0]], ss[b]).wait()
    if with_deg:
      def dwait(i, carry):
        pltpu.make_async_copy(ones_v, dacc.at[dst_v.at[0]], dsem).wait()
        return carry
      lax.fori_loop(0, K // 2, dwait, 0)
    plsc.subcore_barrier()

    out0 = pl.multiple_of(cid * NP + row0, 8)
    pltpu.sync_copy(acc.at[pl.ds(row0, RPT)], out_hbm.at[pl.ds(out0, RPT)])
    if with_deg:
      pltpu.sync_copy(dacc.at[pl.ds(row0, RPT)], odeg_hbm.at[pl.ds(out0, RPT)])

  return pl.kernel(
      body, mesh=mesh, out_type=out_type, scratch_types=scratch,
      compiler_params=pltpu.CompilerParams(use_tc_tiling_on_sc=False))


_SEGSUM_1 = _make_segsum(D_HID // 2, True)
_SEGSUM_2 = _make_segsum(D_OUT // 2, False)



def _mmy_body(x_ref, w_ref, ya_ref, yb_ref):
  y = jnp.dot(x_ref[...], w_ref[...].astype(jnp.bfloat16),
              preferred_element_type=jnp.float32).astype(jnp.bfloat16)
  dh = y.shape[1] // 2
  ya_ref[...] = y[:, :dh]
  yb_ref[...] = y[:, dh:]


def _mm_y(x, w):
  d_in = x.shape[1]
  d = w.shape[1]
  dh = d // 2
  return pl.pallas_call(
      _mmy_body,
      grid=(NPB,),
      in_specs=[
          pl.BlockSpec((BR, d_in), lambda i: (i, 0)),
          pl.BlockSpec((d_in, d), lambda i: (0, 0)),
      ],
      out_specs=[pl.BlockSpec((BR, dh), lambda i: (i, 0))] * 2,
      out_shape=[jax.ShapeDtypeStruct((NP, dh), jnp.bfloat16)] * 2,
  )(x, w)


def _mmz_body(x_ref, w_ref, b_ref, z_ref):
  xv = x_ref[...]
  z_ref[...] = jnp.dot(xv, w_ref[...].astype(xv.dtype),
                       preferred_element_type=jnp.float32) + b_ref[...]


def _mm_z(x, w, b):
  d_in = x.shape[1]
  d = w.shape[1]
  return pl.pallas_call(
      _mmz_body,
      grid=(NPB,),
      in_specs=[
          pl.BlockSpec((BR, d_in), lambda i: (i, 0)),
          pl.BlockSpec((d_in, d), lambda i: (0, 0)),
          pl.BlockSpec((1, d), lambda i: (0, 0)),
      ],
      out_specs=pl.BlockSpec((BR, d), lambda i: (i, 0)),
      out_shape=jax.ShapeDtypeStruct((NP, d), jnp.float32),
  )(x, w, b.reshape(1, d))


def _comb_body(p0_ref, p1_ref, d0_ref, d1_ref, z1_ref, w_ref,
               h_ref, ya_ref, yb_ref):
  inv = 1.0 / jnp.maximum(d0_ref[...] + d1_ref[...], 1.0)
  agg = jnp.concatenate([p0_ref[...], p1_ref[...]],
                        axis=1).astype(jnp.float32)
  h = jnp.maximum(agg * inv + z1_ref[...], 0.0)
  h_ref[...] = h.astype(jnp.bfloat16)
  y = jnp.dot(h.astype(jnp.bfloat16), w_ref[...].astype(jnp.bfloat16),
              preferred_element_type=jnp.float32).astype(jnp.bfloat16)
  dh = y.shape[1] // 2
  ya_ref[...] = y[:, :dh]
  yb_ref[...] = y[:, dh:]


def _combine_y(p, d0, d1, z1, w):
  dp = p.shape[1]
  d_in = w.shape[0]
  d = w.shape[1]
  dh = d // 2
  return pl.pallas_call(
      _comb_body,
      grid=(NPB,),
      in_specs=[
          pl.BlockSpec((BR, dp), lambda i: (i, 0)),
          pl.BlockSpec((BR, dp), lambda i: (NPB + i, 0)),
          pl.BlockSpec((BR, 1), lambda i: (i, 0)),
          pl.BlockSpec((BR, 1), lambda i: (i, 0)),
          pl.BlockSpec((BR, d_in), lambda i: (i, 0)),
          pl.BlockSpec((d_in, d), lambda i: (0, 0)),
      ],
      out_specs=[
          pl.BlockSpec((BR, d_in), lambda i: (i, 0)),
          pl.BlockSpec((BR, dh), lambda i: (i, 0)),
          pl.BlockSpec((BR, dh), lambda i: (i, 0)),
      ],
      out_shape=[
          jax.ShapeDtypeStruct((NP, d_in), jnp.bfloat16),
          jax.ShapeDtypeStruct((NP, dh), jnp.bfloat16),
          jax.ShapeDtypeStruct((NP, dh), jnp.bfloat16),
      ],
  )(p, p, d0, d1, z1, w)


def _final_body(q0_ref, q1_ref, d0_ref, d1_ref, z2_ref, o_ref):
  inv = 1.0 / jnp.maximum(d0_ref[...] + d1_ref[...], 1.0)
  agg = jnp.concatenate([q0_ref[...], q1_ref[...]],
                        axis=1).astype(jnp.float32)
  o_ref[...] = agg * inv + z2_ref[...]


def _final(q, d0, d1, z2):
  dq = q.shape[1]
  return pl.pallas_call(
      _final_body,
      grid=(NPB,),
      in_specs=[
          pl.BlockSpec((BR, dq), lambda i: (i, 0)),
          pl.BlockSpec((BR, dq), lambda i: (NPB + i, 0)),
          pl.BlockSpec((BR, 1), lambda i: (i, 0)),
          pl.BlockSpec((BR, 1), lambda i: (i, 0)),
          pl.BlockSpec((BR, dq * 2), lambda i: (i, 0)),
      ],
      out_specs=pl.BlockSpec((BR, dq * 2), lambda i: (i, 0)),
      out_shape=jax.ShapeDtypeStruct((NP, dq * 2), jnp.float32),
  )(q, q, d0, d1, z2)



def kernel(x, edge_index, W1_l, W1_r, b1, W2_l, W2_r, b2):
  x = x.astype(jnp.bfloat16)
  src = edge_index[0].astype(jnp.int32)
  dst = edge_index[1].astype(jnp.int32)

  pad = EPAD - E
  src_pp = jnp.concatenate([src, jnp.zeros((pad,), jnp.int32)])
  src_pp = src_pp.reshape(16, K, C)
  pad_dst = N + (jnp.arange(pad, dtype=jnp.int32) % (NP - N))
  dst_b = jnp.concatenate([dst, pad_dst]).reshape(16, K, C)

  x_pad = jnp.pad(x, ((0, NP - N), (0, 0)))
  zrow_1 = jnp.zeros((RPT, D_HID // 2), jnp.bfloat16)
  zrow_2 = jnp.zeros((RPT, D_OUT // 2), jnp.bfloat16)
  zdeg = jnp.zeros((RPT,), jnp.float32)

  y1a, y1b = _mm_y(x_pad, W1_l)
  z1 = _mm_z(x_pad, W1_r, b1)
  p1, dg = _SEGSUM_1(y1a, y1b, src_pp, dst_b, zrow_1, zdeg)
  d0 = dg[:NP].reshape(NP, 1)
  d1 = dg[NP:].reshape(NP, 1)
  h, y2a, y2b = _combine_y(p1, d0, d1, z1, W2_l)
  z2 = _mm_z(h, W2_r, b2)
  (p2,) = _SEGSUM_2(y2a, y2b, src_pp, dst_b, zrow_2)
  out = _final(p2, d0, d1, z2)
  return out[:N]

# --- scband reference (transcript-rebuilt; emitter-appended) ---
"""Pipeline reference for scband-sage-27212912787987 (READ-ONLY COPY).

The authoritative reference and input builder live on the scoring server;
editing this copy changes nothing except your own understanding.
"""

import jax, jax.numpy as jnp
import numpy as np

N = 10000
E = 320000
D_IN = 128
D_HID = 128
D_OUT = 64


def setup_inputs(seed: int = 0) -> dict:
    key = jax.random.key(seed)
    ks = jax.random.split(key, 8)
    x = jax.random.normal(ks[0], (N, D_IN), dtype=jnp.float32)
    edge_index = jax.random.randint(ks[1], (2, E), 0, N)
    W1_l = jax.random.normal(ks[2], (D_IN, D_HID), dtype=jnp.float32) * (1.0 / np.sqrt(D_IN))
    W1_r = jax.random.normal(ks[3], (D_IN, D_HID), dtype=jnp.float32) * (1.0 / np.sqrt(D_IN))
    b1 = jnp.zeros((D_HID,), dtype=jnp.float32)
    W2_l = jax.random.normal(ks[4], (D_HID, D_OUT), dtype=jnp.float32) * (1.0 / np.sqrt(D_HID))
    W2_r = jax.random.normal(ks[5], (D_HID, D_OUT), dtype=jnp.float32) * (1.0 / np.sqrt(D_HID))
    b2 = jnp.zeros((D_OUT,), dtype=jnp.float32)
    return {"x": x, "edge_index": edge_index, "W1_l": W1_l, "W1_r": W1_r, "b1": b1, "W2_l": W2_l, "W2_r": W2_r, "b2": b2}


def _sage_conv(x, edge_index, Wl, Wr, b):
    # PyG SAGEConv with mean aggregation:
    # out = lin_l(mean_{j in N(i)} x_j) + lin_r(x_i)
    src = edge_index[0]
    dst = edge_index[1]
    msg = jnp.take(x, src, axis=0)  # gather source node features per edge
    agg = jax.ops.segment_sum(msg, dst, num_segments=x.shape[0])  # scatter-add to dst
    cnt = jax.ops.segment_sum(jnp.ones((edge_index.shape[1],), dtype=x.dtype), dst, num_segments=x.shape[0])
    agg = agg / jnp.maximum(cnt, 1.0)[:, None]
    return agg @ Wl + x @ Wr + b


def reference(x, edge_index, W1_l, W1_r, b1, W2_l, W2_r, b2):
    h = _sage_conv(x, edge_index, W1_l, W1_r, b1)
    h = jax.nn.relu(h)
    # F.dropout is identity at inference (deterministic reference)
    out = _sage_conv(h, edge_index, W2_l, W2_r, b2)
    return out

if __name__ == "__main__":
    import jax
    _d = setup_inputs()
    print(jax.jit(kernel)(*tuple(_d.values())))

</pallas_src>

<mosaic_0001>
#map = affine_map<(d0, d1) -> (0, 0)>
#map1 = affine_map<(d0, d1) -> (0, 0, 0)>
#map2 = affine_map<(d0, d1) -> (0)>
module attributes {stable_mosaic.version = 14 : i64} {
  func.func @body(%arg0: i32, %arg1: i32, %arg2: memref<10240x64xbf16, #tpu.memory_space<hbm>>, %arg3: memref<10240x64xbf16, #tpu.memory_space<hbm>>, %arg4: memref<16x160x128xi32, #tpu.memory_space<hbm>>, %arg5: memref<16x160x128xi32, #tpu.memory_space<hbm>>, %arg6: memref<640x64xbf16, #tpu.memory_space<hbm>>, %arg7: memref<640xf32, #tpu.memory_space<hbm>>, %arg8: memref<20480x64xbf16, #tpu.memory_space<hbm>>, %arg9: memref<20480xf32, #tpu.memory_space<hbm>>, %arg10: memref<160x128xi32, #tpu.memory_space<vmem>>, %arg11: memref<160x128xi32, #tpu.memory_space<vmem>>, %arg12: memref<1024x64xbf16, #tpu.memory_space<vmem>>, %arg13: memref<10240x64xbf16, #tpu.memory_space<vmem_shared>>, %arg14: memref<10240x64xbf16, #tpu.memory_space<vmem_shared>>, %arg15: memref<!tpu.dma_semaphore, #tpu.memory_space<semaphore_mem>>, %arg16: memref<!tpu.dma_semaphore, #tpu.memory_space<semaphore_mem>>, %arg17: memref<!tpu.dma_semaphore, #tpu.memory_space<semaphore_mem>>, %arg18: memref<!tpu.dma_semaphore, #tpu.memory_space<semaphore_mem>>, %arg19: memref<!tpu.dma_semaphore, #tpu.memory_space<semaphore_mem>>, %arg20: memref<!tpu.dma_semaphore, #tpu.memory_space<semaphore_mem>>, %arg21: memref<!tpu.dma_semaphore, #tpu.memory_space<semaphore_mem>>, %arg22: memref<!tpu.dma_semaphore, #tpu.memory_space<semaphore_mem>>, %arg23: memref<!tpu.dma_semaphore, #tpu.memory_space<semaphore_mem>>, %arg24: memref<!tpu.dma_semaphore, #tpu.memory_space<semaphore_mem>>, %arg25: memref<!tpu.dma_semaphore, #tpu.memory_space<semaphore_mem>>, %arg26: memref<!tpu.dma_semaphore, #tpu.memory_space<semaphore_mem>>, %arg27: memref<!tpu.dma_semaphore, #tpu.memory_space<semaphore_mem>>, %arg28: memref<!tpu.dma_semaphore, #tpu.memory_space<semaphore_mem>>, %arg29: memref<!tpu.dma_semaphore, #tpu.memory_space<semaphore_mem>>, %arg30: memref<!tpu.dma_semaphore, #tpu.memory_space<semaphore_mem>>, %arg31: memref<128xf32, #tpu.memory_space<vmem>>, %arg32: memref<10240xf32, #tpu.memory_space<vmem_shared>>, %arg33: memref<!tpu.dma_semaphore, #tpu.memory_space<semaphore_mem>>) attributes {dimension_semantics = [#tpu.dimension_semantics<core_parallel>, #tpu.dimension_semantics<subcore_parallel>], iteration_bounds = array<i64: 2, 16>, scalar_prefetch = 0 : i64, scratch_operands = 24 : i64, tpu.core_type = #tpu.core_type<sc_vector_subcore>, window_params = [{transform_indices = #map}, {transform_indices = #map}, {transform_indices = #map1}, {transform_indices = #map1}, {transform_indices = #map}, {transform_indices = #map2}, {transform_indices = #map}, {transform_indices = #map2}]} {
    %mul3A = arith.constant 640 : i32
    %mul3A_0 = arith.muli %arg1, %mul3A : i32
    %multiple_of3A = tpu.assume_multiple %mul3A_0, 8 : i32
    %dma_start3A = arith.constant 0 : i32
    %dma_start3A_1 = arith.constant 0 : i32
    %dma_start3A_2 = tpu.memref_slice %arg4[%arg1, %dma_start3A, %dma_start3A_1] : memref<16x160x128xi32, #tpu.memory_space<hbm>> -> memref<1x160x128xi32, #tpu.memory_space<hbm>>
    %dma_start3A_3 = tpu.memref_squeeze %dma_start3A_2 : memref<1x160x128xi32, #tpu.memory_space<hbm>> -> memref<160x128xi32, #tpu.memory_space<hbm>>
    %dma_start3A_4 = arith.constant 0 : i32
    %dma_start3A_5 = arith.constant 0 : i32
    %dma_start3A_6 = tpu.memref_slice %arg4[%arg1, %dma_start3A_4, %dma_start3A_5] : memref<16x160x128xi32, #tpu.memory_space<hbm>> -> memref<1x160x128xi32, #tpu.memory_space<hbm>>
    %dma_start3A_7 = tpu.memref_squeeze %dma_start3A_6 : memref<1x160x128xi32, #tpu.memory_space<hbm>> -> memref<160x128xi32, #tpu.memory_space<hbm>>
    tpu.enqueue_dma source(%dma_start3A_7 : memref<160x128xi32, #tpu.memory_space<hbm>>) target(%arg10 : memref<160x128xi32, #tpu.memory_space<vmem>>) target_semaphore(%arg15 : memref<!tpu.dma_semaphore, #tpu.memory_space<semaphore_mem>>)
    %dma_start3A_8 = arith.constant 0 : i32
    %dma_start3A_9 = arith.constant 0 : i32
    %dma_start3A_10 = tpu.memref_slice %arg5[%arg1, %dma_start3A_8, %dma_start3A_9] : memref<16x160x128xi32, #tpu.memory_space<hbm>> -> memref<1x160x128xi32, #tpu.memory_space<hbm>>
    %dma_start3A_11 = tpu.memref_squeeze %dma_start3A_10 : memref<1x160x128xi32, #tpu.memory_space<hbm>> -> memref<160x128xi32, #tpu.memory_space<hbm>>
    %dma_start3A_12 = arith.constant 0 : i32
    %dma_start3A_13 = arith.constant 0 : i32
    %dma_start3A_14 = tpu.memref_slice %arg5[%arg1, %dma_start3A_12, %dma_start3A_13] : memref<16x160x128xi32, #tpu.memory_space<hbm>> -> memref<1x160x128xi32, #tpu.memory_space<hbm>>
    %dma_start3A_15 = tpu.memref_squeeze %dma_start3A_14 : memref<1x160x128xi32, #tpu.memory_space<hbm>> -> memref<160x128xi32, #tpu.memory_space<hbm>>
    tpu.enqueue_dma source(%dma_start3A_15 : memref<160x128xi32, #tpu.memory_space<hbm>>) target(%arg11 : memref<160x128xi32, #tpu.memory_space<vmem>>) target_semaphore(%arg16 : memref<!tpu.dma_semaphore, #tpu.memory_space<semaphore_mem>>)
    %dma_start3A_16 = arith.constant 0 : i32
    %dma_start3A_17 = tpu.memref_slice %arg13[%multiple_of3A, %dma_start3A_16] : memref<10240x64xbf16, #tpu.memory_space<vmem_shared>> -> memref<640x64xbf16, #tpu.memory_space<vmem_shared>>
    tpu.enqueue_dma source(%arg6 : memref<640x64xbf16, #tpu.memory_space<hbm>>) target(%dma_start3A_17 : memref<640x64xbf16, #tpu.memory_space<vmem_shared>>) target_semaphore(%arg17 : memref<!tpu.dma_semaphore, #tpu.memory_space<semaphore_mem>>)
    %eq3A = arith.constant 0 : i32
    %eq3A_18 = arith.cmpi eq, %arg0, %eq3A : i32
    %convert_element_type3A = arith.extui %eq3A_18 : i1 to i32
    %cond3A = arith.constant 0 : i32
    %cond3A_19 = arith.cmpi ne, %convert_element_type3A, %cond3A : i32
    scf.if %cond3A_19 {
      %dma_start3A_237 = arith.constant 0 : i32
      %dma_start3A_238 = tpu.memref_slice %arg14[%multiple_of3A, %dma_start3A_237] : memref<10240x64xbf16, #tpu.memory_space<vmem_shared>> -> memref<640x64xbf16, #tpu.memory_space<vmem_shared>>
      %dma_start3A_239 = arith.constant 0 : i32
      %dma_start3A_240 = tpu.memref_slice %arg2[%multiple_of3A, %dma_start3A_239] : memref<10240x64xbf16, #tpu.memory_space<hbm>> -> memref<640x64xbf16, #tpu.memory_space<hbm>>
      tpu.enqueue_dma source(%dma_start3A_240 : memref<640x64xbf16, #tpu.memory_space<hbm>>) target(%dma_start3A_238 : memref<640x64xbf16, #tpu.memory_space<vmem_shared>>) target_semaphore(%arg18 : memref<!tpu.dma_semaphore, #tpu.memory_space<semaphore_mem>>)
    } else {
    }
    %eq3A_20 = arith.constant 1 : i32
    %eq3A_21 = arith.cmpi eq, %arg0, %eq3A_20 : i32
    %convert_element_type3A_22 = arith.extui %eq3A_21 : i1 to i32
    %cond3A_23 = arith.constant 0 : i32
    %cond3A_24 = arith.cmpi ne, %convert_element_type3A_22, %cond3A_23 : i32
    scf.if %cond3A_24 {
      %dma_start3A_237 = arith.constant 0 : i32
      %dma_start3A_238 = tpu.memref_slice %arg14[%multiple_of3A, %dma_start3A_237] : memref<10240x64xbf16, #tpu.memory_space<vmem_shared>> -> memref<640x64xbf16, #tpu.memory_space<vmem_shared>>
      %dma_start3A_239 = arith.constant 0 : i32
      %dma_start3A_240 = tpu.memref_slice %arg3[%multiple_of3A, %dma_start3A_239] : memref<10240x64xbf16, #tpu.memory_space<hbm>> -> memref<640x64xbf16, #tpu.memory_space<hbm>>
      tpu.enqueue_dma source(%dma_start3A_240 : memref<640x64xbf16, #tpu.memory_space<hbm>>) target(%dma_start3A_238 : memref<640x64xbf16, #tpu.memory_space<vmem_shared>>) target_semaphore(%arg18 : memref<!tpu.dma_semaphore, #tpu.memory_space<semaphore_mem>>)
    } else {
    }
    %broadcast_in_dim3A = arith.constant 1.000000e+00 : f32
    %broadcast_in_dim3A_25 = vector.broadcast %broadcast_in_dim3A : f32 to vector<16xf32>
    %swap3A = arith.constant 0 : index
    %swap3A_26 = tpu.vector_load %arg31[%swap3A] {strides = array<i32>} : memref<128xf32, #tpu.memory_space<vmem>>, vector<16xf32>,
    %swap3A_27 = vector.shape_cast %swap3A_26 : vector<16xf32> to vector<16xf32>
    %swap3A_28 = vector.shape_cast %broadcast_in_dim3A_25 : vector<16xf32> to vector<16xf32>
    tpu.vector_store %arg31[%swap3A], %swap3A_28 {strides = array<i32>} : memref<128xf32, #tpu.memory_space<vmem>>, vector<16xf32>,
    %broadcast_in_dim3A_29 = arith.constant 1.000000e+00 : f32
    %broadcast_in_dim3A_30 = vector.broadcast %broadcast_in_dim3A_29 : f32 to vector<16xf32>
    %swap3A_31 = arith.constant 16 : index
    %swap3A_32 = tpu.vector_load %arg31[%swap3A_31] {strides = array<i32>} : memref<128xf32, #tpu.memory_space<vmem>>, vector<16xf32>,
    %swap3A_33 = vector.shape_cast %swap3A_32 : vector<16xf32> to vector<16xf32>
    %swap3A_34 = vector.shape_cast %broadcast_in_dim3A_30 : vector<16xf32> to vector<16xf32>
    tpu.vector_store %arg31[%swap3A_31], %swap3A_34 {strides = array<i32>} : memref<128xf32, #tpu.memory_space<vmem>>, vector<16xf32>,
    %broadcast_in_dim3A_35 = arith.constant 1.000000e+00 : f32
    %broadcast_in_dim3A_36 = vector.broadcast %broadcast_in_dim3A_35 : f32 to vector<16xf32>
    %swap3A_37 = arith.constant 32 : index
    %swap3A_38 = tpu.vector_load %arg31[%swap3A_37] {strides = array<i32>} : memref<128xf32, #tpu.memory_space<vmem>>, vector<16xf32>,
    %swap3A_39 = vector.shape_cast %swap3A_38 : vector<16xf32> to vector<16xf32>
    %swap3A_40 = vector.shape_cast %broadcast_in_dim3A_36 : vector<16xf32> to vector<16xf32>
    tpu.vector_store %arg31[%swap3A_37], %swap3A_40 {strides = array<i32>} : memref<128xf32, #tpu.memory_space<vmem>>, vector<16xf32>,
    %broadcast_in_dim3A_41 = arith.constant 1.000000e+00 : f32
    %broadcast_in_dim3A_42 = vector.broadcast %broadcast_in_dim3A_41 : f32 to vector<16xf32>
    %swap3A_43 = arith.constant 48 : index
    %swap3A_44 = tpu.vector_load %arg31[%swap3A_43] {strides = array<i32>} : memref<128xf32, #tpu.memory_space<vmem>>, vector<16xf32>,
    %swap3A_45 = vector.shape_cast %swap3A_44 : vector<16xf32> to vector<16xf32>
    %swap3A_46 = vector.shape_cast %broadcast_in_dim3A_42 : vector<16xf32> to vector<16xf32>
    tpu.vector_store %arg31[%swap3A_43], %swap3A_46 {strides = array<i32>} : memref<128xf32, #tpu.memory_space<vmem>>, vector<16xf32>,
    %broadcast_in_dim3A_47 = arith.constant 1.000000e+00 : f32
    %broadcast_in_dim3A_48 = vector.broadcast %broadcast_in_dim3A_47 : f32 to vector<16xf32>
    %swap3A_49 = arith.constant 64 : index
    %swap3A_50 = tpu.vector_load %arg31[%swap3A_49] {strides = array<i32>} : memref<128xf32, #tpu.memory_space<vmem>>, vector<16xf32>,
    %swap3A_51 = vector.shape_cast %swap3A_50 : vector<16xf32> to vector<16xf32>
    %swap3A_52 = vector.shape_cast %broadcast_in_dim3A_48 : vector<16xf32> to vector<16xf32>
    tpu.vector_store %arg31[%swap3A_49], %swap3A_52 {strides = array<i32>} : memref<128xf32, #tpu.memory_space<vmem>>, vector<16xf32>,
    %broadcast_in_dim3A_53 = arith.constant 1.000000e+00 : f32
    %broadcast_in_dim3A_54 = vector.broadcast %broadcast_in_dim3A_53 : f32 to vector<16xf32>
    %swap3A_55 = arith.constant 80 : index
    %swap3A_56 = tpu.vector_load %arg31[%swap3A_55] {strides = array<i32>} : memref<128xf32, #tpu.memory_space<vmem>>, vector<16xf32>,
    %swap3A_57 = vector.shape_cast %swap3A_56 : vector<16xf32> to vector<16xf32>
    %swap3A_58 = vector.shape_cast %broadcast_in_dim3A_54 : vector<16xf32> to vector<16xf32>
    tpu.vector_store %arg31[%swap3A_55], %swap3A_58 {strides = array<i32>} : memref<128xf32, #tpu.memory_space<vmem>>, vector<16xf32>,
    %broadcast_in_dim3A_59 = arith.constant 1.000000e+00 : f32
    %broadcast_in_dim3A_60 = vector.broadcast %broadcast_in_dim3A_59 : f32 to vector<16xf32>
    %swap3A_61 = arith.constant 96 : index
    %swap3A_62 = tpu.vector_load %arg31[%swap3A_61] {strides = array<i32>} : memref<128xf32, #tpu.memory_space<vmem>>, vector<16xf32>,
    %swap3A_63 = vector.shape_cast %swap3A_62 : vector<16xf32> to vector<16xf32>
    %swap3A_64 = vector.shape_cast %broadcast_in_dim3A_60 : vector<16xf32> to vector<16xf32>
    tpu.vector_store %arg31[%swap3A_61], %swap3A_64 {strides = array<i32>} : memref<128xf32, #tpu.memory_space<vmem>>, vector<16xf32>,
    %broadcast_in_dim3A_65 = arith.constant 1.000000e+00 : f32
    %broadcast_in_dim3A_66 = vector.broadcast %broadcast_in_dim3A_65 : f32 to vector<16xf32>
    %swap3A_67 = arith.constant 112 : index
    %swap3A_68 = tpu.vector_load %arg31[%swap3A_67] {strides = array<i32>} : memref<128xf32, #tpu.memory_space<vmem>>, vector<16xf32>,
    %swap3A_69 = vector.shape_cast %swap3A_68 : vector<16xf32> to vector<16xf32>
    %swap3A_70 = vector.shape_cast %broadcast_in_dim3A_66 : vector<16xf32> to vector<16xf32>
    tpu.vector_store %arg31[%swap3A_67], %swap3A_70 {strides = array<i32>} : memref<128xf32, #tpu.memory_space<vmem>>, vector<16xf32>,
    "tpu.region"() ({
      %run_scoped3A = tpu.sem_alloc : memref<!tpu.dma_semaphore, #tpu.memory_space<semaphore_mem>>
      %dma_start3A_237 = tpu.memref_slice %arg32[%multiple_of3A] : memref<10240xf32, #tpu.memory_space<vmem_shared>> -> memref<640xf32, #tpu.memory_space<vmem_shared>>
      tpu.enqueue_dma source(%arg7 : memref<640xf32, #tpu.memory_space<hbm>>) target(%dma_start3A_237 : memref<640xf32, #tpu.memory_space<vmem_shared>>) target_semaphore(%run_scoped3A : memref<!tpu.dma_semaphore, #tpu.memory_space<semaphore_mem>>)
      %dma_wait3A_238 = tpu.memref_slice %arg32[%multiple_of3A] : memref<10240xf32, #tpu.memory_space<vmem_shared>> -> memref<640xf32, #tpu.memory_space<vmem_shared>>
      tpu.wait_dma2 semaphore(%run_scoped3A : memref<!tpu.dma_semaphore, #tpu.memory_space<semaphore_mem>>) src(%arg7 : memref<640xf32, #tpu.memory_space<hbm>>) dst(%dma_wait3A_238 : memref<640xf32, #tpu.memory_space<vmem_shared>>)
      tpu.yield
    }) : () -> ()
    %dma_wait3A = arith.constant 0 : i32
    %dma_wait3A_71 = arith.constant 0 : i32
    %dma_wait3A_72 = tpu.memref_slice %arg4[%arg1, %dma_wait3A, %dma_wait3A_71] : memref<16x160x128xi32, #tpu.memory_space<hbm>> -> memref<1x160x128xi32, #tpu.memory_space<hbm>>
    %dma_wait3A_73 = tpu.memref_squeeze %dma_wait3A_72 : memref<1x160x128xi32, #tpu.memory_space<hbm>> -> memref<160x128xi32, #tpu.memory_space<hbm>>
    %dma_wait3A_74 = arith.constant 0 : i32
    %dma_wait3A_75 = arith.constant 0 : i32
    %dma_wait3A_76 = tpu.memref_slice %arg4[%arg1, %dma_wait3A_74, %dma_wait3A_75] : memref<16x160x128xi32, #tpu.memory_space<hbm>> -> memref<1x160x128xi32, #tpu.memory_space<hbm>>
    %dma_wait3A_77 = tpu.memref_squeeze %dma_wait3A_76 : memref<1x160x128xi32, #tpu.memory_space<hbm>> -> memref<160x128xi32, #tpu.memory_space<hbm>>
    tpu.wait_dma2 semaphore(%arg15 : memref<!tpu.dma_semaphore, #tpu.memory_space<semaphore_mem>>) src(%dma_wait3A_77 : memref<160x128xi32, #tpu.memory_space<hbm>>) dst(%arg10 : memref<160x128xi32, #tpu.memory_space<vmem>>)
    %dma_wait3A_78 = arith.constant 0 : i32
    %dma_wait3A_79 = arith.constant 0 : i32
    %dma_wait3A_80 = tpu.memref_slice %arg5[%arg1, %dma_wait3A_78, %dma_wait3A_79] : memref<16x160x128xi32, #tpu.memory_space<hbm>> -> memref<1x160x128xi32, #tpu.memory_space<hbm>>
    %dma_wait3A_81 = tpu.memref_squeeze %dma_wait3A_80 : memref<1x160x128xi32, #tpu.memory_space<hbm>> -> memref<160x128xi32, #tpu.memory_space<hbm>>
    %dma_wait3A_82 = arith.constant 0 : i32
    %dma_wait3A_83 = arith.constant 0 : i32
    %dma_wait3A_84 = tpu.memref_slice %arg5[%arg1, %dma_wait3A_82, %dma_wait3A_83] : memref<16x160x128xi32, #tpu.memory_space<hbm>> -> memref<1x160x128xi32, #tpu.memory_space<hbm>>
    %dma_wait3A_85 = tpu.memref_squeeze %dma_wait3A_84 : memref<1x160x128xi32, #tpu.memory_space<hbm>> -> memref<160x128xi32, #tpu.memory_space<hbm>>
    tpu.wait_dma2 semaphore(%arg16 : memref<!tpu.dma_semaphore, #tpu.memory_space<semaphore_mem>>) src(%dma_wait3A_85 : memref<160x128xi32, #tpu.memory_space<hbm>>) dst(%arg11 : memref<160x128xi32, #tpu.memory_space<vmem>>)
    %dma_wait3A_86 = arith.constant 0 : i32
    %dma_wait3A_87 = tpu.memref_slice %arg13[%multiple_of3A, %dma_wait3A_86] : memref<10240x64xbf16, #tpu.memory_space<vmem_shared>> -> memref<640x64xbf16, #tpu.memory_space<vmem_shared>>
    tpu.wait_dma2 semaphore(%arg17 : memref<!tpu.dma_semaphore, #tpu.memory_space<semaphore_mem>>) src(%arg6 : memref<640x64xbf16, #tpu.memory_space<hbm>>) dst(%dma_wait3A_87 : memref<640x64xbf16, #tpu.memory_space<vmem_shared>>)
    %dma_wait3A_88 = arith.constant 0 : i32
    %dma_wait3A_89 = tpu.memref_slice %arg14[%multiple_of3A, %dma_wait3A_88] : memref<10240x64xbf16, #tpu.memory_space<vmem_shared>> -> memref<640x64xbf16, #tpu.memory_space<vmem_shared>>
    %dma_wait3A_90 = arith.constant 0 : i32
    %dma_wait3A_91 = tpu.memref_slice %arg2[%multiple_of3A, %dma_wait3A_90] : memref<10240x64xbf16, #tpu.memory_space<hbm>> -> memref<640x64xbf16, #tpu.memory_space<hbm>>
    tpu.wait_dma2 semaphore(%arg18 : memref<!tpu.dma_semaphore, #tpu.memory_space<semaphore_mem>>) src(%dma_wait3A_91 : memref<640x64xbf16, #tpu.memory_space<hbm>>) dst(%dma_wait3A_89 : memref<640x64xbf16, #tpu.memory_space<vmem_shared>>)
    %barrier3A = arith.constant 0 : index
    tpu.barrier barrier_id(%barrier3A)
    %dma_start3A_92 = arith.constant 0 : i32
    %dma_start3A_93 = arith.constant 0 : i32
    %dma_start3A_94 = arith.constant 0 : i32
    %dma_start3A_95 = tpu.memref_slice %arg12[%dma_start3A_93, %dma_start3A_94] : memref<1024x64xbf16, #tpu.memory_space<vmem>> -> memref<128x64xbf16, #tpu.memory_space<vmem>>
    %dma_start3A_96 = arith.constant 0 : i32
    %dma_start3A_97 = tpu.memref_slice %arg10[%dma_start3A_92, %dma_start3A_96] : memref<160x128xi32, #tpu.memory_space<vmem>> -> memref<1x128xi32, #tpu.memory_space<vmem>>
    %dma_start3A_98 = tpu.memref_squeeze %dma_start3A_97 : memref<1x128xi32, #tpu.memory_space<vmem>> -> memref<128xi32, #tpu.memory_space<vmem>>
    %dma_start3A_99 = arith.constant 0 : i32
    %dma_start3A_100 = arith.constant 0 : i32
    %dma_start3A_101 = tpu.memref_slice %arg14[%dma_start3A_99, %dma_start3A_100] : memref<10240x64xbf16, #tpu.memory_space<vmem_shared>> -> memref<10240x64xbf16, #tpu.memory_space<vmem_shared>>
    tpu.enqueue_indirect_dma source(%dma_start3A_101 : memref<10240x64xbf16, #tpu.memory_space<vmem_shared>>) target(%dma_start3A_95 : memref<128x64xbf16, #tpu.memory_space<vmem>>) offsets(%dma_start3A_98 : memref<128xi32, #tpu.memory_space<vmem>>) semaphore(%arg15 : memref<!tpu.dma_semaphore, #tpu.memory_space<semaphore_mem>>)
    %dma_start3A_102 = arith.constant 1 : i32
    %dma_start3A_103 = arith.constant 128 : i32
    %dma_start3A_104 = arith.constant 0 : i32
    %dma_start3A_105 = tpu.memref_slice %arg12[%dma_start3A_103, %dma_start3A_104] : memref<1024x64xbf16, #tpu.memory_space<vmem>> -> memref<128x64xbf16, #tpu.memory_space<vmem>>
    %dma_start3A_106 = arith.constant 0 : i32
    %dma_start3A_107 = tpu.memref_slice %arg10[%dma_start3A_102, %dma_start3A_106] : memref<160x128xi32, #tpu.memory_space<vmem>> -> memref<1x128xi32, #tpu.memory_space<vmem>>
    %dma_start3A_108 = tpu.memref_squeeze %dma_start3A_107 : memref<1x128xi32, #tpu.memory_space<vmem>> -> memref<128xi32, #tpu.memory_space<vmem>>
    %dma_start3A_109 = arith.constant 0 : i32
    %dma_start3A_110 = arith.constant 0 : i32
    %dma_start3A_111 = tpu.memref_slice %arg14[%dma_start3A_109, %dma_start3A_110] : memref<10240x64xbf16, #tpu.memory_space<vmem_shared>> -> memref<10240x64xbf16, #tpu.memory_space<vmem_shared>>
    tpu.enqueue_indirect_dma source(%dma_start3A_111 : memref<10240x64xbf16, #tpu.memory_space<vmem_shared>>) target(%dma_start3A_105 : memref<128x64xbf16, #tpu.memory_space<vmem>>) offsets(%dma_start3A_108 : memref<128xi32, #tpu.memory_space<vmem>>) semaphore(%arg16 : memref<!tpu.dma_semaphore, #tpu.memory_space<semaphore_mem>>)
    %dma_start3A_112 = arith.constant 2 : i32
    %dma_start3A_113 = arith.constant 256 : i32
    %dma_start3A_114 = arith.constant 0 : i32
    %dma_start3A_115 = tpu.memref_slice %arg12[%dma_start3A_113, %dma_start3A_114] : memref<1024x64xbf16, #tpu.memory_space<vmem>> -> memref<128x64xbf16, #tpu.memory_space<vmem>>
    %dma_start3A_116 = arith.constant 0 : i32
    %dma_start3A_117 = tpu.memref_slice %arg10[%dma_start3A_112, %dma_start3A_116] : memref<160x128xi32, #tpu.memory_space<vmem>> -> memref<1x128xi32, #tpu.memory_space<vmem>>
    %dma_start3A_118 = tpu.memref_squeeze %dma_start3A_117 : memref<1x128xi32, #tpu.memory_space<vmem>> -> memref<128xi32, #tpu.memory_space<vmem>>
    %dma_start3A_119 = arith.constant 0 : i32
    %dma_start3A_120 = arith.constant 0 : i32
    %dma_start3A_121 = tpu.memref_slice %arg14[%dma_start3A_119, %dma_start3A_120] : memref<10240x64xbf16, #tpu.memory_space<vmem_shared>> -> memref<10240x64xbf16, #tpu.memory_space<vmem_shared>>
    tpu.enqueue_indirect_dma source(%dma_start3A_121 : memref<10240x64xbf16, #tpu.memory_space<vmem_shared>>) target(%dma_start3A_115 : memref<128x64xbf16, #tpu.memory_space<vmem>>) offsets(%dma_start3A_118 : memref<128xi32, #tpu.memory_space<vmem>>) semaphore(%arg17 : memref<!tpu.dma_semaphore, #tpu.memory_space<semaphore_mem>>)
    %dma_start3A_122 = arith.constant 3 : i32
    %dma_start3A_123 = arith.constant 384 : i32
    %dma_start3A_124 = arith.constant 0 : i32
    %dma_start3A_125 = tpu.memref_slice %arg12[%dma_start3A_123, %dma_start3A_124] : memref<1024x64xbf16, #tpu.memory_space<vmem>> -> memref<128x64xbf16, #tpu.memory_space<vmem>>
    %dma_start3A_126 = arith.constant 0 : i32
    %dma_start3A_127 = tpu.memref_slice %arg10[%dma_start3A_122, %dma_start3A_126] : memref<160x128xi32, #tpu.memory_space<vmem>> -> memref<1x128xi32, #tpu.memory_space<vmem>>
    %dma_start3A_128 = tpu.memref_squeeze %dma_start3A_127 : memref<1x128xi32, #tpu.memory_space<vmem>> -> memref<128xi32, #tpu.memory_space<vmem>>
    %dma_start3A_129 = arith.constant 0 : i32
    %dma_start3A_130 = arith.constant 0 : i32
    %dma_start3A_131 = tpu.memref_slice %arg14[%dma_start3A_129, %dma_start3A_130] : memref<10240x64xbf16, #tpu.memory_space<vmem_shared>> -> memref<10240x64xbf16, #tpu.memory_space<vmem_shared>>
    tpu.enqueue_indirect_dma source(%dma_start3A_131 : memref<10240x64xbf16, #tpu.memory_space<vmem_shared>>) target(%dma_start3A_125 : memref<128x64xbf16, #tpu.memory_space<vmem>>) offsets(%dma_start3A_128 : memref<128xi32, #tpu.memory_space<vmem>>) semaphore(%arg18 : memref<!tpu.dma_semaphore, #tpu.memory_space<semaphore_mem>>)
    %dma_start3A_132 = arith.constant 4 : i32
    %dma_start3A_133 = arith.constant 512 : i32
    %dma_start3A_134 = arith.constant 0 : i32
    %dma_start3A_135 = tpu.memref_slice %arg12[%dma_start3A_133, %dma_start3A_134] : memref<1024x64xbf16, #tpu.memory_space<vmem>> -> memref<128x64xbf16, #tpu.memory_space<vmem>>
    %dma_start3A_136 = arith.constant 0 : i32
    %dma_start3A_137 = tpu.memref_slice %arg10[%dma_start3A_132, %dma_start3A_136] : memref<160x128xi32, #tpu.memory_space<vmem>> -> memref<1x128xi32, #tpu.memory_space<vmem>>
    %dma_start3A_138 = tpu.memref_squeeze %dma_start3A_137 : memref<1x128xi32, #tpu.memory_space<vmem>> -> memref<128xi32, #tpu.memory_space<vmem>>
    %dma_start3A_139 = arith.constant 0 : i32
    %dma_start3A_140 = arith.constant 0 : i32
    %dma_start3A_141 = tpu.memref_slice %arg14[%dma_start3A_139, %dma_start3A_140] : memref<10240x64xbf16, #tpu.memory_space<vmem_shared>> -> memref<10240x64xbf16, #tpu.memory_space<vmem_shared>>
    tpu.enqueue_indirect_dma source(%dma_start3A_141 : memref<10240x64xbf16, #tpu.memory_space<vmem_shared>>) target(%dma_start3A_135 : memref<128x64xbf16, #tpu.memory_space<vmem>>) offsets(%dma_start3A_138 : memref<128xi32, #tpu.memory_space<vmem>>) semaphore(%arg19 : memref<!tpu.dma_semaphore, #tpu.memory_space<semaphore_mem>>)
    %scan3A = arith.constant 0 : i32
    %scan3A_142 = arith.constant 0 : i32
    %scan3A_143 = arith.constant 20 : i32
    %scan3A_144 = arith.addi %scan3A_142, %scan3A_143 : i32
    %scan3A_145 = arith.constant 1 : i32
    scf.for %scan3A_237 = %scan3A_142 to %scan3A_144 step %scan3A_145  : i32 {
      %mul3A_238 = arith.constant 8 : i32
      %mul3A_239 = arith.muli %scan3A_237, %mul3A_238 : i32
      %add3A_240 = arith.constant 0 : i32
      %add3A_241 = arith.addi %mul3A_239, %add3A_240 : i32
      %add3A_242 = arith.constant 5 : i32
      %add3A_243 = arith.addi %add3A_241, %add3A_242 : i32
      %lt3A = arith.constant 160 : i32
      %lt3A_244 = arith.cmpi slt, %add3A_243, %lt3A : i32
      %convert_element_type3A_245 = arith.extui %lt3A_244 : i1 to i32
      %cond3A_246 = arith.constant 0 : i32
      %cond3A_247 = arith.cmpi ne, %convert_element_type3A_245, %cond3A_246 : i32
      scf.if %cond3A_247 {
        %ge3A = arith.constant 3 : i32
        %ge3A_535 = arith.cmpi sge, %add3A_241, %ge3A : i32
        %convert_element_type3A_536 = arith.extui %ge3A_535 : i1 to i32
        %cond3A_537 = arith.constant 0 : i32
        %cond3A_538 = arith.cmpi ne, %convert_element_type3A_536, %cond3A_537 : i32
        scf.if %cond3A_538 {
          %dma_wait3A_550 = arith.constant 0 : i32
          %dma_wait3A_551 = arith.constant 640 : i32
          %dma_wait3A_552 = arith.constant 0 : i32
          %dma_wait3A_553 = tpu.memref_slice %arg12[%dma_wait3A_551, %dma_wait3A_552] : memref<1024x64xbf16, #tpu.memory_space<vmem>> -> memref<128x64xbf16, #tpu.memory_space<vmem>>
          %dma_wait3A_554 = arith.constant 0 : i32
          %dma_wait3A_555 = tpu.memref_slice %arg11[%dma_wait3A_550, %dma_wait3A_554] : memref<160x128xi32, #tpu.memory_space<vmem>> -> memref<1x128xi32, #tpu.memory_space<vmem>>
          %dma_wait3A_556 = tpu.memref_squeeze %dma_wait3A_555 : memref<1x128xi32, #tpu.memory_space<vmem>> -> memref<128xi32, #tpu.memory_space<vmem>>
          %dma_wait3A_557 = arith.constant 0 : i32
          %dma_wait3A_558 = arith.constant 0 : i32
          %dma_wait3A_559 = tpu.memref_slice %arg13[%dma_wait3A_557, %dma_wait3A_558] : memref<10240x64xbf16, #tpu.memory_space<vmem_shared>> -> memref<10240x64xbf16, #tpu.memory_space<vmem_shared>>
          tpu.wait_indirect_dma semaphore(%arg28 : memref<!tpu.dma_semaphore, #tpu.memory_space<semaphore_mem>>) src(%dma_wait3A_553 : memref<128x64xbf16, #tpu.memory_space<vmem>>) dst(%dma_wait3A_559 : memref<10240x64xbf16, #tpu.memory_space<vmem_shared>>)
        } else {
        }
        %add3A_539 = arith.constant 5 : i32
        %add3A_540 = arith.addi %add3A_241, %add3A_539 : i32
        %dma_start3A_541 = arith.constant 640 : i32
        %dma_start3A_542 = arith.constant 0 : i32
        %dma_start3A_543 = tpu.memref_slice %arg12[%dma_start3A_541, %dma_start3A_542] : memref<1024x64xbf16, #tpu.memory_space<vmem>> -> memref<128x64xbf16, #tpu.memory_space<vmem>>
        %dma_start3A_544 = arith.constant 0 : i32
        %dma_start3A_545 = tpu.memref_slice %arg10[%add3A_540, %dma_start3A_544] : memref<160x128xi32, #tpu.memory_space<vmem>> -> memref<1x128xi32, #tpu.memory_space<vmem>>
        %dma_start3A_546 = tpu.memref_squeeze %dma_start3A_545 : memref<1x128xi32, #tpu.memory_space<vmem>> -> memref<128xi32, #tpu.memory_space<vmem>>
        %dma_start3A_547 = arith.constant 0 : i32
        %dma_start3A_548 = arith.constant 0 : i32
        %dma_start3A_549 = tpu.memref_slice %arg14[%dma_start3A_547, %dma_start3A_548] : memref<10240x64xbf16, #tpu.memory_space<vmem_shared>> -> memref<10240x64xbf16, #tpu.memory_space<vmem_shared>>
        tpu.enqueue_indirect_dma source(%dma_start3A_549 : memref<10240x64xbf16, #tpu.memory_space<vmem_shared>>) target(%dma_start3A_543 : memref<128x64xbf16, #tpu.memory_space<vmem>>) offsets(%dma_start3A_546 : memref<128xi32, #tpu.memory_space<vmem>>) semaphore(%arg20 : memref<!tpu.dma_semaphore, #tpu.memory_space<semaphore_mem>>)
      } else {
      }
      %dma_wait3A_248 = arith.constant 0 : i32
      %dma_wait3A_249 = arith.constant 0 : i32
      %dma_wait3A_250 = tpu.memref_slice %arg12[%dma_wait3A_248, %dma_wait3A_249] : memref<1024x64xbf16, #tpu.memory_space<vmem>> -> memref<128x64xbf16, #tpu.memory_space<vmem>>
      %dma_wait3A_251 = arith.constant 0 : i32
      %dma_wait3A_252 = tpu.memref_slice %arg10[%add3A_241, %dma_wait3A_251] : memref<160x128xi32, #tpu.memory_space<vmem>> -> memref<1x128xi32, #tpu.memory_space<vmem>>
      %dma_wait3A_253 = tpu.memref_squeeze %dma_wait3A_252 : memref<1x128xi32, #tpu.memory_space<vmem>> -> memref<128xi32, #tpu.memory_space<vmem>>
      %dma_wait3A_254 = arith.constant 0 : i32
      %dma_wait3A_255 = arith.constant 0 : i32
      %dma_wait3A_256 = tpu.memref_slice %arg14[%dma_wait3A_254, %dma_wait3A_255] : memref<10240x64xbf16, #tpu.memory_space<vmem_shared>> -> memref<10240x64xbf16, #tpu.memory_space<vmem_shared>>
      tpu.wait_indirect_dma semaphore(%arg15 : memref<!tpu.dma_semaphore, #tpu.memory_space<semaphore_mem>>) src(%dma_wait3A_256 : memref<10240x64xbf16, #tpu.memory_space<vmem_shared>>) dst(%dma_wait3A_250 : memref<128x64xbf16, #tpu.memory_space<vmem>>)
      %dma_start3A_257 = arith.constant 0 : i32
      %dma_start3A_258 = arith.constant 0 : i32
      %dma_start3A_259 = tpu.memref_slice %arg12[%dma_start3A_257, %dma_start3A_258] : memref<1024x64xbf16, #tpu.memory_space<vmem>> -> memref<128x64xbf16, #tpu.memory_space<vmem>>
      %dma_start3A_260 = arith.constant 0 : i32
      %dma_start3A_261 = tpu.memref_slice %arg11[%add3A_241, %dma_start3A_260] : memref<160x128xi32, #tpu.memory_space<vmem>> -> memref<1x128xi32, #tpu.memory_space<vmem>>
      %dma_start3A_262 = tpu.memref_squeeze %dma_start3A_261 : memref<1x128xi32, #tpu.memory_space<vmem>> -> memref<128xi32, #tpu.memory_space<vmem>>
      %dma_start3A_263 = arith.constant 0 : i32
      %dma_start3A_264 = arith.constant 0 : i32
      %dma_start3A_265 = tpu.memref_slice %arg13[%dma_start3A_263, %dma_start3A_264] : memref<10240x64xbf16, #tpu.memory_space<vmem_shared>> -> memref<10240x64xbf16, #tpu.memory_space<vmem_shared>>
      tpu.enqueue_indirect_dma source(%dma_start3A_259 : memref<128x64xbf16, #tpu.memory_space<vmem>>) target(%dma_start3A_265 : memref<10240x64xbf16, #tpu.memory_space<vmem_shared>>) offsets(%dma_start3A_262 : memref<128xi32, #tpu.memory_space<vmem>>) semaphore(%arg23 : memref<!tpu.dma_semaphore, #tpu.memory_space<semaphore_mem>>) {add = true}
      %lt3A_266 = arith.constant 80 : i32
      %lt3A_267 = arith.cmpi slt, %add3A_241, %lt3A_266 : i32
      %eq3A_268 = arith.constant 0 : i32
      %eq3A_269 = arith.cmpi eq, %arg0, %eq3A_268 : i32
      %eq3A_270 = arith.xori %lt3A_267, %eq3A_269 : i1
      %eq3A_271 = arith.constant true
      %eq3A_272 = arith.xori %eq3A_270, %eq3A_271 : i1
      %convert_element_type3A_273 = arith.extui %eq3A_272 : i1 to i32
      %cond3A_274 = arith.constant 0 : i32
      %cond3A_275 = arith.cmpi ne, %convert_element_type3A_273, %cond3A_274 : i32
      scf.if %cond3A_275 {
        %dma_start3A_535 = arith.constant 0 : i32
        %dma_start3A_536 = tpu.memref_slice %arg11[%add3A_241, %dma_start3A_535] : memref<160x128xi32, #tpu.memory_space<vmem>> -> memref<1x128xi32, #tpu.memory_space<vmem>>
        %dma_start3A_537 = tpu.memref_squeeze %dma_start3A_536 : memref<1x128xi32, #tpu.memory_space<vmem>> -> memref<128xi32, #tpu.memory_space<vmem>>
        %dma_start3A_538 = arith.constant 0 : i32
        %dma_start3A_539 = tpu.memref_slice %arg32[%dma_start3A_538] : memref<10240xf32, #tpu.memory_space<vmem_shared>> -> memref<10240xf32, #tpu.memory_space<vmem_shared>>
        tpu.enqueue_indirect_dma source(%arg31 : memref<128xf32, #tpu.memory_space<vmem>>) target(%dma_start3A_539 : memref<10240xf32, #tpu.memory_space<vmem_shared>>) offsets(%dma_start3A_537 : memref<128xi32, #tpu.memory_space<vmem>>) semaphore(%arg33 : memref<!tpu.dma_semaphore, #tpu.memory_space<semaphore_mem>>) {add = true}
      } else {
      }
      %add3A_276 = arith.constant 1 : i32
      %add3A_277 = arith.addi %mul3A_239, %add3A_276 : i32
      %add3A_278 = arith.constant 5 : i32
      %add3A_279 = arith.addi %add3A_277, %add3A_278 : i32
      %lt3A_280 = arith.constant 160 : i32
      %lt3A_281 = arith.cmpi slt, %add3A_279, %lt3A_280 : i32
      %convert_element_type3A_282 = arith.extui %lt3A_281 : i1 to i32
      %cond3A_283 = arith.constant 0 : i32
      %cond3A_284 = arith.cmpi ne, %convert_element_type3A_282, %cond3A_283 : i32
      scf.if %cond3A_284 {
        %ge3A = arith.constant 3 : i32
        %ge3A_535 = arith.cmpi sge, %add3A_277, %ge3A : i32
        %convert_element_type3A_536 = arith.extui %ge3A_535 : i1 to i32
        %cond3A_537 = arith.constant 0 : i32
        %cond3A_538 = arith.cmpi ne, %convert_element_type3A_536, %cond3A_537 : i32
        scf.if %cond3A_538 {
          %dma_wait3A_550 = arith.constant 0 : i32
          %dma_wait3A_551 = arith.constant 768 : i32
          %dma_wait3A_552 = arith.constant 0 : i32
          %dma_wait3A_553 = tpu.memref_slice %arg12[%dma_wait3A_551, %dma_wait3A_552] : memref<1024x64xbf16, #tpu.memory_space<vmem>> -> memref<128x64xbf16, #tpu.memory_space<vmem>>
          %dma_wait3A_554 = arith.constant 0 : i32
          %dma_wait3A_555 = tpu.memref_slice %arg11[%dma_wait3A_550, %dma_wait3A_554] : memref<160x128xi32, #tpu.memory_space<vmem>> -> memref<1x128xi32, #tpu.memory_space<vmem>>
          %dma_wait3A_556 = tpu.memref_squeeze %dma_wait3A_555 : memref<1x128xi32, #tpu.memory_space<vmem>> -> memref<128xi32, #tpu.memory_space<vmem>>
          %dma_wait3A_557 = arith.constant 0 : i32
          %dma_wait3A_558 = arith.constant 0 : i32
          %dma_wait3A_559 = tpu.memref_slice %arg13[%dma_wait3A_557, %dma_wait3A_558] : memref<10240x64xbf16, #tpu.memory_space<vmem_shared>> -> memref<10240x64xbf16, #tpu.memory_space<vmem_shared>>
          tpu.wait_indirect_dma semaphore(%arg29 : memref<!tpu.dma_semaphore, #tpu.memory_space<semaphore_mem>>) src(%dma_wait3A_553 : memref<128x64xbf16, #tpu.memory_space<vmem>>) dst(%dma_wait3A_559 : memref<10240x64xbf16, #tpu.memory_space<vmem_shared>>)
        } else {
        }
        %add3A_539 = arith.constant 5 : i32
        %add3A_540 = arith.addi %add3A_277, %add3A_539 : i32
        %dma_start3A_541 = arith.constant 768 : i32
        %dma_start3A_542 = arith.constant 0 : i32
        %dma_start3A_543 = tpu.memref_slice %arg12[%dma_start3A_541, %dma_start3A_542] : memref<1024x64xbf16, #tpu.memory_space<vmem>> -> memref<128x64xbf16, #tpu.memory_space<vmem>>
        %dma_start3A_544 = arith.constant 0 : i32
        %dma_start3A_545 = tpu.memref_slice %arg10[%add3A_540, %dma_start3A_544] : memref<160x128xi32, #tpu.memory_space<vmem>> -> memref<1x128xi32, #tpu.memory_space<vmem>>
        %dma_start3A_546 = tpu.memref_squeeze %dma_start3A_545 : memref<1x128xi32, #tpu.memory_space<vmem>> -> memref<128xi32, #tpu.memory_space<vmem>>
        %dma_start3A_547 = arith.constant 0 : i32
        %dma_start3A_548 = arith.constant 0 : i32
        %dma_start3A_549 = tpu.memref_slice %arg14[%dma_start3A_547, %dma_start3A_548] : memref<10240x64xbf16, #tpu.memory_space<vmem_shared>> -> memref<10240x64xbf16, #tpu.memory_space<vmem_shared>>
        tpu.enqueue_indirect_dma source(%dma_start3A_549 : memref<10240x64xbf16, #tpu.memory_space<vmem_shared>>) target(%dma_start3A_543 : memref<128x64xbf16, #tpu.memory_space<vmem>>) offsets(%dma_start3A_546 : memref<128xi32, #tpu.memory_space<vmem>>) semaphore(%arg21 : memref<!tpu.dma_semaphore, #tpu.memory_space<semaphore_mem>>)
      } else {
      }
      %dma_wait3A_285 = arith.constant 128 : i32
      %dma_wait3A_286 = arith.constant 0 : i32
      %dma_wait3A_287 = tpu.memref_slice %arg12[%dma_wait3A_285, %dma_wait3A_286] : memref<1024x64xbf16, #tpu.memory_space<vmem>> -> memref<128x64xbf16, #tpu.memory_space<vmem>>
      %dma_wait3A_288 = arith.constant 0 : i32
      %dma_wait3A_289 = tpu.memref_slice %arg10[%add3A_277, %dma_wait3A_288] : memref<160x128xi32, #tpu.memory_space<vmem>> -> memref<1x128xi32, #tpu.memory_space<vmem>>
      %dma_wait3A_290 = tpu.memref_squeeze %dma_wait3A_289 : memref<1x128xi32, #tpu.memory_space<vmem>> -> memref<128xi32, #tpu.memory_space<vmem>>
      %dma_wait3A_291 = arith.constant 0 : i32
      %dma_wait3A_292 = arith.constant 0 : i32
      %dma_wait3A_293 = tpu.memref_slice %arg14[%dma_wait3A_291, %dma_wait3A_292] : memref<10240x64xbf16, #tpu.memory_space<vmem_shared>> -> memref<10240x64xbf16, #tpu.memory_space<vmem_shared>>
      tpu.wait_indirect_dma semaphore(%arg16 : memref<!tpu.dma_semaphore, #tpu.memory_space<semaphore_mem>>) src(%dma_wait3A_293 : memref<10240x64xbf16, #tpu.memory_space<vmem_shared>>) dst(%dma_wait3A_287 : memref<128x64xbf16, #tpu.memory_space<vmem>>)
      %dma_start3A_294 = arith.constant 128 : i32
      %dma_start3A_295 = arith.constant 0 : i32
      %dma_start3A_296 = tpu.memref_slice %arg12[%dma_start3A_294, %dma_start3A_295] : memref<1024x64xbf16, #tpu.memory_space<vmem>> -> memref<128x64xbf16, #tpu.memory_space<vmem>>
      %dma_start3A_297 = arith.constant 0 : i32
      %dma_start3A_298 = tpu.memref_slice %arg11[%add3A_277, %dma_start3A_297] : memref<160x128xi32, #tpu.memory_space<vmem>> -> memref<1x128xi32, #tpu.memory_space<vmem>>
      %dma_start3A_299 = tpu.memref_squeeze %dma_start3A_298 : memref<1x128xi32, #tpu.memory_space<vmem>> -> memref<128xi32, #tpu.memory_space<vmem>>
      %dma_start3A_300 = arith.constant 0 : i32
      %dma_start3A_301 = arith.constant 0 : i32
      %dma_start3A_302 = tpu.memref_slice %arg13[%dma_start3A_300, %dma_start3A_301] : memref<10240x64xbf16, #tpu.memory_space<vmem_shared>> -> memref<10240x64xbf16, #tpu.memory_space<vmem_shared>>
      tpu.enqueue_indirect_dma source(%dma_start3A_296 : memref<128x64xbf16, #tpu.memory_space<vmem>>) target(%dma_start3A_302 : memref<10240x64xbf16, #tpu.memory_space<vmem_shared>>) offsets(%dma_start3A_299 : memref<128xi32, #tpu.memory_space<vmem>>) semaphore(%arg24 : memref<!tpu.dma_semaphore, #tpu.memory_space<semaphore_mem>>) {add = true}
      %lt3A_303 = arith.constant 80 : i32
      %lt3A_304 = arith.cmpi slt, %add3A_277, %lt3A_303 : i32
      %eq3A_305 = arith.constant 0 : i32
      %eq3A_306 = arith.cmpi eq, %arg0, %eq3A_305 : i32
      %eq3A_307 = arith.xori %lt3A_304, %eq3A_306 : i1
      %eq3A_308 = arith.constant true
      %eq3A_309 = arith.xori %eq3A_307, %eq3A_308 : i1
      %convert_element_type3A_310 = arith.extui %eq3A_309 : i1 to i32
      %cond3A_311 = arith.constant 0 : i32
      %cond3A_312 = arith.cmpi ne, %convert_element_type3A_310, %cond3A_311 : i32
      scf.if %cond3A_312 {
        %dma_start3A_535 = arith.constant 0 : i32
        %dma_start3A_536 = tpu.memref_slice %arg11[%add3A_277, %dma_start3A_535] : memref<160x128xi32, #tpu.memory_space<vmem>> -> memref<1x128xi32, #tpu.memory_space<vmem>>
        %dma_start3A_537 = tpu.memref_squeeze %dma_start3A_536 : memref<1x128xi32, #tpu.memory_space<vmem>> -> memref<128xi32, #tpu.memory_space<vmem>>
        %dma_start3A_538 = arith.constant 0 : i32
        %dma_start3A_539 = tpu.memref_slice %arg32[%dma_start3A_538] : memref<10240xf32, #tpu.memory_space<vmem_shared>> -> memref<10240xf32, #tpu.memory_space<vmem_shared>>
        tpu.enqueue_indirect_dma source(%arg31 : memref<128xf32, #tpu.memory_space<vmem>>) target(%dma_start3A_539 : memref<10240xf32, #tpu.memory_space<vmem_shared>>) offsets(%dma_start3A_537 : memref<128xi32, #tpu.memory_space<vmem>>) semaphore(%arg33 : memref<!tpu.dma_semaphore, #tpu.memory_space<semaphore_mem>>) {add = true}
      } else {
      }
      %add3A_313 = arith.constant 2 : i32
      %add3A_314 = arith.addi %mul3A_239, %add3A_313 : i32
      %add3A_315 = arith.constant 5 : i32
      %add3A_316 = arith.addi %add3A_314, %add3A_315 : i32
      %lt3A_317 = arith.constant 160 : i32
      %lt3A_318 = arith.cmpi slt, %add3A_316, %lt3A_317 : i32
      %convert_element_type3A_319 = arith.extui %lt3A_318 : i1 to i32
      %cond3A_320 = arith.constant 0 : i32
      %cond3A_321 = arith.cmpi ne, %convert_element_type3A_319, %cond3A_320 : i32
      scf.if %cond3A_321 {
        %ge3A = arith.constant 3 : i32
        %ge3A_535 = arith.cmpi sge, %add3A_314, %ge3A : i32
        %convert_element_type3A_536 = arith.extui %ge3A_535 : i1 to i32
        %cond3A_537 = arith.constant 0 : i32
        %cond3A_538 = arith.cmpi ne, %convert_element_type3A_536, %cond3A_537 : i32
        scf.if %cond3A_538 {
          %dma_wait3A_550 = arith.constant 0 : i32
          %dma_wait3A_551 = arith.constant 896 : i32
          %dma_wait3A_552 = arith.constant 0 : i32
          %dma_wait3A_553 = tpu.memref_slice %arg12[%dma_wait3A_551, %dma_wait3A_552] : memref<1024x64xbf16, #tpu.memory_space<vmem>> -> memref<128x64xbf16, #tpu.memory_space<vmem>>
          %dma_wait3A_554 = arith.constant 0 : i32
          %dma_wait3A_555 = tpu.memref_slice %arg11[%dma_wait3A_550, %dma_wait3A_554] : memref<160x128xi32, #tpu.memory_space<vmem>> -> memref<1x128xi32, #tpu.memory_space<vmem>>
          %dma_wait3A_556 = tpu.memref_squeeze %dma_wait3A_555 : memref<1x128xi32, #tpu.memory_space<vmem>> -> memref<128xi32, #tpu.memory_space<vmem>>
          %dma_wait3A_557 = arith.constant 0 : i32
          %dma_wait3A_558 = arith.constant 0 : i32
          %dma_wait3A_559 = tpu.memref_slice %arg13[%dma_wait3A_557, %dma_wait3A_558] : memref<10240x64xbf16, #tpu.memory_space<vmem_shared>> -> memref<10240x64xbf16, #tpu.memory_space<vmem_shared>>
          tpu.wait_indirect_dma semaphore(%arg30 : memref<!tpu.dma_semaphore, #tpu.memory_space<semaphore_mem>>) src(%dma_wait3A_553 : memref<128x64xbf16, #tpu.memory_space<vmem>>) dst(%dma_wait3A_559 : memref<10240x64xbf16, #tpu.memory_space<vmem_shared>>)
        } else {
        }
        %add3A_539 = arith.constant 5 : i32
        %add3A_540 = arith.addi %add3A_314, %add3A_539 : i32
        %dma_start3A_541 = arith.constant 896 : i32
        %dma_start3A_542 = arith.constant 0 : i32
        %dma_start3A_543 = tpu.memref_slice %arg12[%dma_start3A_541, %dma_start3A_542] : memref<1024x64xbf16, #tpu.memory_space<vmem>> -> memref<128x64xbf16, #tpu.memory_space<vmem>>
        %dma_start3A_544 = arith.constant 0 : i32
        %dma_start3A_545 = tpu.memref_slice %arg10[%add3A_540, %dma_start3A_544] : memref<160x128xi32, #tpu.memory_space<vmem>> -> memref<1x128xi32, #tpu.memory_space<vmem>>
        %dma_start3A_546 = tpu.memref_squeeze %dma_start3A_545 : memref<1x128xi32, #tpu.memory_space<vmem>> -> memref<128xi32, #tpu.memory_space<vmem>>
        %dma_start3A_547 = arith.constant 0 : i32
        %dma_start3A_548 = arith.constant 0 : i32
        %dma_start3A_549 = tpu.memref_slice %arg14[%dma_start3A_547, %dma_start3A_548] : memref<10240x64xbf16, #tpu.memory_space<vmem_shared>> -> memref<10240x64xbf16, #tpu.memory_space<vmem_shared>>
        tpu.enqueue_indirect_dma source(%dma_start3A_549 : memref<10240x64xbf16, #tpu.memory_space<vmem_shared>>) target(%dma_start3A_543 : memref<128x64xbf16, #tpu.memory_space<vmem>>) offsets(%dma_start3A_546 : memref<128xi32, #tpu.memory_space<vmem>>) semaphore(%arg22 : memref<!tpu.dma_semaphore, #tpu.memory_space<semaphore_mem>>)
      } else {
      }
      %dma_wait3A_322 = arith.constant 256 : i32
      %dma_wait3A_323 = arith.constant 0 : i32
      %dma_wait3A_324 = tpu.memref_slice %arg12[%dma_wait3A_322, %dma_wait3A_323] : memref<1024x64xbf16, #tpu.memory_space<vmem>> -> memref<128x64xbf16, #tpu.memory_space<vmem>>
      %dma_wait3A_325 = arith.constant 0 : i32
      %dma_wait3A_326 = tpu.memref_slice %arg10[%add3A_314, %dma_wait3A_325] : memref<160x128xi32, #tpu.memory_space<vmem>> -> memref<1x128xi32, #tpu.memory_space<vmem>>
      %dma_wait3A_327 = tpu.memref_squeeze %dma_wait3A_326 : memref<1x128xi32, #tpu.memory_space<vmem>> -> memref<128xi32, #tpu.memory_space<vmem>>
      %dma_wait3A_328 = arith.constant 0 : i32
      %dma_wait3A_329 = arith.constant 0 : i32
      %dma_wait3A_330 = tpu.memref_slice %arg14[%dma_wait3A_328, %dma_wait3A_329] : memref<10240x64xbf16, #tpu.memory_space<vmem_shared>> -> memref<10240x64xbf16, #tpu.memory_space<vmem_shared>>
      tpu.wait_indirect_dma semaphore(%arg17 : memref<!tpu.dma_semaphore, #tpu.memory_space<semaphore_mem>>) src(%dma_wait3A_330 : memref<10240x64xbf16, #tpu.memory_space<vmem_shared>>) dst(%dma_wait3A_324 : memref<128x64xbf16, #tpu.memory_space<vmem>>)
      %dma_start3A_331 = arith.constant 256 : i32
      %dma_start3A_332 = arith.constant 0 : i32
      %dma_start3A_333 = tpu.memref_slice %arg12[%dma_start3A_331, %dma_start3A_332] : memref<1024x64xbf16, #tpu.memory_space<vmem>> -> memref<128x64xbf16, #tpu.memory_space<vmem>>
      %dma_start3A_334 = arith.constant 0 : i32
      %dma_start3A_335 = tpu.memref_slice %arg11[%add3A_314, %dma_start3A_334] : memref<160x128xi32, #tpu.memory_space<vmem>> -> memref<1x128xi32, #tpu.memory_space<vmem>>
      %dma_start3A_336 = tpu.memref_squeeze %dma_start3A_335 : memref<1x128xi32, #tpu.memory_space<vmem>> -> memref<128xi32, #tpu.memory_space<vmem>>
      %dma_start3A_337 = arith.constant 0 : i32
      %dma_start3A_338 = arith.constant 0 : i32
      %dma_start3A_339 = tpu.memref_slice %arg13[%dma_start3A_337, %dma_start3A_338] : memref<10240x64xbf16, #tpu.memory_space<vmem_shared>> -> memref<10240x64xbf16, #tpu.memory_space<vmem_shared>>
      tpu.enqueue_indirect_dma source(%dma_start3A_333 : memref<128x64xbf16, #tpu.memory_space<vmem>>) target(%dma_start3A_339 : memref<10240x64xbf16, #tpu.memory_space<vmem_shared>>) offsets(%dma_start3A_336 : memref<128xi32, #tpu.memory_space<vmem>>) semaphore(%arg25 : memref<!tpu.dma_semaphore, #tpu.memory_space<semaphore_mem>>) {add = true}
      %lt3A_340 = arith.constant 80 : i32
      %lt3A_341 = arith.cmpi slt, %add3A_314, %lt3A_340 : i32
      %eq3A_342 = arith.constant 0 : i32
      %eq3A_343 = arith.cmpi eq, %arg0, %eq3A_342 : i32
      %eq3A_344 = arith.xori %lt3A_341, %eq3A_343 : i1
      %eq3A_345 = arith.constant true
      %eq3A_346 = arith.xori %eq3A_344, %eq3A_345 : i1
      %convert_element_type3A_347 = arith.extui %eq3A_346 : i1 to i32
      %cond3A_348 = arith.constant 0 : i32
      %cond3A_349 = arith.cmpi ne, %convert_element_type3A_347, %cond3A_348 : i32
      scf.if %cond3A_349 {
        %dma_start3A_535 = arith.constant 0 : i32
        %dma_start3A_536 = tpu.memref_slice %arg11[%add3A_314, %dma_start3A_535] : memref<160x128xi32, #tpu.memory_space<vmem>> -> memref<1x128xi32, #tpu.memory_space<vmem>>
        %dma_start3A_537 = tpu.memref_squeeze %dma_start3A_536 : memref<1x128xi32, #tpu.memory_space<vmem>> -> memref<128xi32, #tpu.memory_space<vmem>>
        %dma_start3A_538 = arith.constant 0 : i32
        %dma_start3A_539 = tpu.memref_slice %arg32[%dma_start3A_538] : memref<10240xf32, #tpu.memory_space<vmem_shared>> -> memref<10240xf32, #tpu.memory_space<vmem_shared>>
        tpu.enqueue_indirect_dma source(%arg31 : memref<128xf32, #tpu.memory_space<vmem>>) target(%dma_start3A_539 : memref<10240xf32, #tpu.memory_space<vmem_shared>>) offsets(%dma_start3A_537 : memref<128xi32, #tpu.memory_space<vmem>>) semaphore(%arg33 : memref<!tpu.dma_semaphore, #tpu.memory_space<semaphore_mem>>) {add = true}
      } else {
      }
      %add3A_350 = arith.constant 3 : i32
      %add3A_351 = arith.addi %mul3A_239, %add3A_350 : i32
      %add3A_352 = arith.constant 5 : i32
      %add3A_353 = arith.addi %add3A_351, %add3A_352 : i32
      %lt3A_354 = arith.constant 160 : i32
      %lt3A_355 = arith.cmpi slt, %add3A_353, %lt3A_354 : i32
      %convert_element_type3A_356 = arith.extui %lt3A_355 : i1 to i32
      %cond3A_357 = arith.constant 0 : i32
      %cond3A_358 = arith.cmpi ne, %convert_element_type3A_356, %cond3A_357 : i32
      scf.if %cond3A_358 {
        %ge3A = arith.constant 3 : i32
        %ge3A_535 = arith.cmpi sge, %add3A_351, %ge3A : i32
        %convert_element_type3A_536 = arith.extui %ge3A_535 : i1 to i32
        %cond3A_537 = arith.constant 0 : i32
        %cond3A_538 = arith.cmpi ne, %convert_element_type3A_536, %cond3A_537 : i32
        scf.if %cond3A_538 {
          %dma_wait3A_550 = arith.constant 0 : i32
          %dma_wait3A_551 = arith.constant 0 : i32
          %dma_wait3A_552 = arith.constant 0 : i32
          %dma_wait3A_553 = tpu.memref_slice %arg12[%dma_wait3A_551, %dma_wait3A_552] : memref<1024x64xbf16, #tpu.memory_space<vmem>> -> memref<128x64xbf16, #tpu.memory_space<vmem>>
          %dma_wait3A_554 = arith.constant 0 : i32
          %dma_wait3A_555 = tpu.memref_slice %arg11[%dma_wait3A_550, %dma_wait3A_554] : memref<160x128xi32, #tpu.memory_space<vmem>> -> memref<1x128xi32, #tpu.memory_space<vmem>>
          %dma_wait3A_556 = tpu.memref_squeeze %dma_wait3A_555 : memref<1x128xi32, #tpu.memory_space<vmem>> -> memref<128xi32, #tpu.memory_space<vmem>>
          %dma_wait3A_557 = arith.constant 0 : i32
          %dma_wait3A_558 = arith.constant 0 : i32
          %dma_wait3A_559 = tpu.memref_slice %arg13[%dma_wait3A_557, %dma_wait3A_558] : memref<10240x64xbf16, #tpu.memory_space<vmem_shared>> -> memref<10240x64xbf16, #tpu.memory_space<vmem_shared>>
          tpu.wait_indirect_dma semaphore(%arg23 : memref<!tpu.dma_semaphore, #tpu.memory_space<semaphore_mem>>) src(%dma_wait3A_553 : memref<128x64xbf16, #tpu.memory_space<vmem>>) dst(%dma_wait3A_559 : memref<10240x64xbf16, #tpu.memory_space<vmem_shared>>)
        } else {
        }
        %add3A_539 = arith.constant 5 : i32
        %add3A_540 = arith.addi %add3A_351, %add3A_539 : i32
        %dma_start3A_541 = arith.constant 0 : i32
        %dma_start3A_542 = arith.constant 0 : i32
        %dma_start3A_543 = tpu.memref_slice %arg12[%dma_start3A_541, %dma_start3A_542] : memref<1024x64xbf16, #tpu.memory_space<vmem>> -> memref<128x64xbf16, #tpu.memory_space<vmem>>
        %dma_start3A_544 = arith.constant 0 : i32
        %dma_start3A_545 = tpu.memref_slice %arg10[%add3A_540, %dma_start3A_544] : memref<160x128xi32, #tpu.memory_space<vmem>> -> memref<1x128xi32, #tpu.memory_space<vmem>>
        %dma_start3A_546 = tpu.memref_squeeze %dma_start3A_545 : memref<1x128xi32, #tpu.memory_space<vmem>> -> memref<128xi32, #tpu.memory_space<vmem>>
        %dma_start3A_547 = arith.constant 0 : i32
        %dma_start3A_548 = arith.constant 0 : i32
        %dma_start3A_549 = tpu.memref_slice %arg14[%dma_start3A_547, %dma_start3A_548] : memref<10240x64xbf16, #tpu.memory_space<vmem_shared>> -> memref<10240x64xbf16, #tpu.memory_space<vmem_shared>>
        tpu.enqueue_indirect_dma source(%dma_start3A_549 : memref<10240x64xbf16, #tpu.memory_space<vmem_shared>>) target(%dma_start3A_543 : memref<128x64xbf16, #tpu.memory_space<vmem>>) offsets(%dma_start3A_546 : memref<128xi32, #tpu.memory_space<vmem>>) semaphore(%arg15 : memref<!tpu.dma_semaphore, #tpu.memory_space<semaphore_mem>>)
      } else {
      }
      %dma_wait3A_359 = arith.constant 384 : i32
      %dma_wait3A_360 = arith.constant 0 : i32
      %dma_wait3A_361 = tpu.memref_slice %arg12[%dma_wait3A_359, %dma_wait3A_360] : memref<1024x64xbf16, #tpu.memory_space<vmem>> -> memref<128x64xbf16, #tpu.memory_space<vmem>>
      %dma_wait3A_362 = arith.constant 0 : i32
      %dma_wait3A_363 = tpu.memref_slice %arg10[%add3A_351, %dma_wait3A_362] : memref<160x128xi32, #tpu.memory_space<vmem>> -> memref<1x128xi32, #tpu.memory_space<vmem>>
      %dma_wait3A_364 = tpu.memref_squeeze %dma_wait3A_363 : memref<1x128xi32, #tpu.memory_space<vmem>> -> memref<128xi32, #tpu.memory_space<vmem>>
      %dma_wait3A_365 = arith.constant 0 : i32
      %dma_wait3A_366 = arith.constant 0 : i32
      %dma_wait3A_367 = tpu.memref_slice %arg14[%dma_wait3A_365, %dma_wait3A_366] : memref<10240x64xbf16, #tpu.memory_space<vmem_shared>> -> memref<10240x64xbf16, #tpu.memory_space<vmem_shared>>
      tpu.wait_indirect_dma semaphore(%arg18 : memref<!tpu.dma_semaphore, #tpu.memory_space<semaphore_mem>>) src(%dma_wait3A_367 : memref<10240x64xbf16, #tpu.memory_space<vmem_shared>>) dst(%dma_wait3A_361 : memref<128x64xbf16, #tpu.memory_space<vmem>>)
      %dma_start3A_368 = arith.constant 384 : i32
      %dma_start3A_369 = arith.constant 0 : i32
      %dma_start3A_370 = tpu.memref_slice %arg12[%dma_start3A_368, %dma_start3A_369] : memref<1024x64xbf16, #tpu.memory_space<vmem>> -> memref<128x64xbf16, #tpu.memory_space<vmem>>
      %dma_start3A_371 = arith.constant 0 : i32
      %dma_start3A_372 = tpu.memref_slice %arg11[%add3A_351, %dma_start3A_371] : memref<160x128xi32, #tpu.memory_space<vmem>> -> memref<1x128xi32, #tpu.memory_space<vmem>>
      %dma_start3A_373 = tpu.memref_squeeze %dma_start3A_372 : memref<1x128xi32, #tpu.memory_space<vmem>> -> memref<128xi32, #tpu.memory_space<vmem>>
      %dma_start3A_374 = arith.constant 0 : i32
      %dma_start3A_375 = arith.constant 0 : i32
      %dma_start3A_376 = tpu.memref_slice %arg13[%dma_start3A_374, %dma_start3A_375] : memref<10240x64xbf16, #tpu.memory_space<vmem_shared>> -> memref<10240x64xbf16, #tpu.memory_space<vmem_shared>>
      tpu.enqueue_indirect_dma source(%dma_start3A_370 : memref<128x64xbf16, #tpu.memory_space<vmem>>) target(%dma_start3A_376 : memref<10240x64xbf16, #tpu.memory_space<vmem_shared>>) offsets(%dma_start3A_373 : memref<128xi32, #tpu.memory_space<vmem>>) semaphore(%arg26 : memref<!tpu.dma_semaphore, #tpu.memory_space<semaphore_mem>>) {add = true}
      %lt3A_377 = arith.constant 80 : i32
      %lt3A_378 = arith.cmpi slt, %add3A_351, %lt3A_377 : i32
      %eq3A_379 = arith.constant 0 : i32
      %eq3A_380 = arith.cmpi eq, %arg0, %eq3A_379 : i32
      %eq3A_381 = arith.xori %lt3A_378, %eq3A_380 : i1
      %eq3A_382 = arith.constant true
      %eq3A_383 = arith.xori %eq3A_381, %eq3A_382 : i1
      %convert_element_type3A_384 = arith.extui %eq3A_383 : i1 to i32
      %cond3A_385 = arith.constant 0 : i32
      %cond3A_386 = arith.cmpi ne, %convert_element_type3A_384, %cond3A_385 : i32
      scf.if %cond3A_386 {
        %dma_start3A_535 = arith.constant 0 : i32
        %dma_start3A_536 = tpu.memref_slice %arg11[%add3A_351, %dma_start3A_535] : memref<160x128xi32, #tpu.memory_space<vmem>> -> memref<1x128xi32, #tpu.memory_space<vmem>>
        %dma_start3A_537 = tpu.memref_squeeze %dma_start3A_536 : memref<1x128xi32, #tpu.memory_space<vmem>> -> memref<128xi32, #tpu.memory_space<vmem>>
        %dma_start3A_538 = arith.constant 0 : i32
        %dma_start3A_539 = tpu.memref_slice %arg32[%dma_start3A_538] : memref<10240xf32, #tpu.memory_space<vmem_shared>> -> memref<10240xf32, #tpu.memory_space<vmem_shared>>
        tpu.enqueue_indirect_dma source(%arg31 : memref<128xf32, #tpu.memory_space<vmem>>) target(%dma_start3A_539 : memref<10240xf32, #tpu.memory_space<vmem_shared>>) offsets(%dma_start3A_537 : memref<128xi32, #tpu.memory_space<vmem>>) semaphore(%arg33 : memref<!tpu.dma_semaphore, #tpu.memory_space<semaphore_mem>>) {add = true}
      } else {
      }
      %add3A_387 = arith.constant 4 : i32
      %add3A_388 = arith.addi %mul3A_239, %add3A_387 : i32
      %add3A_389 = arith.constant 5 : i32
      %add3A_390 = arith.addi %add3A_388, %add3A_389 : i32
      %lt3A_391 = arith.constant 160 : i32
      %lt3A_392 = arith.cmpi slt, %add3A_390, %lt3A_391 : i32
      %convert_element_type3A_393 = arith.extui %lt3A_392 : i1 to i32
      %cond3A_394 = arith.constant 0 : i32
      %cond3A_395 = arith.cmpi ne, %convert_element_type3A_393, %cond3A_394 : i32
      scf.if %cond3A_395 {
        %ge3A = arith.constant 3 : i32
        %ge3A_535 = arith.cmpi sge, %add3A_388, %ge3A : i32
        %convert_element_type3A_536 = arith.extui %ge3A_535 : i1 to i32
        %cond3A_537 = arith.constant 0 : i32
        %cond3A_538 = arith.cmpi ne, %convert_element_type3A_536, %cond3A_537 : i32
        scf.if %cond3A_538 {
          %dma_wait3A_550 = arith.constant 0 : i32
          %dma_wait3A_551 = arith.constant 128 : i32
          %dma_wait3A_552 = arith.constant 0 : i32
          %dma_wait3A_553 = tpu.memref_slice %arg12[%dma_wait3A_551, %dma_wait3A_552] : memref<1024x64xbf16, #tpu.memory_space<vmem>> -> memref<128x64xbf16, #tpu.memory_space<vmem>>
          %dma_wait3A_554 = arith.constant 0 : i32
          %dma_wait3A_555 = tpu.memref_slice %arg11[%dma_wait3A_550, %dma_wait3A_554] : memref<160x128xi32, #tpu.memory_space<vmem>> -> memref<1x128xi32, #tpu.memory_space<vmem>>
          %dma_wait3A_556 = tpu.memref_squeeze %dma_wait3A_555 : memref<1x128xi32, #tpu.memory_space<vmem>> -> memref<128xi32, #tpu.memory_space<vmem>>
          %dma_wait3A_557 = arith.constant 0 : i32
          %dma_wait3A_558 = arith.constant 0 : i32
          %dma_wait3A_559 = tpu.memref_slice %arg13[%dma_wait3A_557, %dma_wait3A_558] : memref<10240x64xbf16, #tpu.memory_space<vmem_shared>> -> memref<10240x64xbf16, #tpu.memory_space<vmem_shared>>
          tpu.wait_indirect_dma semaphore(%arg24 : memref<!tpu.dma_semaphore, #tpu.memory_space<semaphore_mem>>) src(%dma_wait3A_553 : memref<128x64xbf16, #tpu.memory_space<vmem>>) dst(%dma_wait3A_559 : memref<10240x64xbf16, #tpu.memory_space<vmem_shared>>)
        } else {
        }
        %add3A_539 = arith.constant 5 : i32
        %add3A_540 = arith.addi %add3A_388, %add3A_539 : i32
        %dma_start3A_541 = arith.constant 128 : i32
        %dma_start3A_542 = arith.constant 0 : i32
        %dma_start3A_543 = tpu.memref_slice %arg12[%dma_start3A_541, %dma_start3A_542] : memref<1024x64xbf16, #tpu.memory_space<vmem>> -> memref<128x64xbf16, #tpu.memory_space<vmem>>
        %dma_start3A_544 = arith.constant 0 : i32
        %dma_start3A_545 = tpu.memref_slice %arg10[%add3A_540, %dma_start3A_544] : memref<160x128xi32, #tpu.memory_space<vmem>> -> memref<1x128xi32, #tpu.memory_space<vmem>>
        %dma_start3A_546 = tpu.memref_squeeze %dma_start3A_545 : memref<1x128xi32, #tpu.memory_space<vmem>> -> memref<128xi32, #tpu.memory_space<vmem>>
        %dma_start3A_547 = arith.constant 0 : i32
        %dma_start3A_548 = arith.constant 0 : i32
        %dma_start3A_549 = tpu.memref_slice %arg14[%dma_start3A_547, %dma_start3A_548] : memref<10240x64xbf16, #tpu.memory_space<vmem_shared>> -> memref<10240x64xbf16, #tpu.memory_space<vmem_shared>>
        tpu.enqueue_indirect_dma source(%dma_start3A_549 : memref<10240x64xbf16, #tpu.memory_space<vmem_shared>>) target(%dma_start3A_543 : memref<128x64xbf16, #tpu.memory_space<vmem>>) offsets(%dma_start3A_546 : memref<128xi32, #tpu.memory_space<vmem>>) semaphore(%arg16 : memref<!tpu.dma_semaphore, #tpu.memory_space<semaphore_mem>>)
      } else {
      }
      %dma_wait3A_396 = arith.constant 512 : i32
      %dma_wait3A_397 = arith.constant 0 : i32
      %dma_wait3A_398 = tpu.memref_slice %arg12[%dma_wait3A_396, %dma_wait3A_397] : memref<1024x64xbf16, #tpu.memory_space<vmem>> -> memref<128x64xbf16, #tpu.memory_space<vmem>>
      %dma_wait3A_399 = arith.constant 0 : i32
      %dma_wait3A_400 = tpu.memref_slice %arg10[%add3A_388, %dma_wait3A_399] : memref<160x128xi32, #tpu.memory_space<vmem>> -> memref<1x128xi32, #tpu.memory_space<vmem>>
      %dma_wait3A_401 = tpu.memref_squeeze %dma_wait3A_400 : memref<1x128xi32, #tpu.memory_space<vmem>> -> memref<128xi32, #tpu.memory_space<vmem>>
      %dma_wait3A_402 = arith.constant 0 : i32
      %dma_wait3A_403 = arith.constant 0 : i32
      %dma_wait3A_404 = tpu.memref_slice %arg14[%dma_wait3A_402, %dma_wait3A_403] : memref<10240x64xbf16, #tpu.memory_space<vmem_shared>> -> memref<10240x64xbf16, #tpu.memory_space<vmem_shared>>
      tpu.wait_indirect_dma semaphore(%arg19 : memref<!tpu.dma_semaphore, #tpu.memory_space<semaphore_mem>>) src(%dma_wait3A_404 : memref<10240x64xbf16, #tpu.memory_space<vmem_shared>>) dst(%dma_wait3A_398 : memref<128x64xbf16, #tpu.memory_space<vmem>>)
      %dma_start3A_405 = arith.constant 512 : i32
      %dma_start3A_406 = arith.constant 0 : i32
      %dma_start3A_407 = tpu.memref_slice %arg12[%dma_start3A_405, %dma_start3A_406] : memref<1024x64xbf16, #tpu.memory_space<vmem>> -> memref<128x64xbf16, #tpu.memory_space<vmem>>
      %dma_start3A_408 = arith.constant 0 : i32
      %dma_start3A_409 = tpu.memref_slice %arg11[%add3A_388, %dma_start3A_408] : memref<160x128xi32, #tpu.memory_space<vmem>> -> memref<1x128xi32, #tpu.memory_space<vmem>>
      %dma_start3A_410 = tpu.memref_squeeze %dma_start3A_409 : memref<1x128xi32, #tpu.memory_space<vmem>> -> memref<128xi32, #tpu.memory_space<vmem>>
      %dma_start3A_411 = arith.constant 0 : i32
      %dma_start3A_412 = arith.constant 0 : i32
      %dma_start3A_413 = tpu.memref_slice %arg13[%dma_start3A_411, %dma_start3A_412] : memref<10240x64xbf16, #tpu.memory_space<vmem_shared>> -> memref<10240x64xbf16, #tpu.memory_space<vmem_shared>>
      tpu.enqueue_indirect_dma source(%dma_start3A_407 : memref<128x64xbf16, #tpu.memory_space<vmem>>) target(%dma_start3A_413 : memref<10240x64xbf16, #tpu.memory_space<vmem_shared>>) offsets(%dma_start3A_410 : memref<128xi32, #tpu.memory_space<vmem>>) semaphore(%arg27 : memref<!tpu.dma_semaphore, #tpu.memory_space<semaphore_mem>>) {add = true}
      %lt3A_414 = arith.constant 80 : i32
      %lt3A_415 = arith.cmpi slt, %add3A_388, %lt3A_414 : i32
      %eq3A_416 = arith.constant 0 : i32
      %eq3A_417 = arith.cmpi eq, %arg0, %eq3A_416 : i32
      %eq3A_418 = arith.xori %lt3A_415, %eq3A_417 : i1
      %eq3A_419 = arith.constant true
      %eq3A_420 = arith.xori %eq3A_418, %eq3A_419 : i1
      %convert_element_type3A_421 = arith.extui %eq3A_420 : i1 to i32
      %cond3A_422 = arith.constant 0 : i32
      %cond3A_423 = arith.cmpi ne, %convert_element_type3A_421, %cond3A_422 : i32
      scf.if %cond3A_423 {
        %dma_start3A_535 = arith.constant 0 : i32
        %dma_start3A_536 = tpu.memref_slice %arg11[%add3A_388, %dma_start3A_535] : memref<160x128xi32, #tpu.memory_space<vmem>> -> memref<1x128xi32, #tpu.memory_space<vmem>>
        %dma_start3A_537 = tpu.memref_squeeze %dma_start3A_536 : memref<1x128xi32, #tpu.memory_space<vmem>> -> memref<128xi32, #tpu.memory_space<vmem>>
        %dma_start3A_538 = arith.constant 0 : i32
        %dma_start3A_539 = tpu.memref_slice %arg32[%dma_start3A_538] : memref<10240xf32, #tpu.memory_space<vmem_shared>> -> memref<10240xf32, #tpu.memory_space<vmem_shared>>
        tpu.enqueue_indirect_dma source(%arg31 : memref<128xf32, #tpu.memory_space<vmem>>) target(%dma_start3A_539 : memref<10240xf32, #tpu.memory_space<vmem_shared>>) offsets(%dma_start3A_537 : memref<128xi32, #tpu.memory_space<vmem>>) semaphore(%arg33 : memref<!tpu.dma_semaphore, #tpu.memory_space<semaphore_mem>>) {add = true}
      } else {
      }
      %add3A_424 = arith.constant 5 : i32
      %add3A_425 = arith.addi %mul3A_239, %add3A_424 : i32
      %add3A_426 = arith.constant 5 : i32
      %add3A_427 = arith.addi %add3A_425, %add3A_426 : i32
      %lt3A_428 = arith.constant 160 : i32
      %lt3A_429 = arith.cmpi slt, %add3A_427, %lt3A_428 : i32
      %convert_element_type3A_430 = arith.extui %lt3A_429 : i1 to i32
      %cond3A_431 = arith.constant 0 : i32
      %cond3A_432 = arith.cmpi ne, %convert_element_type3A_430, %cond3A_431 : i32
      scf.if %cond3A_432 {
        %ge3A = arith.constant 3 : i32
        %ge3A_535 = arith.cmpi sge, %add3A_425, %ge3A : i32
        %convert_element_type3A_536 = arith.extui %ge3A_535 : i1 to i32
        %cond3A_537 = arith.constant 0 : i32
        %cond3A_538 = arith.cmpi ne, %convert_element_type3A_536, %cond3A_537 : i32
        scf.if %cond3A_538 {
          %dma_wait3A_550 = arith.constant 0 : i32
          %dma_wait3A_551 = arith.constant 256 : i32
          %dma_wait3A_552 = arith.constant 0 : i32
          %dma_wait3A_553 = tpu.memref_slice %arg12[%dma_wait3A_551, %dma_wait3A_552] : memref<1024x64xbf16, #tpu.memory_space<vmem>> -> memref<128x64xbf16, #tpu.memory_space<vmem>>
          %dma_wait3A_554 = arith.constant 0 : i32
          %dma_wait3A_555 = tpu.memref_slice %arg11[%dma_wait3A_550, %dma_wait3A_554] : memref<160x128xi32, #tpu.memory_space<vmem>> -> memref<1x128xi32, #tpu.memory_space<vmem>>
          %dma_wait3A_556 = tpu.memref_squeeze %dma_wait3A_555 : memref<1x128xi32, #tpu.memory_space<vmem>> -> memref<128xi32, #tpu.memory_space<vmem>>
          %dma_wait3A_557 = arith.constant 0 : i32
          %dma_wait3A_558 = arith.constant 0 : i32
          %dma_wait3A_559 = tpu.memref_slice %arg13[%dma_wait3A_557, %dma_wait3A_558] : memref<10240x64xbf16, #tpu.memory_space<vmem_shared>> -> memref<10240x64xbf16, #tpu.memory_space<vmem_shared>>
          tpu.wait_indirect_dma semaphore(%arg25 : memref<!tpu.dma_semaphore, #tpu.memory_space<semaphore_mem>>) src(%dma_wait3A_553 : memref<128x64xbf16, #tpu.memory_space<vmem>>) dst(%dma_wait3A_559 : memref<10240x64xbf16, #tpu.memory_space<vmem_shared>>)
        } else {
        }
        %add3A_539 = arith.constant 5 : i32
        %add3A_540 = arith.addi %add3A_425, %add3A_539 : i32
        %dma_start3A_541 = arith.constant 256 : i32
        %dma_start3A_542 = arith.constant 0 : i32
        %dma_start3A_543 = tpu.memref_slice %arg12[%dma_start3A_541, %dma_start3A_542] : memref<1024x64xbf16, #tpu.memory_space<vmem>> -> memref<128x64xbf16, #tpu.memory_space<vmem>>
        %dma_start3A_544 = arith.constant 0 : i32
        %dma_start3A_545 = tpu.memref_slice %arg10[%add3A_540, %dma_start3A_544] : memref<160x128xi32, #tpu.memory_space<vmem>> -> memref<1x128xi32, #tpu.memory_space<vmem>>
        %dma_start3A_546 = tpu.memref_squeeze %dma_start3A_545 : memref<1x128xi32, #tpu.memory_space<vmem>> -> memref<128xi32, #tpu.memory_space<vmem>>
        %dma_start3A_547 = arith.constant 0 : i32
        %dma_start3A_548 = arith.constant 0 : i32
        %dma_start3A_549 = tpu.memref_slice %arg14[%dma_start3A_547, %dma_start3A_548] : memref<10240x64xbf16, #tpu.memory_space<vmem_shared>> -> memref<10240x64xbf16, #tpu.memory_space<vmem_shared>>
        tpu.enqueue_indirect_dma source(%dma_start3A_549 : memref<10240x64xbf16, #tpu.memory_space<vmem_shared>>) target(%dma_start3A_543 : memref<128x64xbf16, #tpu.memory_space<vmem>>) offsets(%dma_start3A_546 : memref<128xi32, #tpu.memory_space<vmem>>) semaphore(%arg17 : memref<!tpu.dma_semaphore, #tpu.memory_space<semaphore_mem>>)
      } else {
      }
      %dma_wait3A_433 = arith.constant 640 : i32
      %dma_wait3A_434 = arith.constant 0 : i32
      %dma_wait3A_435 = tpu.memref_slice %arg12[%dma_wait3A_433, %dma_wait3A_434] : memref<1024x64xbf16, #tpu.memory_space<vmem>> -> memref<128x64xbf16, #tpu.memory_space<vmem>>
      %dma_wait3A_436 = arith.constant 0 : i32
      %dma_wait3A_437 = tpu.memref_slice %arg10[%add3A_425, %dma_wait3A_436] : memref<160x128xi32, #tpu.memory_space<vmem>> -> memref<1x128xi32, #tpu.memory_space<vmem>>
      %dma_wait3A_438 = tpu.memref_squeeze %dma_wait3A_437 : memref<1x128xi32, #tpu.memory_space<vmem>> -> memref<128xi32, #tpu.memory_space<vmem>>
      %dma_wait3A_439 = arith.constant 0 : i32
      %dma_wait3A_440 = arith.constant 0 : i32
      %dma_wait3A_441 = tpu.memref_slice %arg14[%dma_wait3A_439, %dma_wait3A_440] : memref<10240x64xbf16, #tpu.memory_space<vmem_shared>> -> memref<10240x64xbf16, #tpu.memory_space<vmem_shared>>
      tpu.wait_indirect_dma semaphore(%arg20 : memref<!tpu.dma_semaphore, #tpu.memory_space<semaphore_mem>>) src(%dma_wait3A_441 : memref<10240x64xbf16, #tpu.memory_space<vmem_shared>>) dst(%dma_wait3A_435 : memref<128x64xbf16, #tpu.memory_space<vmem>>)
      %dma_start3A_442 = arith.constant 640 : i32
      %dma_start3A_443 = arith.constant 0 : i32
      %dma_start3A_444 = tpu.memref_slice %arg12[%dma_start3A_442, %dma_start3A_443] : memref<1024x64xbf16, #tpu.memory_space<vmem>> -> memref<128x64xbf16, #tpu.memory_space<vmem>>
      %dma_start3A_445 = arith.constant 0 : i32
      %dma_start3A_446 = tpu.memref_slice %arg11[%add3A_425, %dma_start3A_445] : memref<160x128xi32, #tpu.memory_space<vmem>> -> memref<1x128xi32, #tpu.memory_space<vmem>>
      %dma_start3A_447 = tpu.memref_squeeze %dma_start3A_446 : memref<1x128xi32, #tpu.memory_space<vmem>> -> memref<128xi32, #tpu.memory_space<vmem>>
      %dma_start3A_448 = arith.constant 0 : i32
      %dma_start3A_449 = arith.constant 0 : i32
      %dma_start3A_450 = tpu.memref_slice %arg13[%dma_start3A_448, %dma_start3A_449] : memref<10240x64xbf16, #tpu.memory_space<vmem_shared>> -> memref<10240x64xbf16, #tpu.memory_space<vmem_shared>>
      tpu.enqueue_indirect_dma source(%dma_start3A_444 : memref<128x64xbf16, #tpu.memory_space<vmem>>) target(%dma_start3A_450 : memref<10240x64xbf16, #tpu.memory_space<vmem_shared>>) offsets(%dma_start3A_447 : memref<128xi32, #tpu.memory_space<vmem>>) semaphore(%arg28 : memref<!tpu.dma_semaphore, #tpu.memory_space<semaphore_mem>>) {add = true}
      %lt3A_451 = arith.constant 80 : i32
      %lt3A_452 = arith.cmpi slt, %add3A_425, %lt3A_451 : i32
      %eq3A_453 = arith.constant 0 : i32
      %eq3A_454 = arith.cmpi eq, %arg0, %eq3A_453 : i32
      %eq3A_455 = arith.xori %lt3A_452, %eq3A_454 : i1
      %eq3A_456 = arith.constant true
      %eq3A_457 = arith.xori %eq3A_455, %eq3A_456 : i1
      %convert_element_type3A_458 = arith.extui %eq3A_457 : i1 to i32
      %cond3A_459 = arith.constant 0 : i32
      %cond3A_460 = arith.cmpi ne, %convert_element_type3A_458, %cond3A_459 : i32
      scf.if %cond3A_460 {
        %dma_start3A_535 = arith.constant 0 : i32
        %dma_start3A_536 = tpu.memref_slice %arg11[%add3A_425, %dma_start3A_535] : memref<160x128xi32, #tpu.memory_space<vmem>> -> memref<1x128xi32, #tpu.memory_space<vmem>>
        %dma_start3A_537 = tpu.memref_squeeze %dma_start3A_536 : memref<1x128xi32, #tpu.memory_space<vmem>> -> memref<128xi32, #tpu.memory_space<vmem>>
        %dma_start3A_538 = arith.constant 0 : i32
        %dma_start3A_539 = tpu.memref_slice %arg32[%dma_start3A_538] : memref<10240xf32, #tpu.memory_space<vmem_shared>> -> memref<10240xf32, #tpu.memory_space<vmem_shared>>
        tpu.enqueue_indirect_dma source(%arg31 : memref<128xf32, #tpu.memory_space<vmem>>) target(%dma_start3A_539 : memref<10240xf32, #tpu.memory_space<vmem_shared>>) offsets(%dma_start3A_537 : memref<128xi32, #tpu.memory_space<vmem>>) semaphore(%arg33 : memref<!tpu.dma_semaphore, #tpu.memory_space<semaphore_mem>>) {add = true}
      } else {
      }
      %add3A_461 = arith.constant 6 : i32
      %add3A_462 = arith.addi %mul3A_239, %add3A_461 : i32
      %add3A_463 = arith.constant 5 : i32
      %add3A_464 = arith.addi %add3A_462, %add3A_463 : i32
      %lt3A_465 = arith.constant 160 : i32
      %lt3A_466 = arith.cmpi slt, %add3A_464, %lt3A_465 : i32
      %convert_element_type3A_467 = arith.extui %lt3A_466 : i1 to i32
      %cond3A_468 = arith.constant 0 : i32
      %cond3A_469 = arith.cmpi ne, %convert_element_type3A_467, %cond3A_468 : i32
      scf.if %cond3A_469 {
        %ge3A = arith.constant 3 : i32
        %ge3A_535 = arith.cmpi sge, %add3A_462, %ge3A : i32
        %convert_element_type3A_536 = arith.extui %ge3A_535 : i1 to i32
        %cond3A_537 = arith.constant 0 : i32
        %cond3A_538 = arith.cmpi ne, %convert_element_type3A_536, %cond3A_537 : i32
        scf.if %cond3A_538 {
          %dma_wait3A_550 = arith.constant 0 : i32
          %dma_wait3A_551 = arith.constant 384 : i32
          %dma_wait3A_552 = arith.constant 0 : i32
          %dma_wait3A_553 = tpu.memref_slice %arg12[%dma_wait3A_551, %dma_wait3A_552] : memref<1024x64xbf16, #tpu.memory_space<vmem>> -> memref<128x64xbf16, #tpu.memory_space<vmem>>
          %dma_wait3A_554 = arith.constant 0 : i32
          %dma_wait3A_555 = tpu.memref_slice %arg11[%dma_wait3A_550, %dma_wait3A_554] : memref<160x128xi32, #tpu.memory_space<vmem>> -> memref<1x128xi32, #tpu.memory_space<vmem>>
          %dma_wait3A_556 = tpu.memref_squeeze %dma_wait3A_555 : memref<1x128xi32, #tpu.memory_space<vmem>> -> memref<128xi32, #tpu.memory_space<vmem>>
          %dma_wait3A_557 = arith.constant 0 : i32
          %dma_wait3A_558 = arith.constant 0 : i32
          %dma_wait3A_559 = tpu.memref_slice %arg13[%dma_wait3A_557, %dma_wait3A_558] : memref<10240x64xbf16, #tpu.memory_space<vmem_shared>> -> memref<10240x64xbf16, #tpu.memory_space<vmem_shared>>
          tpu.wait_indirect_dma semaphore(%arg26 : memref<!tpu.dma_semaphore, #tpu.memory_space<semaphore_mem>>) src(%dma_wait3A_553 : memref<128x64xbf16, #tpu.memory_space<vmem>>) dst(%dma_wait3A_559 : memref<10240x64xbf16, #tpu.memory_space<vmem_shared>>)
        } else {
        }
        %add3A_539 = arith.constant 5 : i32
        %add3A_540 = arith.addi %add3A_462, %add3A_539 : i32
        %dma_start3A_541 = arith.constant 384 : i32
        %dma_start3A_542 = arith.constant 0 : i32
        %dma_start3A_543 = tpu.memref_slice %arg12[%dma_start3A_541, %dma_start3A_542] : memref<1024x64xbf16, #tpu.memory_space<vmem>> -> memref<128x64xbf16, #tpu.memory_space<vmem>>
        %dma_start3A_544 = arith.constant 0 : i32
        %dma_start3A_545 = tpu.memref_slice %arg10[%add3A_540, %dma_start3A_544] : memref<160x128xi32, #tpu.memory_space<vmem>> -> memref<1x128xi32, #tpu.memory_space<vmem>>
        %dma_start3A_546 = tpu.memref_squeeze %dma_start3A_545 : memref<1x128xi32, #tpu.memory_space<vmem>> -> memref<128xi32, #tpu.memory_space<vmem>>
        %dma_start3A_547 = arith.constant 0 : i32
        %dma_start3A_548 = arith.constant 0 : i32
        %dma_start3A_549 = tpu.memref_slice %arg14[%dma_start3A_547, %dma_start3A_548] : memref<10240x64xbf16, #tpu.memory_space<vmem_shared>> -> memref<10240x64xbf16, #tpu.memory_space<vmem_shared>>
        tpu.enqueue_indirect_dma source(%dma_start3A_549 : memref<10240x64xbf16, #tpu.memory_space<vmem_shared>>) target(%dma_start3A_543 : memref<128x64xbf16, #tpu.memory_space<vmem>>) offsets(%dma_start3A_546 : memref<128xi32, #tpu.memory_space<vmem>>) semaphore(%arg18 : memref<!tpu.dma_semaphore, #tpu.memory_space<semaphore_mem>>)
      } else {
      }
      %dma_wait3A_470 = arith.constant 768 : i32
      %dma_wait3A_471 = arith.constant 0 : i32
      %dma_wait3A_472 = tpu.memref_slice %arg12[%dma_wait3A_470, %dma_wait3A_471] : memref<1024x64xbf16, #tpu.memory_space<vmem>> -> memref<128x64xbf16, #tpu.memory_space<vmem>>
      %dma_wait3A_473 = arith.constant 0 : i32
      %dma_wait3A_474 = tpu.memref_slice %arg10[%add3A_462, %dma_wait3A_473] : memref<160x128xi32, #tpu.memory_space<vmem>> -> memref<1x128xi32, #tpu.memory_space<vmem>>
      %dma_wait3A_475 = tpu.memref_squeeze %dma_wait3A_474 : memref<1x128xi32, #tpu.memory_space<vmem>> -> memref<128xi32, #tpu.memory_space<vmem>>
      %dma_wait3A_476 = arith.constant 0 : i32
      %dma_wait3A_477 = arith.constant 0 : i32
      %dma_wait3A_478 = tpu.memref_slice %arg14[%dma_wait3A_476, %dma_wait3A_477] : memref<10240x64xbf16, #tpu.memory_space<vmem_shared>> -> memref<10240x64xbf16, #tpu.memory_space<vmem_shared>>
      tpu.wait_indirect_dma semaphore(%arg21 : memref<!tpu.dma_semaphore, #tpu.memory_space<semaphore_mem>>) src(%dma_wait3A_478 : memref<10240x64xbf16, #tpu.memory_space<vmem_shared>>) dst(%dma_wait3A_472 : memref<128x64xbf16, #tpu.memory_space<vmem>>)
      %dma_start3A_479 = arith.constant 768 : i32
      %dma_start3A_480 = arith.constant 0 : i32
      %dma_start3A_481 = tpu.memref_slice %arg12[%dma_start3A_479, %dma_start3A_480] : memref<1024x64xbf16, #tpu.memory_space<vmem>> -> memref<128x64xbf16, #tpu.memory_space<vmem>>
      %dma_start3A_482 = arith.constant 0 : i32
      %dma_start3A_483 = tpu.memref_slice %arg11[%add3A_462, %dma_start3A_482] : memref<160x128xi32, #tpu.memory_space<vmem>> -> memref<1x128xi32, #tpu.memory_space<vmem>>
      %dma_start3A_484 = tpu.memref_squeeze %dma_start3A_483 : memref<1x128xi32, #tpu.memory_space<vmem>> -> memref<128xi32, #tpu.memory_space<vmem>>
      %dma_start3A_485 = arith.constant 0 : i32
      %dma_start3A_486 = arith.constant 0 : i32
      %dma_start3A_487 = tpu.memref_slice %arg13[%dma_start3A_485, %dma_start3A_486] : memref<10240x64xbf16, #tpu.memory_space<vmem_shared>> -> memref<10240x64xbf16, #tpu.memory_space<vmem_shared>>
      tpu.enqueue_indirect_dma source(%dma_start3A_481 : memref<128x64xbf16, #tpu.memory_space<vmem>>) target(%dma_start3A_487 : memref<10240x64xbf16, #tpu.memory_space<vmem_shared>>) offsets(%dma_start3A_484 : memref<128xi32, #tpu.memory_space<vmem>>) semaphore(%arg29 : memref<!tpu.dma_semaphore, #tpu.memory_space<semaphore_mem>>) {add = true}
      %lt3A_488 = arith.constant 80 : i32
      %lt3A_489 = arith.cmpi slt, %add3A_462, %lt3A_488 : i32
      %eq3A_490 = arith.constant 0 : i32
      %eq3A_491 = arith.cmpi eq, %arg0, %eq3A_490 : i32
      %eq3A_492 = arith.xori %lt3A_489, %eq3A_491 : i1
      %eq3A_493 = arith.constant true
      %eq3A_494 = arith.xori %eq3A_492, %eq3A_493 : i1
      %convert_element_type3A_495 = arith.extui %eq3A_494 : i1 to i32
      %cond3A_496 = arith.constant 0 : i32
      %cond3A_497 = arith.cmpi ne, %convert_element_type3A_495, %cond3A_496 : i32
      scf.if %cond3A_497 {
        %dma_start3A_535 = arith.constant 0 : i32
        %dma_start3A_536 = tpu.memref_slice %arg11[%add3A_462, %dma_start3A_535] : memref<160x128xi32, #tpu.memory_space<vmem>> -> memref<1x128xi32, #tpu.memory_space<vmem>>
        %dma_start3A_537 = tpu.memref_squeeze %dma_start3A_536 : memref<1x128xi32, #tpu.memory_space<vmem>> -> memref<128xi32, #tpu.memory_space<vmem>>
        %dma_start3A_538 = arith.constant 0 : i32
        %dma_start3A_539 = tpu.memref_slice %arg32[%dma_start3A_538] : memref<10240xf32, #tpu.memory_space<vmem_shared>> -> memref<10240xf32, #tpu.memory_space<vmem_shared>>
        tpu.enqueue_indirect_dma source(%arg31 : memref<128xf32, #tpu.memory_space<vmem>>) target(%dma_start3A_539 : memref<10240xf32, #tpu.memory_space<vmem_shared>>) offsets(%dma_start3A_537 : memref<128xi32, #tpu.memory_space<vmem>>) semaphore(%arg33 : memref<!tpu.dma_semaphore, #tpu.memory_space<semaphore_mem>>) {add = true}
      } else {
      }
      %add3A_498 = arith.constant 7 : i32
      %add3A_499 = arith.addi %mul3A_239, %add3A_498 : i32
      %add3A_500 = arith.constant 5 : i32
      %add3A_501 = arith.addi %add3A_499, %add3A_500 : i32
      %lt3A_502 = arith.constant 160 : i32
      %lt3A_503 = arith.cmpi slt, %add3A_501, %lt3A_502 : i32
      %convert_element_type3A_504 = arith.extui %lt3A_503 : i1 to i32
      %cond3A_505 = arith.constant 0 : i32
      %cond3A_506 = arith.cmpi ne, %convert_element_type3A_504, %cond3A_505 : i32
      scf.if %cond3A_506 {
        %ge3A = arith.constant 3 : i32
        %ge3A_535 = arith.cmpi sge, %add3A_499, %ge3A : i32
        %convert_element_type3A_536 = arith.extui %ge3A_535 : i1 to i32
        %cond3A_537 = arith.constant 0 : i32
        %cond3A_538 = arith.cmpi ne, %convert_element_type3A_536, %cond3A_537 : i32
        scf.if %cond3A_538 {
          %dma_wait3A_550 = arith.constant 0 : i32
          %dma_wait3A_551 = arith.constant 512 : i32
          %dma_wait3A_552 = arith.constant 0 : i32
          %dma_wait3A_553 = tpu.memref_slice %arg12[%dma_wait3A_551, %dma_wait3A_552] : memref<1024x64xbf16, #tpu.memory_space<vmem>> -> memref<128x64xbf16, #tpu.memory_space<vmem>>
          %dma_wait3A_554 = arith.constant 0 : i32
          %dma_wait3A_555 = tpu.memref_slice %arg11[%dma_wait3A_550, %dma_wait3A_554] : memref<160x128xi32, #tpu.memory_space<vmem>> -> memref<1x128xi32, #tpu.memory_space<vmem>>
          %dma_wait3A_556 = tpu.memref_squeeze %dma_wait3A_555 : memref<1x128xi32, #tpu.memory_space<vmem>> -> memref<128xi32, #tpu.memory_space<vmem>>
          %dma_wait3A_557 = arith.constant 0 : i32
          %dma_wait3A_558 = arith.constant 0 : i32
          %dma_wait3A_559 = tpu.memref_slice %arg13[%dma_wait3A_557, %dma_wait3A_558] : memref<10240x64xbf16, #tpu.memory_space<vmem_shared>> -> memref<10240x64xbf16, #tpu.memory_space<vmem_shared>>
          tpu.wait_indirect_dma semaphore(%arg27 : memref<!tpu.dma_semaphore, #tpu.memory_space<semaphore_mem>>) src(%dma_wait3A_553 : memref<128x64xbf16, #tpu.memory_space<vmem>>) dst(%dma_wait3A_559 : memref<10240x64xbf16, #tpu.memory_space<vmem_shared>>)
        } else {
        }
        %add3A_539 = arith.constant 5 : i32
        %add3A_540 = arith.addi %add3A_499, %add3A_539 : i32
        %dma_start3A_541 = arith.constant 512 : i32
        %dma_start3A_542 = arith.constant 0 : i32
        %dma_start3A_543 = tpu.memref_slice %arg12[%dma_start3A_541, %dma_start3A_542] : memref<1024x64xbf16, #tpu.memory_space<vmem>> -> memref<128x64xbf16, #tpu.memory_space<vmem>>
        %dma_start3A_544 = arith.constant 0 : i32
        %dma_start3A_545 = tpu.memref_slice %arg10[%add3A_540, %dma_start3A_544] : memref<160x128xi32, #tpu.memory_space<vmem>> -> memref<1x128xi32, #tpu.memory_space<vmem>>
        %dma_start3A_546 = tpu.memref_squeeze %dma_start3A_545 : memref<1x128xi32, #tpu.memory_space<vmem>> -> memref<128xi32, #tpu.memory_space<vmem>>
        %dma_start3A_547 = arith.constant 0 : i32
        %dma_start3A_548 = arith.constant 0 : i32
        %dma_start3A_549 = tpu.memref_slice %arg14[%dma_start3A_547, %dma_start3A_548] : memref<10240x64xbf16, #tpu.memory_space<vmem_shared>> -> memref<10240x64xbf16, #tpu.memory_space<vmem_shared>>
        tpu.enqueue_indirect_dma source(%dma_start3A_549 : memref<10240x64xbf16, #tpu.memory_space<vmem_shared>>) target(%dma_start3A_543 : memref<128x64xbf16, #tpu.memory_space<vmem>>) offsets(%dma_start3A_546 : memref<128xi32, #tpu.memory_space<vmem>>) semaphore(%arg19 : memref<!tpu.dma_semaphore, #tpu.memory_space<semaphore_mem>>)
      } else {
      }
      %dma_wait3A_507 = arith.constant 896 : i32
      %dma_wait3A_508 = arith.constant 0 : i32
      %dma_wait3A_509 = tpu.memref_slice %arg12[%dma_wait3A_507, %dma_wait3A_508] : memref<1024x64xbf16, #tpu.memory_space<vmem>> -> memref<128x64xbf16, #tpu.memory_space<vmem>>
      %dma_wait3A_510 = arith.constant 0 : i32
      %dma_wait3A_511 = tpu.memref_slice %arg10[%add3A_499, %dma_wait3A_510] : memref<160x128xi32, #tpu.memory_space<vmem>> -> memref<1x128xi32, #tpu.memory_space<vmem>>
      %dma_wait3A_512 = tpu.memref_squeeze %dma_wait3A_511 : memref<1x128xi32, #tpu.memory_space<vmem>> -> memref<128xi32, #tpu.memory_space<vmem>>
      %dma_wait3A_513 = arith.constant 0 : i32
      %dma_wait3A_514 = arith.constant 0 : i32
      %dma_wait3A_515 = tpu.memref_slice %arg14[%dma_wait3A_513, %dma_wait3A_514] : memref<10240x64xbf16, #tpu.memory_space<vmem_shared>> -> memref<10240x64xbf16, #tpu.memory_space<vmem_shared>>
      tpu.wait_indirect_dma semaphore(%arg22 : memref<!tpu.dma_semaphore, #tpu.memory_space<semaphore_mem>>) src(%dma_wait3A_515 : memref<10240x64xbf16, #tpu.memory_space<vmem_shared>>) dst(%dma_wait3A_509 : memref<128x64xbf16, #tpu.memory_space<vmem>>)
      %dma_start3A_516 = arith.constant 896 : i32
      %dma_start3A_517 = arith.constant 0 : i32
      %dma_start3A_518 = tpu.memref_slice %arg12[%dma_start3A_516, %dma_start3A_517] : memref<1024x64xbf16, #tpu.memory_space<vmem>> -> memref<128x64xbf16, #tpu.memory_space<vmem>>
      %dma_start3A_519 = arith.constant 0 : i32
      %dma_start3A_520 = tpu.memref_slice %arg11[%add3A_499, %dma_start3A_519] : memref<160x128xi32, #tpu.memory_space<vmem>> -> memref<1x128xi32, #tpu.memory_space<vmem>>
      %dma_start3A_521 = tpu.memref_squeeze %dma_start3A_520 : memref<1x128xi32, #tpu.memory_space<vmem>> -> memref<128xi32, #tpu.memory_space<vmem>>
      %dma_start3A_522 = arith.constant 0 : i32
      %dma_start3A_523 = arith.constant 0 : i32
      %dma_start3A_524 = tpu.memref_slice %arg13[%dma_start3A_522, %dma_start3A_523] : memref<10240x64xbf16, #tpu.memory_space<vmem_shared>> -> memref<10240x64xbf16, #tpu.memory_space<vmem_shared>>
      tpu.enqueue_indirect_dma source(%dma_start3A_518 : memref<128x64xbf16, #tpu.memory_space<vmem>>) target(%dma_start3A_524 : memref<10240x64xbf16, #tpu.memory_space<vmem_shared>>) offsets(%dma_start3A_521 : memref<128xi32, #tpu.memory_space<vmem>>) semaphore(%arg30 : memref<!tpu.dma_semaphore, #tpu.memory_space<semaphore_mem>>) {add = true}
      %lt3A_525 = arith.constant 80 : i32
      %lt3A_526 = arith.cmpi slt, %add3A_499, %lt3A_525 : i32
      %eq3A_527 = arith.constant 0 : i32
      %eq3A_528 = arith.cmpi eq, %arg0, %eq3A_527 : i32
      %eq3A_529 = arith.xori %lt3A_526, %eq3A_528 : i1
      %eq3A_530 = arith.constant true
      %eq3A_531 = arith.xori %eq3A_529, %eq3A_530 : i1
      %convert_element_type3A_532 = arith.extui %eq3A_531 : i1 to i32
      %cond3A_533 = arith.constant 0 : i32
      %cond3A_534 = arith.cmpi ne, %convert_element_type3A_532, %cond3A_533 : i32
      scf.if %cond3A_534 {
        %dma_start3A_535 = arith.constant 0 : i32
        %dma_start3A_536 = tpu.memref_slice %arg11[%add3A_499, %dma_start3A_535] : memref<160x128xi32, #tpu.memory_space<vmem>> -> memref<1x128xi32, #tpu.memory_space<vmem>>
        %dma_start3A_537 = tpu.memref_squeeze %dma_start3A_536 : memref<1x128xi32, #tpu.memory_space<vmem>> -> memref<128xi32, #tpu.memory_space<vmem>>
        %dma_start3A_538 = arith.constant 0 : i32
        %dma_start3A_539 = tpu.memref_slice %arg32[%dma_start3A_538] : memref<10240xf32, #tpu.memory_space<vmem_shared>> -> memref<10240xf32, #tpu.memory_space<vmem_shared>>
        tpu.enqueue_indirect_dma source(%arg31 : memref<128xf32, #tpu.memory_space<vmem>>) target(%dma_start3A_539 : memref<10240xf32, #tpu.memory_space<vmem_shared>>) offsets(%dma_start3A_537 : memref<128xi32, #tpu.memory_space<vmem>>) semaphore(%arg33 : memref<!tpu.dma_semaphore, #tpu.memory_space<semaphore_mem>>) {add = true}
      } else {
      }
    }
    %scan3A_146 = arith.constant 20 : i32
    %dma_wait3A_147 = arith.constant 0 : i32
    %dma_wait3A_148 = arith.constant 0 : i32
    %dma_wait3A_149 = arith.constant 0 : i32
    %dma_wait3A_150 = tpu.memref_slice %arg12[%dma_wait3A_148, %dma_wait3A_149] : memref<1024x64xbf16, #tpu.memory_space<vmem>> -> memref<128x64xbf16, #tpu.memory_space<vmem>>
    %dma_wait3A_151 = arith.constant 0 : i32
    %dma_wait3A_152 = tpu.memref_slice %arg11[%dma_wait3A_147, %dma_wait3A_151] : memref<160x128xi32, #tpu.memory_space<vmem>> -> memref<1x128xi32, #tpu.memory_space<vmem>>
    %dma_wait3A_153 = tpu.memref_squeeze %dma_wait3A_152 : memref<1x128xi32, #tpu.memory_space<vmem>> -> memref<128xi32, #tpu.memory_space<vmem>>
    %dma_wait3A_154 = arith.constant 0 : i32
    %dma_wait3A_155 = arith.constant 0 : i32
    %dma_wait3A_156 = tpu.memref_slice %arg13[%dma_wait3A_154, %dma_wait3A_155] : memref<10240x64xbf16, #tpu.memory_space<vmem_shared>> -> memref<10240x64xbf16, #tpu.memory_space<vmem_shared>>
    tpu.wait_indirect_dma semaphore(%arg23 : memref<!tpu.dma_semaphore, #tpu.memory_space<semaphore_mem>>) src(%dma_wait3A_150 : memref<128x64xbf16, #tpu.memory_space<vmem>>) dst(%dma_wait3A_156 : memref<10240x64xbf16, #tpu.memory_space<vmem_shared>>)
    %dma_wait3A_157 = arith.constant 0 : i32
    %dma_wait3A_158 = arith.constant 128 : i32
    %dma_wait3A_159 = arith.constant 0 : i32
    %dma_wait3A_160 = tpu.memref_slice %arg12[%dma_wait3A_158, %dma_wait3A_159] : memref<1024x64xbf16, #tpu.memory_space<vmem>> -> memref<128x64xbf16, #tpu.memory_space<vmem>>
    %dma_wait3A_161 = arith.constant 0 : i32
    %dma_wait3A_162 = tpu.memref_slice %arg11[%dma_wait3A_157, %dma_wait3A_161] : memref<160x128xi32, #tpu.memory_space<vmem>> -> memref<1x128xi32, #tpu.memory_space<vmem>>
    %dma_wait3A_163 = tpu.memref_squeeze %dma_wait3A_162 : memref<1x128xi32, #tpu.memory_space<vmem>> -> memref<128xi32, #tpu.memory_space<vmem>>
    %dma_wait3A_164 = arith.constant 0 : i32
    %dma_wait3A_165 = arith.constant 0 : i32
    %dma_wait3A_166 = tpu.memref_slice %arg13[%dma_wait3A_164, %dma_wait3A_165] : memref<10240x64xbf16, #tpu.memory_space<vmem_shared>> -> memref<10240x64xbf16, #tpu.memory_space<vmem_shared>>
    tpu.wait_indirect_dma semaphore(%arg24 : memref<!tpu.dma_semaphore, #tpu.memory_space<semaphore_mem>>) src(%dma_wait3A_160 : memref<128x64xbf16, #tpu.memory_space<vmem>>) dst(%dma_wait3A_166 : memref<10240x64xbf16, #tpu.memory_space<vmem_shared>>)
    %dma_wait3A_167 = arith.constant 0 : i32
    %dma_wait3A_168 = arith.constant 256 : i32
    %dma_wait3A_169 = arith.constant 0 : i32
    %dma_wait3A_170 = tpu.memref_slice %arg12[%dma_wait3A_168, %dma_wait3A_169] : memref<1024x64xbf16, #tpu.memory_space<vmem>> -> memref<128x64xbf16, #tpu.memory_space<vmem>>
    %dma_wait3A_171 = arith.constant 0 : i32
    %dma_wait3A_172 = tpu.memref_slice %arg11[%dma_wait3A_167, %dma_wait3A_171] : memref<160x128xi32, #tpu.memory_space<vmem>> -> memref<1x128xi32, #tpu.memory_space<vmem>>
    %dma_wait3A_173 = tpu.memref_squeeze %dma_wait3A_172 : memref<1x128xi32, #tpu.memory_space<vmem>> -> memref<128xi32, #tpu.memory_space<vmem>>
    %dma_wait3A_174 = arith.constant 0 : i32
    %dma_wait3A_175 = arith.constant 0 : i32
    %dma_wait3A_176 = tpu.memref_slice %arg13[%dma_wait3A_174, %dma_wait3A_175] : memref<10240x64xbf16, #tpu.memory_space<vmem_shared>> -> memref<10240x64xbf16, #tpu.memory_space<vmem_shared>>
    tpu.wait_indirect_dma semaphore(%arg25 : memref<!tpu.dma_semaphore, #tpu.memory_space<semaphore_mem>>) src(%dma_wait3A_170 : memref<128x64xbf16, #tpu.memory_space<vmem>>) dst(%dma_wait3A_176 : memref<10240x64xbf16, #tpu.memory_space<vmem_shared>>)
    %dma_wait3A_177 = arith.constant 0 : i32
    %dma_wait3A_178 = arith.constant 384 : i32
    %dma_wait3A_179 = arith.constant 0 : i32
    %dma_wait3A_180 = tpu.memref_slice %arg12[%dma_wait3A_178, %dma_wait3A_179] : memref<1024x64xbf16, #tpu.memory_space<vmem>> -> memref<128x64xbf16, #tpu.memory_space<vmem>>
    %dma_wait3A_181 = arith.constant 0 : i32
    %dma_wait3A_182 = tpu.memref_slice %arg11[%dma_wait3A_177, %dma_wait3A_181] : memref<160x128xi32, #tpu.memory_space<vmem>> -> memref<1x128xi32, #tpu.memory_space<vmem>>
    %dma_wait3A_183 = tpu.memref_squeeze %dma_wait3A_182 : memref<1x128xi32, #tpu.memory_space<vmem>> -> memref<128xi32, #tpu.memory_space<vmem>>
    %dma_wait3A_184 = arith.constant 0 : i32
    %dma_wait3A_185 = arith.constant 0 : i32
    %dma_wait3A_186 = tpu.memref_slice %arg13[%dma_wait3A_184, %dma_wait3A_185] : memref<10240x64xbf16, #tpu.memory_space<vmem_shared>> -> memref<10240x64xbf16, #tpu.memory_space<vmem_shared>>
    tpu.wait_indirect_dma semaphore(%arg26 : memref<!tpu.dma_semaphore, #tpu.memory_space<semaphore_mem>>) src(%dma_wait3A_180 : memref<128x64xbf16, #tpu.memory_space<vmem>>) dst(%dma_wait3A_186 : memref<10240x64xbf16, #tpu.memory_space<vmem_shared>>)
    %dma_wait3A_187 = arith.constant 0 : i32
    %dma_wait3A_188 = arith.constant 512 : i32
    %dma_wait3A_189 = arith.constant 0 : i32
    %dma_wait3A_190 = tpu.memref_slice %arg12[%dma_wait3A_188, %dma_wait3A_189] : memref<1024x64xbf16, #tpu.memory_space<vmem>> -> memref<128x64xbf16, #tpu.memory_space<vmem>>
    %dma_wait3A_191 = arith.constant 0 : i32
    %dma_wait3A_192 = tpu.memref_slice %arg11[%dma_wait3A_187, %dma_wait3A_191] : memref<160x128xi32, #tpu.memory_space<vmem>> -> memref<1x128xi32, #tpu.memory_space<vmem>>
    %dma_wait3A_193 = tpu.memref_squeeze %dma_wait3A_192 : memref<1x128xi32, #tpu.memory_space<vmem>> -> memref<128xi32, #tpu.memory_space<vmem>>
    %dma_wait3A_194 = arith.constant 0 : i32
    %dma_wait3A_195 = arith.constant 0 : i32
    %dma_wait3A_196 = tpu.memref_slice %arg13[%dma_wait3A_194, %dma_wait3A_195] : memref<10240x64xbf16, #tpu.memory_space<vmem_shared>> -> memref<10240x64xbf16, #tpu.memory_space<vmem_shared>>
    tpu.wait_indirect_dma semaphore(%arg27 : memref<!tpu.dma_semaphore, #tpu.memory_space<semaphore_mem>>) src(%dma_wait3A_190 : memref<128x64xbf16, #tpu.memory_space<vmem>>) dst(%dma_wait3A_196 : memref<10240x64xbf16, #tpu.memory_space<vmem_shared>>)
    %dma_wait3A_197 = arith.constant 0 : i32
    %dma_wait3A_198 = arith.constant 640 : i32
    %dma_wait3A_199 = arith.constant 0 : i32
    %dma_wait3A_200 = tpu.memref_slice %arg12[%dma_wait3A_198, %dma_wait3A_199] : memref<1024x64xbf16, #tpu.memory_space<vmem>> -> memref<128x64xbf16, #tpu.memory_space<vmem>>
    %dma_wait3A_201 = arith.constant 0 : i32
    %dma_wait3A_202 = tpu.memref_slice %arg11[%dma_wait3A_197, %dma_wait3A_201] : memref<160x128xi32, #tpu.memory_space<vmem>> -> memref<1x128xi32, #tpu.memory_space<vmem>>
    %dma_wait3A_203 = tpu.memref_squeeze %dma_wait3A_202 : memref<1x128xi32, #tpu.memory_space<vmem>> -> memref<128xi32, #tpu.memory_space<vmem>>
    %dma_wait3A_204 = arith.constant 0 : i32
    %dma_wait3A_205 = arith.constant 0 : i32
    %dma_wait3A_206 = tpu.memref_slice %arg13[%dma_wait3A_204, %dma_wait3A_205] : memref<10240x64xbf16, #tpu.memory_space<vmem_shared>> -> memref<10240x64xbf16, #tpu.memory_space<vmem_shared>>
    tpu.wait_indirect_dma semaphore(%arg28 : memref<!tpu.dma_semaphore, #tpu.memory_space<semaphore_mem>>) src(%dma_wait3A_200 : memref<128x64xbf16, #tpu.memory_space<vmem>>) dst(%dma_wait3A_206 : memref<10240x64xbf16, #tpu.memory_space<vmem_shared>>)
    %dma_wait3A_207 = arith.constant 0 : i32
    %dma_wait3A_208 = arith.constant 768 : i32
    %dma_wait3A_209 = arith.constant 0 : i32
    %dma_wait3A_210 = tpu.memref_slice %arg12[%dma_wait3A_208, %dma_wait3A_209] : memref<1024x64xbf16, #tpu.memory_space<vmem>> -> memref<128x64xbf16, #tpu.memory_space<vmem>>
    %dma_wait3A_211 = arith.constant 0 : i32
    %dma_wait3A_212 = tpu.memref_slice %arg11[%dma_wait3A_207, %dma_wait3A_211] : memref<160x128xi32, #tpu.memory_space<vmem>> -> memref<1x128xi32, #tpu.memory_space<vmem>>
    %dma_wait3A_213 = tpu.memref_squeeze %dma_wait3A_212 : memref<1x128xi32, #tpu.memory_space<vmem>> -> memref<128xi32, #tpu.memory_space<vmem>>
    %dma_wait3A_214 = arith.constant 0 : i32
    %dma_wait3A_215 = arith.constant 0 : i32
    %dma_wait3A_216 = tpu.memref_slice %arg13[%dma_wait3A_214, %dma_wait3A_215] : memref<10240x64xbf16, #tpu.memory_space<vmem_shared>> -> memref<10240x64xbf16, #tpu.memory_space<vmem_shared>>
    tpu.wait_indirect_dma semaphore(%arg29 : memref<!tpu.dma_semaphore, #tpu.memory_space<semaphore_mem>>) src(%dma_wait3A_210 : memref<128x64xbf16, #tpu.memory_space<vmem>>) dst(%dma_wait3A_216 : memref<10240x64xbf16, #tpu.memory_space<vmem_shared>>)
    %dma_wait3A_217 = arith.constant 0 : i32
    %dma_wait3A_218 = arith.constant 896 : i32
    %dma_wait3A_219 = arith.constant 0 : i32
    %dma_wait3A_220 = tpu.memref_slice %arg12[%dma_wait3A_218, %dma_wait3A_219] : memref<1024x64xbf16, #tpu.memory_space<vmem>> -> memref<128x64xbf16, #tpu.memory_space<vmem>>
    %dma_wait3A_221 = arith.constant 0 : i32
    %dma_wait3A_222 = tpu.memref_slice %arg11[%dma_wait3A_217, %dma_wait3A_221] : memref<160x128xi32, #tpu.memory_space<vmem>> -> memref<1x128xi32, #tpu.memory_space<vmem>>
    %dma_wait3A_223 = tpu.memref_squeeze %dma_wait3A_222 : memref<1x128xi32, #tpu.memory_space<vmem>> -> memref<128xi32, #tpu.memory_space<vmem>>
    %dma_wait3A_224 = arith.constant 0 : i32
    %dma_wait3A_225 = arith.constant 0 : i32
    %dma_wait3A_226 = tpu.memref_slice %arg13[%dma_wait3A_224, %dma_wait3A_225] : memref<10240x64xbf16, #tpu.memory_space<vmem_shared>> -> memref<10240x64xbf16, #tpu.memory_space<vmem_shared>>
    tpu.wait_indirect_dma semaphore(%arg30 : memref<!tpu.dma_semaphore, #tpu.memory_space<semaphore_mem>>) src(%dma_wait3A_220 : memref<128x64xbf16, #tpu.memory_space<vmem>>) dst(%dma_wait3A_226 : memref<10240x64xbf16, #tpu.memory_space<vmem_shared>>)
    %scan3A_227 = arith.constant 0 : i32
    %scan3A_228 = arith.constant 0 : i32
    %scan3A_229 = arith.constant 80 : i32
    %scan3A_230 = arith.addi %scan3A_228, %scan3A_229 : i32
    %scan3A_231 = arith.constant 1 : i32
    scf.for %scan3A_237 = %scan3A_228 to %scan3A_230 step %scan3A_231  : i32 {
      %dma_wait3A_238 = arith.constant 0 : i32
      %dma_wait3A_239 = arith.constant 0 : i32
      %dma_wait3A_240 = tpu.memref_slice %arg11[%dma_wait3A_238, %dma_wait3A_239] : memref<160x128xi32, #tpu.memory_space<vmem>> -> memref<1x128xi32, #tpu.memory_space<vmem>>
      %dma_wait3A_241 = tpu.memref_squeeze %dma_wait3A_240 : memref<1x128xi32, #tpu.memory_space<vmem>> -> memref<128xi32, #tpu.memory_space<vmem>>
      %dma_wait3A_242 = arith.constant 0 : i32
      %dma_wait3A_243 = tpu.memref_slice %arg32[%dma_wait3A_242] : memref<10240xf32, #tpu.memory_space<vmem_shared>> -> memref<10240xf32, #tpu.memory_space<vmem_shared>>
      tpu.wait_indirect_dma semaphore(%arg33 : memref<!tpu.dma_semaphore, #tpu.memory_space<semaphore_mem>>) src(%arg31 : memref<128xf32, #tpu.memory_space<vmem>>) dst(%dma_wait3A_243 : memref<10240xf32, #tpu.memory_space<vmem_shared>>)
    }
    %scan3A_232 = arith.constant 80 : i32
    %barrier3A_233 = arith.constant 0 : index
    tpu.barrier barrier_id(%barrier3A_233)
    %mul3A_234 = arith.constant 10240 : i32
    %mul3A_235 = arith.muli %arg0, %mul3A_234 : i32
    %add3A = arith.addi %mul3A_235, %multiple_of3A : i32
    %multiple_of3A_236 = tpu.assume_multiple %add3A, 8 : i32
    "tpu.region"() ({
      %run_scoped3A = tpu.sem_alloc : memref<!tpu.dma_semaphore, #tpu.memory_space<semaphore_mem>>
      %dma_start3A_237 = arith.constant 0 : i32
      %dma_start3A_238 = tpu.memref_slice %arg8[%multiple_of3A_236, %dma_start3A_237] : memref<20480x64xbf16, #tpu.memory_space<hbm>> -> memref<640x64xbf16, #tpu.memory_space<hbm>>
      %dma_start3A_239 = arith.constant 0 : i32
      %dma_start3A_240 = tpu.memref_slice %arg13[%multiple_of3A, %dma_start3A_239] : memref<10240x64xbf16, #tpu.memory_space<vmem_shared>> -> memref<640x64xbf16, #tpu.memory_space<vmem_shared>>
      tpu.enqueue_dma source(%dma_start3A_240 : memref<640x64xbf16, #tpu.memory_space<vmem_shared>>) target(%dma_start3A_238 : memref<640x64xbf16, #tpu.memory_space<hbm>>) target_semaphore(%run_scoped3A : memref<!tpu.dma_semaphore, #tpu.memory_space<semaphore_mem>>)
      %dma_wait3A_241 = arith.constant 0 : i32
      %dma_wait3A_242 = tpu.memref_slice %arg8[%multiple_of3A_236, %dma_wait3A_241] : memref<20480x64xbf16, #tpu.memory_space<hbm>> -> memref<640x64xbf16, #tpu.memory_space<hbm>>
      %dma_wait3A_243 = arith.constant 0 : i32
      %dma_wait3A_244 = tpu.memref_slice %arg13[%multiple_of3A, %dma_wait3A_243] : memref<10240x64xbf16, #tpu.memory_space<vmem_shared>> -> memref<640x64xbf16, #tpu.memory_space<vmem_shared>>
      tpu.wait_dma2 semaphore(%run_scoped3A : memref<!tpu.dma_semaphore, #tpu.memory_space<semaphore_mem>>) src(%dma_wait3A_244 : memref<640x64xbf16, #tpu.memory_space<vmem_shared>>) dst(%dma_wait3A_242 : memref<640x64xbf16, #tpu.memory_space<hbm>>)
      tpu.yield
    }) : () -> ()
    "tpu.region"() ({
      %run_scoped3A = tpu.sem_alloc : memref<!tpu.dma_semaphore, #tpu.memory_space<semaphore_mem>>
      %dma_start3A_237 = tpu.memref_slice %arg9[%multiple_of3A_236] : memref<20480xf32, #tpu.memory_space<hbm>> -> memref<640xf32, #tpu.memory_space<hbm>>
      %dma_start3A_238 = tpu.memref_slice %arg32[%multiple_of3A] : memref<10240xf32, #tpu.memory_space<vmem_shared>> -> memref<640xf32, #tpu.memory_space<vmem_shared>>
      tpu.enqueue_dma source(%dma_start3A_238 : memref<640xf32, #tpu.memory_space<vmem_shared>>) target(%dma_start3A_237 : memref<640xf32, #tpu.memory_space<hbm>>) target_semaphore(%run_scoped3A : memref<!tpu.dma_semaphore, #tpu.memory_space<semaphore_mem>>)
      %dma_wait3A_239 = tpu.memref_slice %arg9[%multiple_of3A_236] : memref<20480xf32, #tpu.memory_space<hbm>> -> memref<640xf32, #tpu.memory_space<hbm>>
      %dma_wait3A_240 = tpu.memref_slice %arg32[%multiple_of3A] : memref<10240xf32, #tpu.memory_space<vmem_shared>> -> memref<640xf32, #tpu.memory_space<vmem_shared>>
      tpu.wait_dma2 semaphore(%run_scoped3A : memref<!tpu.dma_semaphore, #tpu.memory_space<semaphore_mem>>) src(%dma_wait3A_240 : memref<640xf32, #tpu.memory_space<vmem_shared>>) dst(%dma_wait3A_239 : memref<640xf32, #tpu.memory_space<hbm>>)
      tpu.yield
    }) : () -> ()
    return
  }
}

#map = affine_map<(d0, d1) -> (0, 0)>
#map1 = affine_map<(d0, d1) -> (0, 0, 0)>
module attributes {stable_mosaic.version = 14 : i64} {
  func.func @body(%arg0: i32, %arg1: i32, %arg2: memref<10240x32xbf16, #tpu.memory_space<hbm>>, %arg3: memref<10240x32xbf16, #tpu.memory_space<hbm>>, %arg4: memref<16x160x128xi32, #tpu.memory_space<hbm>>, %arg5: memref<16x160x128xi32, #tpu.memory_space<hbm>>, %arg6: memref<640x32xbf16, #tpu.memory_space<hbm>>, %arg7: memref<20480x32xbf16, #tpu.memory_space<hbm>>, %arg8: memref<160x128xi32, #tpu.memory_space<vmem>>, %arg9: memref<160x128xi32, #tpu.memory_space<vmem>>, %arg10: memref<1024x32xbf16, #tpu.memory_space<vmem>>, %arg11: memref<10240x32xbf16, #tpu.memory_space<vmem_shared>>, %arg12: memref<10240x32xbf16, #tpu.memory_space<vmem_shared>>, %arg13: memref<!tpu.dma_semaphore, #tpu.memory_space<semaphore_mem>>, %arg14: memref<!tpu.dma_semaphore, #tpu.memory_space<semaphore_mem>>, %arg15: memref<!tpu.dma_semaphore, #tpu.memory_space<semaphore_mem>>, %arg16: memref<!tpu.dma_semaphore, #tpu.memory_space<semaphore_mem>>, %arg17: memref<!tpu.dma_semaphore, #tpu.memory_space<semaphore_mem>>, %arg18: memref<!tpu.dma_semaphore, #tpu.memory_space<semaphore_mem>>, %arg19: memref<!tpu.dma_semaphore, #tpu.memory_space<semaphore_mem>>, %arg20: memref<!tpu.dma_semaphore, #tpu.memory_space<semaphore_mem>>, %arg21: memref<!tpu.dma_semaphore, #tpu.memory_space<semaphore_mem>>, %arg22: memref<!tpu.dma_semaphore, #tpu.memory_space<semaphore_mem>>, %arg23: memref<!tpu.dma_semaphore, #tpu.memory_space<semaphore_mem>>, %arg24: memref<!tpu.dma_semaphore, #tpu.memory_space<semaphore_mem>>, %arg25: memref<!tpu.dma_semaphore, #tpu.memory_space<semaphore_mem>>, %arg26: memref<!tpu.dma_semaphore, #tpu.memory_space<semaphore_mem>>, %arg27: memref<!tpu.dma_semaphore, #tpu.memory_space<semaphore_mem>>, %arg28: memref<!tpu.dma_semaphore, #tpu.memory_space<semaphore_mem>>) attributes {dimension_semantics = [#tpu.dimension_semantics<core_parallel>, #tpu.dimension_semantics<subcore_parallel>], iteration_bounds = array<i64: 2, 16>, scalar_prefetch = 0 : i64, scratch_operands = 21 : i64, tpu.core_type = #tpu.core_type<sc_vector_subcore>, window_params = [{transform_indices = #map}, {transform_indices = #map}, {transform_indices = #map1}, {transform_indices = #map1}, {transform_indices = #map}, {transform_indices = #map}]} {
    %mul3A = arith.constant 640 : i32
    %mul3A_0 = arith.muli %arg1, %mul3A : i32
    %multiple_of3A = tpu.assume_multiple %mul3A_0, 8 : i32
    %dma_start3A = arith.constant 0 : i32
    %dma_start3A_1 = arith.constant 0 : i32
    %dma_start3A_2 = tpu.memref_slice %arg4[%arg1, %dma_start3A, %dma_start3A_1] : memref<16x160x128xi32, #tpu.memory_space<hbm>> -> memref<1x160x128xi32, #tpu.memory_space<hbm>>
    %dma_start3A_3 = tpu.memref_squeeze %dma_start3A_2 : memref<1x160x128xi32, #tpu.memory_space<hbm>> -> memref<160x128xi32, #tpu.memory_space<hbm>>
    %dma_start3A_4 = arith.constant 0 : i32
    %dma_start3A_5 = arith.constant 0 : i32
    %dma_start3A_6 = tpu.memref_slice %arg4[%arg1, %dma_start3A_4, %dma_start3A_5] : memref<16x160x128xi32, #tpu.memory_space<hbm>> -> memref<1x160x128xi32, #tpu.memory_space<hbm>>
    %dma_start3A_7 = tpu.memref_squeeze %dma_start3A_6 : memref<1x160x128xi32, #tpu.memory_space<hbm>> -> memref<160x128xi32, #tpu.memory_space<hbm>>
    tpu.enqueue_dma source(%dma_start3A_7 : memref<160x128xi32, #tpu.memory_space<hbm>>) target(%arg8 : memref<160x128xi32, #tpu.memory_space<vmem>>) target_semaphore(%arg13 : memref<!tpu.dma_semaphore, #tpu.memory_space<semaphore_mem>>)
    %dma_start3A_8 = arith.constant 0 : i32
    %dma_start3A_9 = arith.constant 0 : i32
    %dma_start3A_10 = tpu.memref_slice %arg5[%arg1, %dma_start3A_8, %dma_start3A_9] : memref<16x160x128xi32, #tpu.memory_space<hbm>> -> memref<1x160x128xi32, #tpu.memory_space<hbm>>
    %dma_start3A_11 = tpu.memref_squeeze %dma_start3A_10 : memref<1x160x128xi32, #tpu.memory_space<hbm>> -> memref<160x128xi32, #tpu.memory_space<hbm>>
    %dma_start3A_12 = arith.constant 0 : i32
    %dma_start3A_13 = arith.constant 0 : i32
    %dma_start3A_14 = tpu.memref_slice %arg5[%arg1, %dma_start3A_12, %dma_start3A_13] : memref<16x160x128xi32, #tpu.memory_space<hbm>> -> memref<1x160x128xi32, #tpu.memory_space<hbm>>
    %dma_start3A_15 = tpu.memref_squeeze %dma_start3A_14 : memref<1x160x128xi32, #tpu.memory_space<hbm>> -> memref<160x128xi32, #tpu.memory_space<hbm>>
    tpu.enqueue_dma source(%dma_start3A_15 : memref<160x128xi32, #tpu.memory_space<hbm>>) target(%arg9 : memref<160x128xi32, #tpu.memory_space<vmem>>) target_semaphore(%arg14 : memref<!tpu.dma_semaphore, #tpu.memory_space<semaphore_mem>>)
    %dma_start3A_16 = arith.constant 0 : i32
    %dma_start3A_17 = tpu.memref_slice %arg11[%multiple_of3A, %dma_start3A_16] : memref<10240x32xbf16, #tpu.memory_space<vmem_shared>> -> memref<640x32xbf16, #tpu.memory_space<vmem_shared>>
    tpu.enqueue_dma source(%arg6 : memref<640x32xbf16, #tpu.memory_space<hbm>>) target(%dma_start3A_17 : memref<640x32xbf16, #tpu.memory_space<vmem_shared>>) target_semaphore(%arg15 : memref<!tpu.dma_semaphore, #tpu.memory_space<semaphore_mem>>)
    %eq3A = arith.constant 0 : i32
    %eq3A_18 = arith.cmpi eq, %arg0, %eq3A : i32
    %convert_element_type3A = arith.extui %eq3A_18 : i1 to i32
    %cond3A = arith.constant 0 : i32
    %cond3A_19 = arith.cmpi ne, %convert_element_type3A, %cond3A : i32
    scf.if %cond3A_19 {
      %dma_start3A_185 = arith.constant 0 : i32
      %dma_start3A_186 = tpu.memref_slice %arg12[%multiple_of3A, %dma_start3A_185] : memref<10240x32xbf16, #tpu.memory_space<vmem_shared>> -> memref<640x32xbf16, #tpu.memory_space<vmem_shared>>
      %dma_start3A_187 = arith.constant 0 : i32
      %dma_start3A_188 = tpu.memref_slice %arg2[%multiple_of3A, %dma_start3A_187] : memref<10240x32xbf16, #tpu.memory_space<hbm>> -> memref<640x32xbf16, #tpu.memory_space<hbm>>
      tpu.enqueue_dma source(%dma_start3A_188 : memref<640x32xbf16, #tpu.memory_space<hbm>>) target(%dma_start3A_186 : memref<640x32xbf16, #tpu.memory_space<vmem_shared>>) target_semaphore(%arg16 : memref<!tpu.dma_semaphore, #tpu.memory_space<semaphore_mem>>)
    } else {
    }
    %eq3A_20 = arith.constant 1 : i32
    %eq3A_21 = arith.cmpi eq, %arg0, %eq3A_20 : i32
    %convert_element_type3A_22 = arith.extui %eq3A_21 : i1 to i32
    %cond3A_23 = arith.constant 0 : i32
    %cond3A_24 = arith.cmpi ne, %convert_element_type3A_22, %cond3A_23 : i32
    scf.if %cond3A_24 {
      %dma_start3A_185 = arith.constant 0 : i32
      %dma_start3A_186 = tpu.memref_slice %arg12[%multiple_of3A, %dma_start3A_185] : memref<10240x32xbf16, #tpu.memory_space<vmem_shared>> -> memref<640x32xbf16, #tpu.memory_space<vmem_shared>>
      %dma_start3A_187 = arith.constant 0 : i32
      %dma_start3A_188 = tpu.memref_slice %arg3[%multiple_of3A, %dma_start3A_187] : memref<10240x32xbf16, #tpu.memory_space<hbm>> -> memref<640x32xbf16, #tpu.memory_space<hbm>>
      tpu.enqueue_dma source(%dma_start3A_188 : memref<640x32xbf16, #tpu.memory_space<hbm>>) target(%dma_start3A_186 : memref<640x32xbf16, #tpu.memory_space<vmem_shared>>) target_semaphore(%arg16 : memref<!tpu.dma_semaphore, #tpu.memory_space<semaphore_mem>>)
    } else {
    }
    %dma_wait3A = arith.constant 0 : i32
    %dma_wait3A_25 = arith.constant 0 : i32
    %dma_wait3A_26 = tpu.memref_slice %arg4[%arg1, %dma_wait3A, %dma_wait3A_25] : memref<16x160x128xi32, #tpu.memory_space<hbm>> -> memref<1x160x128xi32, #tpu.memory_space<hbm>>
    %dma_wait3A_27 = tpu.memref_squeeze %dma_wait3A_26 : memref<1x160x128xi32, #tpu.memory_space<hbm>> -> memref<160x128xi32, #tpu.memory_space<hbm>>
    %dma_wait3A_28 = arith.constant 0 : i32
    %dma_wait3A_29 = arith.constant 0 : i32
    %dma_wait3A_30 = tpu.memref_slice %arg4[%arg1, %dma_wait3A_28, %dma_wait3A_29] : memref<16x160x128xi32, #tpu.memory_space<hbm>> -> memref<1x160x128xi32, #tpu.memory_space<hbm>>
    %dma_wait3A_31 = tpu.memref_squeeze %dma_wait3A_30 : memref<1x160x128xi32, #tpu.memory_space<hbm>> -> memref<160x128xi32, #tpu.memory_space<hbm>>
    tpu.wait_dma2 semaphore(%arg13 : memref<!tpu.dma_semaphore, #tpu.memory_space<semaphore_mem>>) src(%dma_wait3A_31 : memref<160x128xi32, #tpu.memory_space<hbm>>) dst(%arg8 : memref<160x128xi32, #tpu.memory_space<vmem>>)
    %dma_wait3A_32 = arith.constant 0 : i32
    %dma_wait3A_33 = arith.constant 0 : i32
    %dma_wait3A_34 = tpu.memref_slice %arg5[%arg1, %dma_wait3A_32, %dma_wait3A_33] : memref<16x160x128xi32, #tpu.memory_space<hbm>> -> memref<1x160x128xi32, #tpu.memory_space<hbm>>
    %dma_wait3A_35 = tpu.memref_squeeze %dma_wait3A_34 : memref<1x160x128xi32, #tpu.memory_space<hbm>> -> memref<160x128xi32, #tpu.memory_space<hbm>>
    %dma_wait3A_36 = arith.constant 0 : i32
    %dma_wait3A_37 = arith.constant 0 : i32
    %dma_wait3A_38 = tpu.memref_slice %arg5[%arg1, %dma_wait3A_36, %dma_wait3A_37] : memref<16x160x128xi32, #tpu.memory_space<hbm>> -> memref<1x160x128xi32, #tpu.memory_space<hbm>>
    %dma_wait3A_39 = tpu.memref_squeeze %dma_wait3A_38 : memref<1x160x128xi32, #tpu.memory_space<hbm>> -> memref<160x128xi32, #tpu.memory_space<hbm>>
    tpu.wait_dma2 semaphore(%arg14 : memref<!tpu.dma_semaphore, #tpu.memory_space<semaphore_mem>>) src(%dma_wait3A_39 : memref<160x128xi32, #tpu.memory_space<hbm>>) dst(%arg9 : memref<160x128xi32, #tpu.memory_space<vmem>>)
    %dma_wait3A_40 = arith.constant 0 : i32
    %dma_wait3A_41 = tpu.memref_slice %arg11[%multiple_of3A, %dma_wait3A_40] : memref<10240x32xbf16, #tpu.memory_space<vmem_shared>> -> memref<640x32xbf16, #tpu.memory_space<vmem_shared>>
    tpu.wait_dma2 semaphore(%arg15 : memref<!tpu.dma_semaphore, #tpu.memory_space<semaphore_mem>>) src(%arg6 : memref<640x32xbf16, #tpu.memory_space<hbm>>) dst(%dma_wait3A_41 : memref<640x32xbf16, #tpu.memory_space<vmem_shared>>)
    %dma_wait3A_42 = arith.constant 0 : i32
    %dma_wait3A_43 = tpu.memref_slice %arg12[%multiple_of3A, %dma_wait3A_42] : memref<10240x32xbf16, #tpu.memory_space<vmem_shared>> -> memref<640x32xbf16, #tpu.memory_space<vmem_shared>>
    %dma_wait3A_44 = arith.constant 0 : i32
    %dma_wait3A_45 = tpu.memref_slice %arg2[%multiple_of3A, %dma_wait3A_44] : memref<10240x32xbf16, #tpu.memory_space<hbm>> -> memref<640x32xbf16, #tpu.memory_space<hbm>>
    tpu.wait_dma2 semaphore(%arg16 : memref<!tpu.dma_semaphore, #tpu.memory_space<semaphore_mem>>) src(%dma_wait3A_45 : memref<640x32xbf16, #tpu.memory_space<hbm>>) dst(%dma_wait3A_43 : memref<640x32xbf16, #tpu.memory_space<vmem_shared>>)
    %barrier3A = arith.constant 0 : index
    tpu.barrier barrier_id(%barrier3A)
    %dma_start3A_46 = arith.constant 0 : i32
    %dma_start3A_47 = arith.constant 0 : i32
    %dma_start3A_48 = arith.constant 0 : i32
    %dma_start3A_49 = tpu.memref_slice %arg10[%dma_start3A_47, %dma_start3A_48] : memref<1024x32xbf16, #tpu.memory_space<vmem>> -> memref<128x32xbf16, #tpu.memory_space<vmem>>
    %dma_start3A_50 = arith.constant 0 : i32
    %dma_start3A_51 = tpu.memref_slice %arg8[%dma_start3A_46, %dma_start3A_50] : memref<160x128xi32, #tpu.memory_space<vmem>> -> memref<1x128xi32, #tpu.memory_space<vmem>>
    %dma_start3A_52 = tpu.memref_squeeze %dma_start3A_51 : memref<1x128xi32, #tpu.memory_space<vmem>> -> memref<128xi32, #tpu.memory_space<vmem>>
    %dma_start3A_53 = arith.constant 0 : i32
    %dma_start3A_54 = arith.constant 0 : i32
    %dma_start3A_55 = tpu.memref_slice %arg12[%dma_start3A_53, %dma_start3A_54] : memref<10240x32xbf16, #tpu.memory_space<vmem_shared>> -> memref<10240x32xbf16, #tpu.memory_space<vmem_shared>>
    tpu.enqueue_indirect_dma source(%dma_start3A_55 : memref<10240x32xbf16, #tpu.memory_space<vmem_shared>>) target(%dma_start3A_49 : memref<128x32xbf16, #tpu.memory_space<vmem>>) offsets(%dma_start3A_52 : memref<128xi32, #tpu.memory_space<vmem>>) semaphore(%arg13 : memref<!tpu.dma_semaphore, #tpu.memory_space<semaphore_mem>>)
    %dma_start3A_56 = arith.constant 1 : i32
    %dma_start3A_57 = arith.constant 128 : i32
    %dma_start3A_58 = arith.constant 0 : i32
    %dma_start3A_59 = tpu.memref_slice %arg10[%dma_start3A_57, %dma_start3A_58] : memref<1024x32xbf16, #tpu.memory_space<vmem>> -> memref<128x32xbf16, #tpu.memory_space<vmem>>
    %dma_start3A_60 = arith.constant 0 : i32
    %dma_start3A_61 = tpu.memref_slice %arg8[%dma_start3A_56, %dma_start3A_60] : memref<160x128xi32, #tpu.memory_space<vmem>> -> memref<1x128xi32, #tpu.memory_space<vmem>>
    %dma_start3A_62 = tpu.memref_squeeze %dma_start3A_61 : memref<1x128xi32, #tpu.memory_space<vmem>> -> memref<128xi32, #tpu.memory_space<vmem>>
    %dma_start3A_63 = arith.constant 0 : i32
    %dma_start3A_64 = arith.constant 0 : i32
    %dma_start3A_65 = tpu.memref_slice %arg12[%dma_start3A_63, %dma_start3A_64] : memref<10240x32xbf16, #tpu.memory_space<vmem_shared>> -> memref<10240x32xbf16, #tpu.memory_space<vmem_shared>>
    tpu.enqueue_indirect_dma source(%dma_start3A_65 : memref<10240x32xbf16, #tpu.memory_space<vmem_shared>>) target(%dma_start3A_59 : memref<128x32xbf16, #tpu.memory_space<vmem>>) offsets(%dma_start3A_62 : memref<128xi32, #tpu.memory_space<vmem>>) semaphore(%arg14 : memref<!tpu.dma_semaphore, #tpu.memory_space<semaphore_mem>>)
    %dma_start3A_66 = arith.constant 2 : i32
    %dma_start3A_67 = arith.constant 256 : i32
    %dma_start3A_68 = arith.constant 0 : i32
    %dma_start3A_69 = tpu.memref_slice %arg10[%dma_start3A_67, %dma_start3A_68] : memref<1024x32xbf16, #tpu.memory_space<vmem>> -> memref<128x32xbf16, #tpu.memory_space<vmem>>
    %dma_start3A_70 = arith.constant 0 : i32
    %dma_start3A_71 = tpu.memref_slice %arg8[%dma_start3A_66, %dma_start3A_70] : memref<160x128xi32, #tpu.memory_space<vmem>> -> memref<1x128xi32, #tpu.memory_space<vmem>>
    %dma_start3A_72 = tpu.memref_squeeze %dma_start3A_71 : memref<1x128xi32, #tpu.memory_space<vmem>> -> memref<128xi32, #tpu.memory_space<vmem>>
    %dma_start3A_73 = arith.constant 0 : i32
    %dma_start3A_74 = arith.constant 0 : i32
    %dma_start3A_75 = tpu.memref_slice %arg12[%dma_start3A_73, %dma_start3A_74] : memref<10240x32xbf16, #tpu.memory_space<vmem_shared>> -> memref<10240x32xbf16, #tpu.memory_space<vmem_shared>>
    tpu.enqueue_indirect_dma source(%dma_start3A_75 : memref<10240x32xbf16, #tpu.memory_space<vmem_shared>>) target(%dma_start3A_69 : memref<128x32xbf16, #tpu.memory_space<vmem>>) offsets(%dma_start3A_72 : memref<128xi32, #tpu.memory_space<vmem>>) semaphore(%arg15 : memref<!tpu.dma_semaphore, #tpu.memory_space<semaphore_mem>>)
    %dma_start3A_76 = arith.constant 3 : i32
    %dma_start3A_77 = arith.constant 384 : i32
    %dma_start3A_78 = arith.constant 0 : i32
    %dma_start3A_79 = tpu.memref_slice %arg10[%dma_start3A_77, %dma_start3A_78] : memref<1024x32xbf16, #tpu.memory_space<vmem>> -> memref<128x32xbf16, #tpu.memory_space<vmem>>
    %dma_start3A_80 = arith.constant 0 : i32
    %dma_start3A_81 = tpu.memref_slice %arg8[%dma_start3A_76, %dma_start3A_80] : memref<160x128xi32, #tpu.memory_space<vmem>> -> memref<1x128xi32, #tpu.memory_space<vmem>>
    %dma_start3A_82 = tpu.memref_squeeze %dma_start3A_81 : memref<1x128xi32, #tpu.memory_space<vmem>> -> memref<128xi32, #tpu.memory_space<vmem>>
    %dma_start3A_83 = arith.constant 0 : i32
    %dma_start3A_84 = arith.constant 0 : i32
    %dma_start3A_85 = tpu.memref_slice %arg12[%dma_start3A_83, %dma_start3A_84] : memref<10240x32xbf16, #tpu.memory_space<vmem_shared>> -> memref<10240x32xbf16, #tpu.memory_space<vmem_shared>>
    tpu.enqueue_indirect_dma source(%dma_start3A_85 : memref<10240x32xbf16, #tpu.memory_space<vmem_shared>>) target(%dma_start3A_79 : memref<128x32xbf16, #tpu.memory_space<vmem>>) offsets(%dma_start3A_82 : memref<128xi32, #tpu.memory_space<vmem>>) semaphore(%arg16 : memref<!tpu.dma_semaphore, #tpu.memory_space<semaphore_mem>>)
    %dma_start3A_86 = arith.constant 4 : i32
    %dma_start3A_87 = arith.constant 512 : i32
    %dma_start3A_88 = arith.constant 0 : i32
    %dma_start3A_89 = tpu.memref_slice %arg10[%dma_start3A_87, %dma_start3A_88] : memref<1024x32xbf16, #tpu.memory_space<vmem>> -> memref<128x32xbf16, #tpu.memory_space<vmem>>
    %dma_start3A_90 = arith.constant 0 : i32
    %dma_start3A_91 = tpu.memref_slice %arg8[%dma_start3A_86, %dma_start3A_90] : memref<160x128xi32, #tpu.memory_space<vmem>> -> memref<1x128xi32, #tpu.memory_space<vmem>>
    %dma_start3A_92 = tpu.memref_squeeze %dma_start3A_91 : memref<1x128xi32, #tpu.memory_space<vmem>> -> memref<128xi32, #tpu.memory_space<vmem>>
    %dma_start3A_93 = arith.constant 0 : i32
    %dma_start3A_94 = arith.constant 0 : i32
    %dma_start3A_95 = tpu.memref_slice %arg12[%dma_start3A_93, %dma_start3A_94] : memref<10240x32xbf16, #tpu.memory_space<vmem_shared>> -> memref<10240x32xbf16, #tpu.memory_space<vmem_shared>>
    tpu.enqueue_indirect_dma source(%dma_start3A_95 : memref<10240x32xbf16, #tpu.memory_space<vmem_shared>>) target(%dma_start3A_89 : memref<128x32xbf16, #tpu.memory_space<vmem>>) offsets(%dma_start3A_92 : memref<128xi32, #tpu.memory_space<vmem>>) semaphore(%arg17 : memref<!tpu.dma_semaphore, #tpu.memory_space<semaphore_mem>>)
    %scan3A = arith.constant 0 : i32
    %scan3A_96 = arith.constant 0 : i32
    %scan3A_97 = arith.constant 20 : i32
    %scan3A_98 = arith.addi %scan3A_96, %scan3A_97 : i32
    %scan3A_99 = arith.constant 1 : i32
    scf.for %scan3A_185 = %scan3A_96 to %scan3A_98 step %scan3A_99  : i32 {
      %mul3A_186 = arith.constant 8 : i32
      %mul3A_187 = arith.muli %scan3A_185, %mul3A_186 : i32
      %add3A_188 = arith.constant 0 : i32
      %add3A_189 = arith.addi %mul3A_187, %add3A_188 : i32
      %add3A_190 = arith.constant 5 : i32
      %add3A_191 = arith.addi %add3A_189, %add3A_190 : i32
      %lt3A = arith.constant 160 : i32
      %lt3A_192 = arith.cmpi slt, %add3A_191, %lt3A : i32
      %convert_element_type3A_193 = arith.extui %lt3A_192 : i1 to i32
      %cond3A_194 = arith.constant 0 : i32
      %cond3A_195 = arith.cmpi ne, %convert_element_type3A_193, %cond3A_194 : i32
      scf.if %cond3A_195 {
        %ge3A = arith.constant 3 : i32
        %ge3A_403 = arith.cmpi sge, %add3A_189, %ge3A : i32
        %convert_element_type3A_404 = arith.extui %ge3A_403 : i1 to i32
        %cond3A_405 = arith.constant 0 : i32
        %cond3A_406 = arith.cmpi ne, %convert_element_type3A_404, %cond3A_405 : i32
        scf.if %cond3A_406 {
          %dma_wait3A_418 = arith.constant 0 : i32
          %dma_wait3A_419 = arith.constant 640 : i32
          %dma_wait3A_420 = arith.constant 0 : i32
          %dma_wait3A_421 = tpu.memref_slice %arg10[%dma_wait3A_419, %dma_wait3A_420] : memref<1024x32xbf16, #tpu.memory_space<vmem>> -> memref<128x32xbf16, #tpu.memory_space<vmem>>
          %dma_wait3A_422 = arith.constant 0 : i32
          %dma_wait3A_423 = tpu.memref_slice %arg9[%dma_wait3A_418, %dma_wait3A_422] : memref<160x128xi32, #tpu.memory_space<vmem>> -> memref<1x128xi32, #tpu.memory_space<vmem>>
          %dma_wait3A_424 = tpu.memref_squeeze %dma_wait3A_423 : memref<1x128xi32, #tpu.memory_space<vmem>> -> memref<128xi32, #tpu.memory_space<vmem>>
          %dma_wait3A_425 = arith.constant 0 : i32
          %dma_wait3A_426 = arith.constant 0 : i32
          %dma_wait3A_427 = tpu.memref_slice %arg11[%dma_wait3A_425, %dma_wait3A_426] : memref<10240x32xbf16, #tpu.memory_space<vmem_shared>> -> memref<10240x32xbf16, #tpu.memory_space<vmem_shared>>
          tpu.wait_indirect_dma semaphore(%arg26 : memref<!tpu.dma_semaphore, #tpu.memory_space<semaphore_mem>>) src(%dma_wait3A_421 : memref<128x32xbf16, #tpu.memory_space<vmem>>) dst(%dma_wait3A_427 : memref<10240x32xbf16, #tpu.memory_space<vmem_shared>>)
        } else {
        }
        %add3A_407 = arith.constant 5 : i32
        %add3A_408 = arith.addi %add3A_189, %add3A_407 : i32
        %dma_start3A_409 = arith.constant 640 : i32
        %dma_start3A_410 = arith.constant 0 : i32
        %dma_start3A_411 = tpu.memref_slice %arg10[%dma_start3A_409, %dma_start3A_410] : memref<1024x32xbf16, #tpu.memory_space<vmem>> -> memref<128x32xbf16, #tpu.memory_space<vmem>>
        %dma_start3A_412 = arith.constant 0 : i32
        %dma_start3A_413 = tpu.memref_slice %arg8[%add3A_408, %dma_start3A_412] : memref<160x128xi32, #tpu.memory_space<vmem>> -> memref<1x128xi32, #tpu.memory_space<vmem>>
        %dma_start3A_414 = tpu.memref_squeeze %dma_start3A_413 : memref<1x128xi32, #tpu.memory_space<vmem>> -> memref<128xi32, #tpu.memory_space<vmem>>
        %dma_start3A_415 = arith.constant 0 : i32
        %dma_start3A_416 = arith.constant 0 : i32
        %dma_start3A_417 = tpu.memref_slice %arg12[%dma_start3A_415, %dma_start3A_416] : memref<10240x32xbf16, #tpu.memory_space<vmem_shared>> -> memref<10240x32xbf16, #tpu.memory_space<vmem_shared>>
        tpu.enqueue_indirect_dma source(%dma_start3A_417 : memref<10240x32xbf16, #tpu.memory_space<vmem_shared>>) target(%dma_start3A_411 : memref<128x32xbf16, #tpu.memory_space<vmem>>) offsets(%dma_start3A_414 : memref<128xi32, #tpu.memory_space<vmem>>) semaphore(%arg18 : memref<!tpu.dma_semaphore, #tpu.memory_space<semaphore_mem>>)
      } else {
      }
      %dma_wait3A_196 = arith.constant 0 : i32
      %dma_wait3A_197 = arith.constant 0 : i32
      %dma_wait3A_198 = tpu.memref_slice %arg10[%dma_wait3A_196, %dma_wait3A_197] : memref<1024x32xbf16, #tpu.memory_space<vmem>> -> memref<128x32xbf16, #tpu.memory_space<vmem>>
      %dma_wait3A_199 = arith.constant 0 : i32
      %dma_wait3A_200 = tpu.memref_slice %arg8[%add3A_189, %dma_wait3A_199] : memref<160x128xi32, #tpu.memory_space<vmem>> -> memref<1x128xi32, #tpu.memory_space<vmem>>
      %dma_wait3A_201 = tpu.memref_squeeze %dma_wait3A_200 : memref<1x128xi32, #tpu.memory_space<vmem>> -> memref<128xi32, #tpu.memory_space<vmem>>
      %dma_wait3A_202 = arith.constant 0 : i32
      %dma_wait3A_203 = arith.constant 0 : i32
      %dma_wait3A_204 = tpu.memref_slice %arg12[%dma_wait3A_202, %dma_wait3A_203] : memref<10240x32xbf16, #tpu.memory_space<vmem_shared>> -> memref<10240x32xbf16, #tpu.memory_space<vmem_shared>>
      tpu.wait_indirect_dma semaphore(%arg13 : memref<!tpu.dma_semaphore, #tpu.memory_space<semaphore_mem>>) src(%dma_wait3A_204 : memref<10240x32xbf16, #tpu.memory_space<vmem_shared>>) dst(%dma_wait3A_198 : memref<128x32xbf16, #tpu.memory_space<vmem>>)
      %dma_start3A_205 = arith.constant 0 : i32
      %dma_start3A_206 = arith.constant 0 : i32
      %dma_start3A_207 = tpu.memref_slice %arg10[%dma_start3A_205, %dma_start3A_206] : memref<1024x32xbf16, #tpu.memory_space<vmem>> -> memref<128x32xbf16, #tpu.memory_space<vmem>>
      %dma_start3A_208 = arith.constant 0 : i32
      %dma_start3A_209 = tpu.memref_slice %arg9[%add3A_189, %dma_start3A_208] : memref<160x128xi32, #tpu.memory_space<vmem>> -> memref<1x128xi32, #tpu.memory_space<vmem>>
      %dma_start3A_210 = tpu.memref_squeeze %dma_start3A_209 : memref<1x128xi32, #tpu.memory_space<vmem>> -> memref<128xi32, #tpu.memory_space<vmem>>
      %dma_start3A_211 = arith.constant 0 : i32
      %dma_start3A_212 = arith.constant 0 : i32
      %dma_start3A_213 = tpu.memref_slice %arg11[%dma_start3A_211, %dma_start3A_212] : memref<10240x32xbf16, #tpu.memory_space<vmem_shared>> -> memref<10240x32xbf16, #tpu.memory_space<vmem_shared>>
      tpu.enqueue_indirect_dma source(%dma_start3A_207 : memref<128x32xbf16, #tpu.memory_space<vmem>>) target(%dma_start3A_213 : memref<10240x32xbf16, #tpu.memory_space<vmem_shared>>) offsets(%dma_start3A_210 : memref<128xi32, #tpu.memory_space<vmem>>) semaphore(%arg21 : memref<!tpu.dma_semaphore, #tpu.memory_space<semaphore_mem>>) {add = true}
      %add3A_214 = arith.constant 1 : i32
      %add3A_215 = arith.addi %mul3A_187, %add3A_214 : i32
      %add3A_216 = arith.constant 5 : i32
      %add3A_217 = arith.addi %add3A_215, %add3A_216 : i32
      %lt3A_218 = arith.constant 160 : i32
      %lt3A_219 = arith.cmpi slt, %add3A_217, %lt3A_218 : i32
      %convert_element_type3A_220 = arith.extui %lt3A_219 : i1 to i32
      %cond3A_221 = arith.constant 0 : i32
      %cond3A_222 = arith.cmpi ne, %convert_element_type3A_220, %cond3A_221 : i32
      scf.if %cond3A_222 {
        %ge3A = arith.constant 3 : i32
        %ge3A_403 = arith.cmpi sge, %add3A_215, %ge3A : i32
        %convert_element_type3A_404 = arith.extui %ge3A_403 : i1 to i32
        %cond3A_405 = arith.constant 0 : i32
        %cond3A_406 = arith.cmpi ne, %convert_element_type3A_404, %cond3A_405 : i32
        scf.if %cond3A_406 {
          %dma_wait3A_418 = arith.constant 0 : i32
          %dma_wait3A_419 = arith.constant 768 : i32
          %dma_wait3A_420 = arith.constant 0 : i32
          %dma_wait3A_421 = tpu.memref_slice %arg10[%dma_wait3A_419, %dma_wait3A_420] : memref<1024x32xbf16, #tpu.memory_space<vmem>> -> memref<128x32xbf16, #tpu.memory_space<vmem>>
          %dma_wait3A_422 = arith.constant 0 : i32
          %dma_wait3A_423 = tpu.memref_slice %arg9[%dma_wait3A_418, %dma_wait3A_422] : memref<160x128xi32, #tpu.memory_space<vmem>> -> memref<1x128xi32, #tpu.memory_space<vmem>>
          %dma_wait3A_424 = tpu.memref_squeeze %dma_wait3A_423 : memref<1x128xi32, #tpu.memory_space<vmem>> -> memref<128xi32, #tpu.memory_space<vmem>>
          %dma_wait3A_425 = arith.constant 0 : i32
          %dma_wait3A_426 = arith.constant 0 : i32
          %dma_wait3A_427 = tpu.memref_slice %arg11[%dma_wait3A_425, %dma_wait3A_426] : memref<10240x32xbf16, #tpu.memory_space<vmem_shared>> -> memref<10240x32xbf16, #tpu.memory_space<vmem_shared>>
          tpu.wait_indirect_dma semaphore(%arg27 : memref<!tpu.dma_semaphore, #tpu.memory_space<semaphore_mem>>) src(%dma_wait3A_421 : memref<128x32xbf16, #tpu.memory_space<vmem>>) dst(%dma_wait3A_427 : memref<10240x32xbf16, #tpu.memory_space<vmem_shared>>)
        } else {
        }
        %add3A_407 = arith.constant 5 : i32
        %add3A_408 = arith.addi %add3A_215, %add3A_407 : i32
        %dma_start3A_409 = arith.constant 768 : i32
        %dma_start3A_410 = arith.constant 0 : i32
        %dma_start3A_411 = tpu.memref_slice %arg10[%dma_start3A_409, %dma_start3A_410] : memref<1024x32xbf16, #tpu.memory_space<vmem>> -> memref<128x32xbf16, #tpu.memory_space<vmem>>
        %dma_start3A_412 = arith.constant 0 : i32
        %dma_start3A_413 = tpu.memref_slice %arg8[%add3A_408, %dma_start3A_412] : memref<160x128xi32, #tpu.memory_space<vmem>> -> memref<1x128xi32, #tpu.memory_space<vmem>>
        %dma_start3A_414 = tpu.memref_squeeze %dma_start3A_413 : memref<1x128xi32, #tpu.memory_space<vmem>> -> memref<128xi32, #tpu.memory_space<vmem>>
        %dma_start3A_415 = arith.constant 0 : i32
        %dma_start3A_416 = arith.constant 0 : i32
        %dma_start3A_417 = tpu.memref_slice %arg12[%dma_start3A_415, %dma_start3A_416] : memref<10240x32xbf16, #tpu.memory_space<vmem_shared>> -> memref<10240x32xbf16, #tpu.memory_space<vmem_shared>>
        tpu.enqueue_indirect_dma source(%dma_start3A_417 : memref<10240x32xbf16, #tpu.memory_space<vmem_shared>>) target(%dma_start3A_411 : memref<128x32xbf16, #tpu.memory_space<vmem>>) offsets(%dma_start3A_414 : memref<128xi32, #tpu.memory_space<vmem>>) semaphore(%arg19 : memref<!tpu.dma_semaphore, #tpu.memory_space<semaphore_mem>>)
      } else {
      }
      %dma_wait3A_223 = arith.constant 128 : i32
      %dma_wait3A_224 = arith.constant 0 : i32
      %dma_wait3A_225 = tpu.memref_slice %arg10[%dma_wait3A_223, %dma_wait3A_224] : memref<1024x32xbf16, #tpu.memory_space<vmem>> -> memref<128x32xbf16, #tpu.memory_space<vmem>>
      %dma_wait3A_226 = arith.constant 0 : i32
      %dma_wait3A_227 = tpu.memref_slice %arg8[%add3A_215, %dma_wait3A_226] : memref<160x128xi32, #tpu.memory_space<vmem>> -> memref<1x128xi32, #tpu.memory_space<vmem>>
      %dma_wait3A_228 = tpu.memref_squeeze %dma_wait3A_227 : memref<1x128xi32, #tpu.memory_space<vmem>> -> memref<128xi32, #tpu.memory_space<vmem>>
      %dma_wait3A_229 = arith.constant 0 : i32
      %dma_wait3A_230 = arith.constant 0 : i32
      %dma_wait3A_231 = tpu.memref_slice %arg12[%dma_wait3A_229, %dma_wait3A_230] : memref<10240x32xbf16, #tpu.memory_space<vmem_shared>> -> memref<10240x32xbf16, #tpu.memory_space<vmem_shared>>
      tpu.wait_indirect_dma semaphore(%arg14 : memref<!tpu.dma_semaphore, #tpu.memory_space<semaphore_mem>>) src(%dma_wait3A_231 : memref<10240x32xbf16, #tpu.memory_space<vmem_shared>>) dst(%dma_wait3A_225 : memref<128x32xbf16, #tpu.memory_space<vmem>>)
      %dma_start3A_232 = arith.constant 128 : i32
      %dma_start3A_233 = arith.constant 0 : i32
      %dma_start3A_234 = tpu.memref_slice %arg10[%dma_start3A_232, %dma_start3A_233] : memref<1024x32xbf16, #tpu.memory_space<vmem>> -> memref<128x32xbf16, #tpu.memory_space<vmem>>
      %dma_start3A_235 = arith.constant 0 : i32
      %dma_start3A_236 = tpu.memref_slice %arg9[%add3A_215, %dma_start3A_235] : memref<160x128xi32, #tpu.memory_space<vmem>> -> memref<1x128xi32, #tpu.memory_space<vmem>>
      %dma_start3A_237 = tpu.memref_squeeze %dma_start3A_236 : memref<1x128xi32, #tpu.memory_space<vmem>> -> memref<128xi32, #tpu.memory_space<vmem>>
      %dma_start3A_238 = arith.constant 0 : i32
      %dma_start3A_239 = arith.constant 0 : i32
      %dma_start3A_240 = tpu.memref_slice %arg11[%dma_start3A_238, %dma_start3A_239] : memref<10240x32xbf16, #tpu.memory_space<vmem_shared>> -> memref<10240x32xbf16, #tpu.memory_space<vmem_shared>>
      tpu.enqueue_indirect_dma source(%dma_start3A_234 : memref<128x32xbf16, #tpu.memory_space<vmem>>) target(%dma_start3A_240 : memref<10240x32xbf16, #tpu.memory_space<vmem_shared>>) offsets(%dma_start3A_237 : memref<128xi32, #tpu.memory_space<vmem>>) semaphore(%arg22 : memref<!tpu.dma_semaphore, #tpu.memory_space<semaphore_mem>>) {add = true}
      %add3A_241 = arith.constant 2 : i32
      %add3A_242 = arith.addi %mul3A_187, %add3A_241 : i32
      %add3A_243 = arith.constant 5 : i32
      %add3A_244 = arith.addi %add3A_242, %add3A_243 : i32
      %lt3A_245 = arith.constant 160 : i32
      %lt3A_246 = arith.cmpi slt, %add3A_244, %lt3A_245 : i32
      %convert_element_type3A_247 = arith.extui %lt3A_246 : i1 to i32
      %cond3A_248 = arith.constant 0 : i32
      %cond3A_249 = arith.cmpi ne, %convert_element_type3A_247, %cond3A_248 : i32
      scf.if %cond3A_249 {
        %ge3A = arith.constant 3 : i32
        %ge3A_403 = arith.cmpi sge, %add3A_242, %ge3A : i32
        %convert_element_type3A_404 = arith.extui %ge3A_403 : i1 to i32
        %cond3A_405 = arith.constant 0 : i32
        %cond3A_406 = arith.cmpi ne, %convert_element_type3A_404, %cond3A_405 : i32
        scf.if %cond3A_406 {
          %dma_wait3A_418 = arith.constant 0 : i32
          %dma_wait3A_419 = arith.constant 896 : i32
          %dma_wait3A_420 = arith.constant 0 : i32
          %dma_wait3A_421 = tpu.memref_slice %arg10[%dma_wait3A_419, %dma_wait3A_420] : memref<1024x32xbf16, #tpu.memory_space<vmem>> -> memref<128x32xbf16, #tpu.memory_space<vmem>>
          %dma_wait3A_422 = arith.constant 0 : i32
          %dma_wait3A_423 = tpu.memref_slice %arg9[%dma_wait3A_418, %dma_wait3A_422] : memref<160x128xi32, #tpu.memory_space<vmem>> -> memref<1x128xi32, #tpu.memory_space<vmem>>
          %dma_wait3A_424 = tpu.memref_squeeze %dma_wait3A_423 : memref<1x128xi32, #tpu.memory_space<vmem>> -> memref<128xi32, #tpu.memory_space<vmem>>
          %dma_wait3A_425 = arith.constant 0 : i32
          %dma_wait3A_426 = arith.constant 0 : i32
          %dma_wait3A_427 = tpu.memref_slice %arg11[%dma_wait3A_425, %dma_wait3A_426] : memref<10240x32xbf16, #tpu.memory_space<vmem_shared>> -> memref<10240x32xbf16, #tpu.memory_space<vmem_shared>>
          tpu.wait_indirect_dma semaphore(%arg28 : memref<!tpu.dma_semaphore, #tpu.memory_space<semaphore_mem>>) src(%dma_wait3A_421 : memref<128x32xbf16, #tpu.memory_space<vmem>>) dst(%dma_wait3A_427 : memref<10240x32xbf16, #tpu.memory_space<vmem_shared>>)
        } else {
        }
        %add3A_407 = arith.constant 5 : i32
        %add3A_408 = arith.addi %add3A_242, %add3A_407 : i32
        %dma_start3A_409 = arith.constant 896 : i32
        %dma_start3A_410 = arith.constant 0 : i32
        %dma_start3A_411 = tpu.memref_slice %arg10[%dma_start3A_409, %dma_start3A_410] : memref<1024x32xbf16, #tpu.memory_space<vmem>> -> memref<128x32xbf16, #tpu.memory_space<vmem>>
        %dma_start3A_412 = arith.constant 0 : i32
        %dma_start3A_413 = tpu.memref_slice %arg8[%add3A_408, %dma_start3A_412] : memref<160x128xi32, #tpu.memory_space<vmem>> -> memref<1x128xi32, #tpu.memory_space<vmem>>
        %dma_start3A_414 = tpu.memref_squeeze %dma_start3A_413 : memref<1x128xi32, #tpu.memory_space<vmem>> -> memref<128xi32, #tpu.memory_space<vmem>>
        %dma_start3A_415 = arith.constant 0 : i32
        %dma_start3A_416 = arith.constant 0 : i32
        %dma_start3A_417 = tpu.memref_slice %arg12[%dma_start3A_415, %dma_start3A_416] : memref<10240x32xbf16, #tpu.memory_space<vmem_shared>> -> memref<10240x32xbf16, #tpu.memory_space<vmem_shared>>
        tpu.enqueue_indirect_dma source(%dma_start3A_417 : memref<10240x32xbf16, #tpu.memory_space<vmem_shared>>) target(%dma_start3A_411 : memref<128x32xbf16, #tpu.memory_space<vmem>>) offsets(%dma_start3A_414 : memref<128xi32, #tpu.memory_space<vmem>>) semaphore(%arg20 : memref<!tpu.dma_semaphore, #tpu.memory_space<semaphore_mem>>)
      } else {
      }
      %dma_wait3A_250 = arith.constant 256 : i32
      %dma_wait3A_251 = arith.constant 0 : i32
      %dma_wait3A_252 = tpu.memref_slice %arg10[%dma_wait3A_250, %dma_wait3A_251] : memref<1024x32xbf16, #tpu.memory_space<vmem>> -> memref<128x32xbf16, #tpu.memory_space<vmem>>
      %dma_wait3A_253 = arith.constant 0 : i32
      %dma_wait3A_254 = tpu.memref_slice %arg8[%add3A_242, %dma_wait3A_253] : memref<160x128xi32, #tpu.memory_space<vmem>> -> memref<1x128xi32, #tpu.memory_space<vmem>>
      %dma_wait3A_255 = tpu.memref_squeeze %dma_wait3A_254 : memref<1x128xi32, #tpu.memory_space<vmem>> -> memref<128xi32, #tpu.memory_space<vmem>>
      %dma_wait3A_256 = arith.constant 0 : i32
      %dma_wait3A_257 = arith.constant 0 : i32
      %dma_wait3A_258 = tpu.memref_slice %arg12[%dma_wait3A_256, %dma_wait3A_257] : memref<10240x32xbf16, #tpu.memory_space<vmem_shared>> -> memref<10240x32xbf16, #tpu.memory_space<vmem_shared>>
      tpu.wait_indirect_dma semaphore(%arg15 : memref<!tpu.dma_semaphore, #tpu.memory_space<semaphore_mem>>) src(%dma_wait3A_258 : memref<10240x32xbf16, #tpu.memory_space<vmem_shared>>) dst(%dma_wait3A_252 : memref<128x32xbf16, #tpu.memory_space<vmem>>)
      %dma_start3A_259 = arith.constant 256 : i32
      %dma_start3A_260 = arith.constant 0 : i32
      %dma_start3A_261 = tpu.memref_slice %arg10[%dma_start3A_259, %dma_start3A_260] : memref<1024x32xbf16, #tpu.memory_space<vmem>> -> memref<128x32xbf16, #tpu.memory_space<vmem>>
      %dma_start3A_262 = arith.constant 0 : i32
      %dma_start3A_263 = tpu.memref_slice %arg9[%add3A_242, %dma_start3A_262] : memref<160x128xi32, #tpu.memory_space<vmem>> -> memref<1x128xi32, #tpu.memory_space<vmem>>
      %dma_start3A_264 = tpu.memref_squeeze %dma_start3A_263 : memref<1x128xi32, #tpu.memory_space<vmem>> -> memref<128xi32, #tpu.memory_space<vmem>>
      %dma_start3A_265 = arith.constant 0 : i32
      %dma_start3A_266 = arith.constant 0 : i32
      %dma_start3A_267 = tpu.memref_slice %arg11[%dma_start3A_265, %dma_start3A_266] : memref<10240x32xbf16, #tpu.memory_space<vmem_shared>> -> memref<10240x32xbf16, #tpu.memory_space<vmem_shared>>
      tpu.enqueue_indirect_dma source(%dma_start3A_261 : memref<128x32xbf16, #tpu.memory_space<vmem>>) target(%dma_start3A_267 : memref<10240x32xbf16, #tpu.memory_space<vmem_shared>>) offsets(%dma_start3A_264 : memref<128xi32, #tpu.memory_space<vmem>>) semaphore(%arg23 : memref<!tpu.dma_semaphore, #tpu.memory_space<semaphore_mem>>) {add = true}
      %add3A_268 = arith.constant 3 : i32
      %add3A_269 = arith.addi %mul3A_187, %add3A_268 : i32
      %add3A_270 = arith.constant 5 : i32
      %add3A_271 = arith.addi %add3A_269, %add3A_270 : i32
      %lt3A_272 = arith.constant 160 : i32
      %lt3A_273 = arith.cmpi slt, %add3A_271, %lt3A_272 : i32
      %convert_element_type3A_274 = arith.extui %lt3A_273 : i1 to i32
      %cond3A_275 = arith.constant 0 : i32
      %cond3A_276 = arith.cmpi ne, %convert_element_type3A_274, %cond3A_275 : i32
      scf.if %cond3A_276 {
        %ge3A = arith.constant 3 : i32
        %ge3A_403 = arith.cmpi sge, %add3A_269, %ge3A : i32
        %convert_element_type3A_404 = arith.extui %ge3A_403 : i1 to i32
        %cond3A_405 = arith.constant 0 : i32
        %cond3A_406 = arith.cmpi ne, %convert_element_type3A_404, %cond3A_405 : i32
        scf.if %cond3A_406 {
          %dma_wait3A_418 = arith.constant 0 : i32
          %dma_wait3A_419 = arith.constant 0 : i32
          %dma_wait3A_420 = arith.constant 0 : i32
          %dma_wait3A_421 = tpu.memref_slice %arg10[%dma_wait3A_419, %dma_wait3A_420] : memref<1024x32xbf16, #tpu.memory_space<vmem>> -> memref<128x32xbf16, #tpu.memory_space<vmem>>
          %dma_wait3A_422 = arith.constant 0 : i32
          %dma_wait3A_423 = tpu.memref_slice %arg9[%dma_wait3A_418, %dma_wait3A_422] : memref<160x128xi32, #tpu.memory_space<vmem>> -> memref<1x128xi32, #tpu.memory_space<vmem>>
          %dma_wait3A_424 = tpu.memref_squeeze %dma_wait3A_423 : memref<1x128xi32, #tpu.memory_space<vmem>> -> memref<128xi32, #tpu.memory_space<vmem>>
          %dma_wait3A_425 = arith.constant 0 : i32
          %dma_wait3A_426 = arith.constant 0 : i32
          %dma_wait3A_427 = tpu.memref_slice %arg11[%dma_wait3A_425, %dma_wait3A_426] : memref<10240x32xbf16, #tpu.memory_space<vmem_shared>> -> memref<10240x32xbf16, #tpu.memory_space<vmem_shared>>
          tpu.wait_indirect_dma semaphore(%arg21 : memref<!tpu.dma_semaphore, #tpu.memory_space<semaphore_mem>>) src(%dma_wait3A_421 : memref<128x32xbf16, #tpu.memory_space<vmem>>) dst(%dma_wait3A_427 : memref<10240x32xbf16, #tpu.memory_space<vmem_shared>>)
        } else {
        }
        %add3A_407 = arith.constant 5 : i32
        %add3A_408 = arith.addi %add3A_269, %add3A_407 : i32
        %dma_start3A_409 = arith.constant 0 : i32
        %dma_start3A_410 = arith.constant 0 : i32
        %dma_start3A_411 = tpu.memref_slice %arg10[%dma_start3A_409, %dma_start3A_410] : memref<1024x32xbf16, #tpu.memory_space<vmem>> -> memref<128x32xbf16, #tpu.memory_space<vmem>>
        %dma_start3A_412 = arith.constant 0 : i32
        %dma_start3A_413 = tpu.memref_slice %arg8[%add3A_408, %dma_start3A_412] : memref<160x128xi32, #tpu.memory_space<vmem>> -> memref<1x128xi32, #tpu.memory_space<vmem>>
        %dma_start3A_414 = tpu.memref_squeeze %dma_start3A_413 : memref<1x128xi32, #tpu.memory_space<vmem>> -> memref<128xi32, #tpu.memory_space<vmem>>
        %dma_start3A_415 = arith.constant 0 : i32
        %dma_start3A_416 = arith.constant 0 : i32
        %dma_start3A_417 = tpu.memref_slice %arg12[%dma_start3A_415, %dma_start3A_416] : memref<10240x32xbf16, #tpu.memory_space<vmem_shared>> -> memref<10240x32xbf16, #tpu.memory_space<vmem_shared>>
        tpu.enqueue_indirect_dma source(%dma_start3A_417 : memref<10240x32xbf16, #tpu.memory_space<vmem_shared>>) target(%dma_start3A_411 : memref<128x32xbf16, #tpu.memory_space<vmem>>) offsets(%dma_start3A_414 : memref<128xi32, #tpu.memory_space<vmem>>) semaphore(%arg13 : memref<!tpu.dma_semaphore, #tpu.memory_space<semaphore_mem>>)
      } else {
      }
      %dma_wait3A_277 = arith.constant 384 : i32
      %dma_wait3A_278 = arith.constant 0 : i32
      %dma_wait3A_279 = tpu.memref_slice %arg10[%dma_wait3A_277, %dma_wait3A_278] : memref<1024x32xbf16, #tpu.memory_space<vmem>> -> memref<128x32xbf16, #tpu.memory_space<vmem>>
      %dma_wait3A_280 = arith.constant 0 : i32
      %dma_wait3A_281 = tpu.memref_slice %arg8[%add3A_269, %dma_wait3A_280] : memref<160x128xi32, #tpu.memory_space<vmem>> -> memref<1x128xi32, #tpu.memory_space<vmem>>
      %dma_wait3A_282 = tpu.memref_squeeze %dma_wait3A_281 : memref<1x128xi32, #tpu.memory_space<vmem>> -> memref<128xi32, #tpu.memory_space<vmem>>
      %dma_wait3A_283 = arith.constant 0 : i32
      %dma_wait3A_284 = arith.constant 0 : i32
      %dma_wait3A_285 = tpu.memref_slice %arg12[%dma_wait3A_283, %dma_wait3A_284] : memref<10240x32xbf16, #tpu.memory_space<vmem_shared>> -> memref<10240x32xbf16, #tpu.memory_space<vmem_shared>>
      tpu.wait_indirect_dma semaphore(%arg16 : memref<!tpu.dma_semaphore, #tpu.memory_space<semaphore_mem>>) src(%dma_wait3A_285 : memref<10240x32xbf16, #tpu.memory_space<vmem_shared>>) dst(%dma_wait3A_279 : memref<128x32xbf16, #tpu.memory_space<vmem>>)
      %dma_start3A_286 = arith.constant 384 : i32
      %dma_start3A_287 = arith.constant 0 : i32
      %dma_start3A_288 = tpu.memref_slice %arg10[%dma_start3A_286, %dma_start3A_287] : memref<1024x32xbf16, #tpu.memory_space<vmem>> -> memref<128x32xbf16, #tpu.memory_space<vmem>>
      %dma_start3A_289 = arith.constant 0 : i32
      %dma_start3A_290 = tpu.memref_slice %arg9[%add3A_269, %dma_start3A_289] : memref<160x128xi32, #tpu.memory_space<vmem>> -> memref<1x128xi32, #tpu.memory_space<vmem>>
      %dma_start3A_291 = tpu.memref_squeeze %dma_start3A_290 : memref<1x128xi32, #tpu.memory_space<vmem>> -> memref<128xi32, #tpu.memory_space<vmem>>
      %dma_start3A_292 = arith.constant 0 : i32
      %dma_start3A_293 = arith.constant 0 : i32
      %dma_start3A_294 = tpu.memref_slice %arg11[%dma_start3A_292, %dma_start3A_293] : memref<10240x32xbf16, #tpu.memory_space<vmem_shared>> -> memref<10240x32xbf16, #tpu.memory_space<vmem_shared>>
      tpu.enqueue_indirect_dma source(%dma_start3A_288 : memref<128x32xbf16, #tpu.memory_space<vmem>>) target(%dma_start3A_294 : memref<10240x32xbf16, #tpu.memory_space<vmem_shared>>) offsets(%dma_start3A_291 : memref<128xi32, #tpu.memory_space<vmem>>) semaphore(%arg24 : memref<!tpu.dma_semaphore, #tpu.memory_space<semaphore_mem>>) {add = true}
      %add3A_295 = arith.constant 4 : i32
      %add3A_296 = arith.addi %mul3A_187, %add3A_295 : i32
      %add3A_297 = arith.constant 5 : i32
      %add3A_298 = arith.addi %add3A_296, %add3A_297 : i32
      %lt3A_299 = arith.constant 160 : i32
      %lt3A_300 = arith.cmpi slt, %add3A_298, %lt3A_299 : i32
      %convert_element_type3A_301 = arith.extui %lt3A_300 : i1 to i32
      %cond3A_302 = arith.constant 0 : i32
      %cond3A_303 = arith.cmpi ne, %convert_element_type3A_301, %cond3A_302 : i32
      scf.if %cond3A_303 {
        %ge3A = arith.constant 3 : i32
        %ge3A_403 = arith.cmpi sge, %add3A_296, %ge3A : i32
        %convert_element_type3A_404 = arith.extui %ge3A_403 : i1 to i32
        %cond3A_405 = arith.constant 0 : i32
        %cond3A_406 = arith.cmpi ne, %convert_element_type3A_404, %cond3A_405 : i32
        scf.if %cond3A_406 {
          %dma_wait3A_418 = arith.constant 0 : i32
          %dma_wait3A_419 = arith.constant 128 : i32
          %dma_wait3A_420 = arith.constant 0 : i32
          %dma_wait3A_421 = tpu.memref_slice %arg10[%dma_wait3A_419, %dma_wait3A_420] : memref<1024x32xbf16, #tpu.memory_space<vmem>> -> memref<128x32xbf16, #tpu.memory_space<vmem>>
          %dma_wait3A_422 = arith.constant 0 : i32
          %dma_wait3A_423 = tpu.memref_slice %arg9[%dma_wait3A_418, %dma_wait3A_422] : memref<160x128xi32, #tpu.memory_space<vmem>> -> memref<1x128xi32, #tpu.memory_space<vmem>>
          %dma_wait3A_424 = tpu.memref_squeeze %dma_wait3A_423 : memref<1x128xi32, #tpu.memory_space<vmem>> -> memref<128xi32, #tpu.memory_space<vmem>>
          %dma_wait3A_425 = arith.constant 0 : i32
          %dma_wait3A_426 = arith.constant 0 : i32
          %dma_wait3A_427 = tpu.memref_slice %arg11[%dma_wait3A_425, %dma_wait3A_426] : memref<10240x32xbf16, #tpu.memory_space<vmem_shared>> -> memref<10240x32xbf16, #tpu.memory_space<vmem_shared>>
          tpu.wait_indirect_dma semaphore(%arg22 : memref<!tpu.dma_semaphore, #tpu.memory_space<semaphore_mem>>) src(%dma_wait3A_421 : memref<128x32xbf16, #tpu.memory_space<vmem>>) dst(%dma_wait3A_427 : memref<10240x32xbf16, #tpu.memory_space<vmem_shared>>)
        } else {
        }
        %add3A_407 = arith.constant 5 : i32
        %add3A_408 = arith.addi %add3A_296, %add3A_407 : i32
        %dma_start3A_409 = arith.constant 128 : i32
        %dma_start3A_410 = arith.constant 0 : i32
        %dma_start3A_411 = tpu.memref_slice %arg10[%dma_start3A_409, %dma_start3A_410] : memref<1024x32xbf16, #tpu.memory_space<vmem>> -> memref<128x32xbf16, #tpu.memory_space<vmem>>
        %dma_start3A_412 = arith.constant 0 : i32
        %dma_start3A_413 = tpu.memref_slice %arg8[%add3A_408, %dma_start3A_412] : memref<160x128xi32, #tpu.memory_space<vmem>> -> memref<1x128xi32, #tpu.memory_space<vmem>>
        %dma_start3A_414 = tpu.memref_squeeze %dma_start3A_413 : memref<1x128xi32, #tpu.memory_space<vmem>> -> memref<128xi32, #tpu.memory_space<vmem>>
        %dma_start3A_415 = arith.constant 0 : i32
        %dma_start3A_416 = arith.constant 0 : i32
        %dma_start3A_417 = tpu.memref_slice %arg12[%dma_start3A_415, %dma_start3A_416] : memref<10240x32xbf16, #tpu.memory_space<vmem_shared>> -> memref<10240x32xbf16, #tpu.memory_space<vmem_shared>>
        tpu.enqueue_indirect_dma source(%dma_start3A_417 : memref<10240x32xbf16, #tpu.memory_space<vmem_shared>>) target(%dma_start3A_411 : memref<128x32xbf16, #tpu.memory_space<vmem>>) offsets(%dma_start3A_414 : memref<128xi32, #tpu.memory_space<vmem>>) semaphore(%arg14 : memref<!tpu.dma_semaphore, #tpu.memory_space<semaphore_mem>>)
      } else {
      }
      %dma_wait3A_304 = arith.constant 512 : i32
      %dma_wait3A_305 = arith.constant 0 : i32
      %dma_wait3A_306 = tpu.memref_slice %arg10[%dma_wait3A_304, %dma_wait3A_305] : memref<1024x32xbf16, #tpu.memory_space<vmem>> -> memref<128x32xbf16, #tpu.memory_space<vmem>>
      %dma_wait3A_307 = arith.constant 0 : i32
      %dma_wait3A_308 = tpu.memref_slice %arg8[%add3A_296, %dma_wait3A_307] : memref<160x128xi32, #tpu.memory_space<vmem>> -> memref<1x128xi32, #tpu.memory_space<vmem>>
      %dma_wait3A_309 = tpu.memref_squeeze %dma_wait3A_308 : memref<1x128xi32, #tpu.memory_space<vmem>> -> memref<128xi32, #tpu.memory_space<vmem>>
      %dma_wait3A_310 = arith.constant 0 : i32
      %dma_wait3A_311 = arith.constant 0 : i32
      %dma_wait3A_312 = tpu.memref_slice %arg12[%dma_wait3A_310, %dma_wait3A_311] : memref<10240x32xbf16, #tpu.memory_space<vmem_shared>> -> memref<10240x32xbf16, #tpu.memory_space<vmem_shared>>
      tpu.wait_indirect_dma semaphore(%arg17 : memref<!tpu.dma_semaphore, #tpu.memory_space<semaphore_mem>>) src(%dma_wait3A_312 : memref<10240x32xbf16, #tpu.memory_space<vmem_shared>>) dst(%dma_wait3A_306 : memref<128x32xbf16, #tpu.memory_space<vmem>>)
      %dma_start3A_313 = arith.constant 512 : i32
      %dma_start3A_314 = arith.constant 0 : i32
      %dma_start3A_315 = tpu.memref_slice %arg10[%dma_start3A_313, %dma_start3A_314] : memref<1024x32xbf16, #tpu.memory_space<vmem>> -> memref<128x32xbf16, #tpu.memory_space<vmem>>
      %dma_start3A_316 = arith.constant 0 : i32
      %dma_start3A_317 = tpu.memref_slice %arg9[%add3A_296, %dma_start3A_316] : memref<160x128xi32, #tpu.memory_space<vmem>> -> memref<1x128xi32, #tpu.memory_space<vmem>>
      %dma_start3A_318 = tpu.memref_squeeze %dma_start3A_317 : memref<1x128xi32, #tpu.memory_space<vmem>> -> memref<128xi32, #tpu.memory_space<vmem>>
      %dma_start3A_319 = arith.constant 0 : i32
      %dma_start3A_320 = arith.constant 0 : i32
      %dma_start3A_321 = tpu.memref_slice %arg11[%dma_start3A_319, %dma_start3A_320] : memref<10240x32xbf16, #tpu.memory_space<vmem_shared>> -> memref<10240x32xbf16, #tpu.memory_space<vmem_shared>>
      tpu.enqueue_indirect_dma source(%dma_start3A_315 : memref<128x32xbf16, #tpu.memory_space<vmem>>) target(%dma_start3A_321 : memref<10240x32xbf16, #tpu.memory_space<vmem_shared>>) offsets(%dma_start3A_318 : memref<128xi32, #tpu.memory_space<vmem>>) semaphore(%arg25 : memref<!tpu.dma_semaphore, #tpu.memory_space<semaphore_mem>>) {add = true}
      %add3A_322 = arith.constant 5 : i32
      %add3A_323 = arith.addi %mul3A_187, %add3A_322 : i32
      %add3A_324 = arith.constant 5 : i32
      %add3A_325 = arith.addi %add3A_323, %add3A_324 : i32
      %lt3A_326 = arith.constant 160 : i32
      %lt3A_327 = arith.cmpi slt, %add3A_325, %lt3A_326 : i32
      %convert_element_type3A_328 = arith.extui %lt3A_327 : i1 to i32
      %cond3A_329 = arith.constant 0 : i32
      %cond3A_330 = arith.cmpi ne, %convert_element_type3A_328, %cond3A_329 : i32
      scf.if %cond3A_330 {
        %ge3A = arith.constant 3 : i32
        %ge3A_403 = arith.cmpi sge, %add3A_323, %ge3A : i32
        %convert_element_type3A_404 = arith.extui %ge3A_403 : i1 to i32
        %cond3A_405 = arith.constant 0 : i32
        %cond3A_406 = arith.cmpi ne, %convert_element_type3A_404, %cond3A_405 : i32
        scf.if %cond3A_406 {
          %dma_wait3A_418 = arith.constant 0 : i32
          %dma_wait3A_419 = arith.constant 256 : i32
          %dma_wait3A_420 = arith.constant 0 : i32
          %dma_wait3A_421 = tpu.memref_slice %arg10[%dma_wait3A_419, %dma_wait3A_420] : memref<1024x32xbf16, #tpu.memory_space<vmem>> -> memref<128x32xbf16, #tpu.memory_space<vmem>>
          %dma_wait3A_422 = arith.constant 0 : i32
          %dma_wait3A_423 = tpu.memref_slice %arg9[%dma_wait3A_418, %dma_wait3A_422] : memref<160x128xi32, #tpu.memory_space<vmem>> -> memref<1x128xi32, #tpu.memory_space<vmem>>
          %dma_wait3A_424 = tpu.memref_squeeze %dma_wait3A_423 : memref<1x128xi32, #tpu.memory_space<vmem>> -> memref<128xi32, #tpu.memory_space<vmem>>
          %dma_wait3A_425 = arith.constant 0 : i32
          %dma_wait3A_426 = arith.constant 0 : i32
          %dma_wait3A_427 = tpu.memref_slice %arg11[%dma_wait3A_425, %dma_wait3A_426] : memref<10240x32xbf16, #tpu.memory_space<vmem_shared>> -> memref<10240x32xbf16, #tpu.memory_space<vmem_shared>>
          tpu.wait_indirect_dma semaphore(%arg23 : memref<!tpu.dma_semaphore, #tpu.memory_space<semaphore_mem>>) src(%dma_wait3A_421 : memref<128x32xbf16, #tpu.memory_space<vmem>>) dst(%dma_wait3A_427 : memref<10240x32xbf16, #tpu.memory_space<vmem_shared>>)
        } else {
        }
        %add3A_407 = arith.constant 5 : i32
        %add3A_408 = arith.addi %add3A_323, %add3A_407 : i32
        %dma_start3A_409 = arith.constant 256 : i32
        %dma_start3A_410 = arith.constant 0 : i32
        %dma_start3A_411 = tpu.memref_slice %arg10[%dma_start3A_409, %dma_start3A_410] : memref<1024x32xbf16, #tpu.memory_space<vmem>> -> memref<128x32xbf16, #tpu.memory_space<vmem>>
        %dma_start3A_412 = arith.constant 0 : i32
        %dma_start3A_413 = tpu.memref_slice %arg8[%add3A_408, %dma_start3A_412] : memref<160x128xi32, #tpu.memory_space<vmem>> -> memref<1x128xi32, #tpu.memory_space<vmem>>
        %dma_start3A_414 = tpu.memref_squeeze %dma_start3A_413 : memref<1x128xi32, #tpu.memory_space<vmem>> -> memref<128xi32, #tpu.memory_space<vmem>>
        %dma_start3A_415 = arith.constant 0 : i32
        %dma_start3A_416 = arith.constant 0 : i32
        %dma_start3A_417 = tpu.memref_slice %arg12[%dma_start3A_415, %dma_start3A_416] : memref<10240x32xbf16, #tpu.memory_space<vmem_shared>> -> memref<10240x32xbf16, #tpu.memory_space<vmem_shared>>
        tpu.enqueue_indirect_dma source(%dma_start3A_417 : memref<10240x32xbf16, #tpu.memory_space<vmem_shared>>) target(%dma_start3A_411 : memref<128x32xbf16, #tpu.memory_space<vmem>>) offsets(%dma_start3A_414 : memref<128xi32, #tpu.memory_space<vmem>>) semaphore(%arg15 : memref<!tpu.dma_semaphore, #tpu.memory_space<semaphore_mem>>)
      } else {
      }
      %dma_wait3A_331 = arith.constant 640 : i32
      %dma_wait3A_332 = arith.constant 0 : i32
      %dma_wait3A_333 = tpu.memref_slice %arg10[%dma_wait3A_331, %dma_wait3A_332] : memref<1024x32xbf16, #tpu.memory_space<vmem>> -> memref<128x32xbf16, #tpu.memory_space<vmem>>
      %dma_wait3A_334 = arith.constant 0 : i32
      %dma_wait3A_335 = tpu.memref_slice %arg8[%add3A_323, %dma_wait3A_334] : memref<160x128xi32, #tpu.memory_space<vmem>> -> memref<1x128xi32, #tpu.memory_space<vmem>>
      %dma_wait3A_336 = tpu.memref_squeeze %dma_wait3A_335 : memref<1x128xi32, #tpu.memory_space<vmem>> -> memref<128xi32, #tpu.memory_space<vmem>>
      %dma_wait3A_337 = arith.constant 0 : i32
      %dma_wait3A_338 = arith.constant 0 : i32
      %dma_wait3A_339 = tpu.memref_slice %arg12[%dma_wait3A_337, %dma_wait3A_338] : memref<10240x32xbf16, #tpu.memory_space<vmem_shared>> -> memref<10240x32xbf16, #tpu.memory_space<vmem_shared>>
      tpu.wait_indirect_dma semaphore(%arg18 : memref<!tpu.dma_semaphore, #tpu.memory_space<semaphore_mem>>) src(%dma_wait3A_339 : memref<10240x32xbf16, #tpu.memory_space<vmem_shared>>) dst(%dma_wait3A_333 : memref<128x32xbf16, #tpu.memory_space<vmem>>)
      %dma_start3A_340 = arith.constant 640 : i32
      %dma_start3A_341 = arith.constant 0 : i32
      %dma_start3A_342 = tpu.memref_slice %arg10[%dma_start3A_340, %dma_start3A_341] : memref<1024x32xbf16, #tpu.memory_space<vmem>> -> memref<128x32xbf16, #tpu.memory_space<vmem>>
      %dma_start3A_343 = arith.constant 0 : i32
      %dma_start3A_344 = tpu.memref_slice %arg9[%add3A_323, %dma_start3A_343] : memref<160x128xi32, #tpu.memory_space<vmem>> -> memref<1x128xi32, #tpu.memory_space<vmem>>
      %dma_start3A_345 = tpu.memref_squeeze %dma_start3A_344 : memref<1x128xi32, #tpu.memory_space<vmem>> -> memref<128xi32, #tpu.memory_space<vmem>>
      %dma_start3A_346 = arith.constant 0 : i32
      %dma_start3A_347 = arith.constant 0 : i32
      %dma_start3A_348 = tpu.memref_slice %arg11[%dma_start3A_346, %dma_start3A_347] : memref<10240x32xbf16, #tpu.memory_space<vmem_shared>> -> memref<10240x32xbf16, #tpu.memory_space<vmem_shared>>
      tpu.enqueue_indirect_dma source(%dma_start3A_342 : memref<128x32xbf16, #tpu.memory_space<vmem>>) target(%dma_start3A_348 : memref<10240x32xbf16, #tpu.memory_space<vmem_shared>>) offsets(%dma_start3A_345 : memref<128xi32, #tpu.memory_space<vmem>>) semaphore(%arg26 : memref<!tpu.dma_semaphore, #tpu.memory_space<semaphore_mem>>) {add = true}
      %add3A_349 = arith.constant 6 : i32
      %add3A_350 = arith.addi %mul3A_187, %add3A_349 : i32
      %add3A_351 = arith.constant 5 : i32
      %add3A_352 = arith.addi %add3A_350, %add3A_351 : i32
      %lt3A_353 = arith.constant 160 : i32
      %lt3A_354 = arith.cmpi slt, %add3A_352, %lt3A_353 : i32
      %convert_element_type3A_355 = arith.extui %lt3A_354 : i1 to i32
      %cond3A_356 = arith.constant 0 : i32
      %cond3A_357 = arith.cmpi ne, %convert_element_type3A_355, %cond3A_356 : i32
      scf.if %cond3A_357 {
        %ge3A = arith.constant 3 : i32
        %ge3A_403 = arith.cmpi sge, %add3A_350, %ge3A : i32
        %convert_element_type3A_404 = arith.extui %ge3A_403 : i1 to i32
        %cond3A_405 = arith.constant 0 : i32
        %cond3A_406 = arith.cmpi ne, %convert_element_type3A_404, %cond3A_405 : i32
        scf.if %cond3A_406 {
          %dma_wait3A_418 = arith.constant 0 : i32
          %dma_wait3A_419 = arith.constant 384 : i32
          %dma_wait3A_420 = arith.constant 0 : i32
          %dma_wait3A_421 = tpu.memref_slice %arg10[%dma_wait3A_419, %dma_wait3A_420] : memref<1024x32xbf16, #tpu.memory_space<vmem>> -> memref<128x32xbf16, #tpu.memory_space<vmem>>
          %dma_wait3A_422 = arith.constant 0 : i32
          %dma_wait3A_423 = tpu.memref_slice %arg9[%dma_wait3A_418, %dma_wait3A_422] : memref<160x128xi32, #tpu.memory_space<vmem>> -> memref<1x128xi32, #tpu.memory_space<vmem>>
          %dma_wait3A_424 = tpu.memref_squeeze %dma_wait3A_423 : memref<1x128xi32, #tpu.memory_space<vmem>> -> memref<128xi32, #tpu.memory_space<vmem>>
          %dma_wait3A_425 = arith.constant 0 : i32
          %dma_wait3A_426 = arith.constant 0 : i32
          %dma_wait3A_427 = tpu.memref_slice %arg11[%dma_wait3A_425, %dma_wait3A_426] : memref<10240x32xbf16, #tpu.memory_space<vmem_shared>> -> memref<10240x32xbf16, #tpu.memory_space<vmem_shared>>
          tpu.wait_indirect_dma semaphore(%arg24 : memref<!tpu.dma_semaphore, #tpu.memory_space<semaphore_mem>>) src(%dma_wait3A_421 : memref<128x32xbf16, #tpu.memory_space<vmem>>) dst(%dma_wait3A_427 : memref<10240x32xbf16, #tpu.memory_space<vmem_shared>>)
        } else {
        }
        %add3A_407 = arith.constant 5 : i32
        %add3A_408 = arith.addi %add3A_350, %add3A_407 : i32
        %dma_start3A_409 = arith.constant 384 : i32
        %dma_start3A_410 = arith.constant 0 : i32
        %dma_start3A_411 = tpu.memref_slice %arg10[%dma_start3A_409, %dma_start3A_410] : memref<1024x32xbf16, #tpu.memory_space<vmem>> -> memref<128x32xbf16, #tpu.memory_space<vmem>>
        %dma_start3A_412 = arith.constant 0 : i32
        %dma_start3A_413 = tpu.memref_slice %arg8[%add3A_408, %dma_start3A_412] : memref<160x128xi32, #tpu.memory_space<vmem>> -> memref<1x128xi32, #tpu.memory_space<vmem>>
        %dma_start3A_414 = tpu.memref_squeeze %dma_start3A_413 : memref<1x128xi32, #tpu.memory_space<vmem>> -> memref<128xi32, #tpu.memory_space<vmem>>
        %dma_start3A_415 = arith.constant 0 : i32
        %dma_start3A_416 = arith.constant 0 : i32
        %dma_start3A_417 = tpu.memref_slice %arg12[%dma_start3A_415, %dma_start3A_416] : memref<10240x32xbf16, #tpu.memory_space<vmem_shared>> -> memref<10240x32xbf16, #tpu.memory_space<vmem_shared>>
        tpu.enqueue_indirect_dma source(%dma_start3A_417 : memref<10240x32xbf16, #tpu.memory_space<vmem_shared>>) target(%dma_start3A_411 : memref<128x32xbf16, #tpu.memory_space<vmem>>) offsets(%dma_start3A_414 : memref<128xi32, #tpu.memory_space<vmem>>) semaphore(%arg16 : memref<!tpu.dma_semaphore, #tpu.memory_space<semaphore_mem>>)
      } else {
      }
      %dma_wait3A_358 = arith.constant 768 : i32
      %dma_wait3A_359 = arith.constant 0 : i32
      %dma_wait3A_360 = tpu.memref_slice %arg10[%dma_wait3A_358, %dma_wait3A_359] : memref<1024x32xbf16, #tpu.memory_space<vmem>> -> memref<128x32xbf16, #tpu.memory_space<vmem>>
      %dma_wait3A_361 = arith.constant 0 : i32
      %dma_wait3A_362 = tpu.memref_slice %arg8[%add3A_350, %dma_wait3A_361] : memref<160x128xi32, #tpu.memory_space<vmem>> -> memref<1x128xi32, #tpu.memory_space<vmem>>
      %dma_wait3A_363 = tpu.memref_squeeze %dma_wait3A_362 : memref<1x128xi32, #tpu.memory_space<vmem>> -> memref<128xi32, #tpu.memory_space<vmem>>
      %dma_wait3A_364 = arith.constant 0 : i32
      %dma_wait3A_365 = arith.constant 0 : i32
      %dma_wait3A_366 = tpu.memref_slice %arg12[%dma_wait3A_364, %dma_wait3A_365] : memref<10240x32xbf16, #tpu.memory_space<vmem_shared>> -> memref<10240x32xbf16, #tpu.memory_space<vmem_shared>>
      tpu.wait_indirect_dma semaphore(%arg19 : memref<!tpu.dma_semaphore, #tpu.memory_space<semaphore_mem>>) src(%dma_wait3A_366 : memref<10240x32xbf16, #tpu.memory_space<vmem_shared>>) dst(%dma_wait3A_360 : memref<128x32xbf16, #tpu.memory_space<vmem>>)
      %dma_start3A_367 = arith.constant 768 : i32
      %dma_start3A_368 = arith.constant 0 : i32
      %dma_start3A_369 = tpu.memref_slice %arg10[%dma_start3A_367, %dma_start3A_368] : memref<1024x32xbf16, #tpu.memory_space<vmem>> -> memref<128x32xbf16, #tpu.memory_space<vmem>>
      %dma_start3A_370 = arith.constant 0 : i32
      %dma_start3A_371 = tpu.memref_slice %arg9[%add3A_350, %dma_start3A_370] : memref<160x128xi32, #tpu.memory_space<vmem>> -> memref<1x128xi32, #tpu.memory_space<vmem>>
      %dma_start3A_372 = tpu.memref_squeeze %dma_start3A_371 : memref<1x128xi32, #tpu.memory_space<vmem>> -> memref<128xi32, #tpu.memory_space<vmem>>
      %dma_start3A_373 = arith.constant 0 : i32
      %dma_start3A_374 = arith.constant 0 : i32
      %dma_start3A_375 = tpu.memref_slice %arg11[%dma_start3A_373, %dma_start3A_374] : memref<10240x32xbf16, #tpu.memory_space<vmem_shared>> -> memref<10240x32xbf16, #tpu.memory_space<vmem_shared>>
      tpu.enqueue_indirect_dma source(%dma_start3A_369 : memref<128x32xbf16, #tpu.memory_space<vmem>>) target(%dma_start3A_375 : memref<10240x32xbf16, #tpu.memory_space<vmem_shared>>) offsets(%dma_start3A_372 : memref<128xi32, #tpu.memory_space<vmem>>) semaphore(%arg27 : memref<!tpu.dma_semaphore, #tpu.memory_space<semaphore_mem>>) {add = true}
      %add3A_376 = arith.constant 7 : i32
      %add3A_377 = arith.addi %mul3A_187, %add3A_376 : i32
      %add3A_378 = arith.constant 5 : i32
      %add3A_379 = arith.addi %add3A_377, %add3A_378 : i32
      %lt3A_380 = arith.constant 160 : i32
      %lt3A_381 = arith.cmpi slt, %add3A_379, %lt3A_380 : i32
      %convert_element_type3A_382 = arith.extui %lt3A_381 : i1 to i32
      %cond3A_383 = arith.constant 0 : i32
      %cond3A_384 = arith.cmpi ne, %convert_element_type3A_382, %cond3A_383 : i32
      scf.if %cond3A_384 {
        %ge3A = arith.constant 3 : i32
        %ge3A_403 = arith.cmpi sge, %add3A_377, %ge3A : i32
        %convert_element_type3A_404 = arith.extui %ge3A_403 : i1 to i32
        %cond3A_405 = arith.constant 0 : i32
        %cond3A_406 = arith.cmpi ne, %convert_element_type3A_404, %cond3A_405 : i32
        scf.if %cond3A_406 {
          %dma_wait3A_418 = arith.constant 0 : i32
          %dma_wait3A_419 = arith.constant 512 : i32
          %dma_wait3A_420 = arith.constant 0 : i32
          %dma_wait3A_421 = tpu.memref_slice %arg10[%dma_wait3A_419, %dma_wait3A_420] : memref<1024x32xbf16, #tpu.memory_space<vmem>> -> memref<128x32xbf16, #tpu.memory_space<vmem>>
          %dma_wait3A_422 = arith.constant 0 : i32
          %dma_wait3A_423 = tpu.memref_slice %arg9[%dma_wait3A_418, %dma_wait3A_422] : memref<160x128xi32, #tpu.memory_space<vmem>> -> memref<1x128xi32, #tpu.memory_space<vmem>>
          %dma_wait3A_424 = tpu.memref_squeeze %dma_wait3A_423 : memref<1x128xi32, #tpu.memory_space<vmem>> -> memref<128xi32, #tpu.memory_space<vmem>>
          %dma_wait3A_425 = arith.constant 0 : i32
          %dma_wait3A_426 = arith.constant 0 : i32
          %dma_wait3A_427 = tpu.memref_slice %arg11[%dma_wait3A_425, %dma_wait3A_426] : memref<10240x32xbf16, #tpu.memory_space<vmem_shared>> -> memref<10240x32xbf16, #tpu.memory_space<vmem_shared>>
          tpu.wait_indirect_dma semaphore(%arg25 : memref<!tpu.dma_semaphore, #tpu.memory_space<semaphore_mem>>) src(%dma_wait3A_421 : memref<128x32xbf16, #tpu.memory_space<vmem>>) dst(%dma_wait3A_427 : memref<10240x32xbf16, #tpu.memory_space<vmem_shared>>)
        } else {
        }
        %add3A_407 = arith.constant 5 : i32
        %add3A_408 = arith.addi %add3A_377, %add3A_407 : i32
        %dma_start3A_409 = arith.constant 512 : i32
        %dma_start3A_410 = arith.constant 0 : i32
        %dma_start3A_411 = tpu.memref_slice %arg10[%dma_start3A_409, %dma_start3A_410] : memref<1024x32xbf16, #tpu.memory_space<vmem>> -> memref<128x32xbf16, #tpu.memory_space<vmem>>
        %dma_start3A_412 = arith.constant 0 : i32
        %dma_start3A_413 = tpu.memref_slice %arg8[%add3A_408, %dma_start3A_412] : memref<160x128xi32, #tpu.memory_space<vmem>> -> memref<1x128xi32, #tpu.memory_space<vmem>>
        %dma_start3A_414 = tpu.memref_squeeze %dma_start3A_413 : memref<1x128xi32, #tpu.memory_space<vmem>> -> memref<128xi32, #tpu.memory_space<vmem>>
        %dma_start3A_415 = arith.constant 0 : i32
        %dma_start3A_416 = arith.constant 0 : i32
        %dma_start3A_417 = tpu.memref_slice %arg12[%dma_start3A_415, %dma_start3A_416] : memref<10240x32xbf16, #tpu.memory_space<vmem_shared>> -> memref<10240x32xbf16, #tpu.memory_space<vmem_shared>>
        tpu.enqueue_indirect_dma source(%dma_start3A_417 : memref<10240x32xbf16, #tpu.memory_space<vmem_shared>>) target(%dma_start3A_411 : memref<128x32xbf16, #tpu.memory_space<vmem>>) offsets(%dma_start3A_414 : memref<128xi32, #tpu.memory_space<vmem>>) semaphore(%arg17 : memref<!tpu.dma_semaphore, #tpu.memory_space<semaphore_mem>>)
      } else {
      }
      %dma_wait3A_385 = arith.constant 896 : i32
      %dma_wait3A_386 = arith.constant 0 : i32
      %dma_wait3A_387 = tpu.memref_slice %arg10[%dma_wait3A_385, %dma_wait3A_386] : memref<1024x32xbf16, #tpu.memory_space<vmem>> -> memref<128x32xbf16, #tpu.memory_space<vmem>>
      %dma_wait3A_388 = arith.constant 0 : i32
      %dma_wait3A_389 = tpu.memref_slice %arg8[%add3A_377, %dma_wait3A_388] : memref<160x128xi32, #tpu.memory_space<vmem>> -> memref<1x128xi32, #tpu.memory_space<vmem>>
      %dma_wait3A_390 = tpu.memref_squeeze %dma_wait3A_389 : memref<1x128xi32, #tpu.memory_space<vmem>> -> memref<128xi32, #tpu.memory_space<vmem>>
      %dma_wait3A_391 = arith.constant 0 : i32
      %dma_wait3A_392 = arith.constant 0 : i32
      %dma_wait3A_393 = tpu.memref_slice %arg12[%dma_wait3A_391, %dma_wait3A_392] : memref<10240x32xbf16, #tpu.memory_space<vmem_shared>> -> memref<10240x32xbf16, #tpu.memory_space<vmem_shared>>
      tpu.wait_indirect_dma semaphore(%arg20 : memref<!tpu.dma_semaphore, #tpu.memory_space<semaphore_mem>>) src(%dma_wait3A_393 : memref<10240x32xbf16, #tpu.memory_space<vmem_shared>>) dst(%dma_wait3A_387 : memref<128x32xbf16, #tpu.memory_space<vmem>>)
      %dma_start3A_394 = arith.constant 896 : i32
      %dma_start3A_395 = arith.constant 0 : i32
      %dma_start3A_396 = tpu.memref_slice %arg10[%dma_start3A_394, %dma_start3A_395] : memref<1024x32xbf16, #tpu.memory_space<vmem>> -> memref<128x32xbf16, #tpu.memory_space<vmem>>
      %dma_start3A_397 = arith.constant 0 : i32
      %dma_start3A_398 = tpu.memref_slice %arg9[%add3A_377, %dma_start3A_397] : memref<160x128xi32, #tpu.memory_space<vmem>> -> memref<1x128xi32, #tpu.memory_space<vmem>>
      %dma_start3A_399 = tpu.memref_squeeze %dma_start3A_398 : memref<1x128xi32, #tpu.memory_space<vmem>> -> memref<128xi32, #tpu.memory_space<vmem>>
      %dma_start3A_400 = arith.constant 0 : i32
      %dma_start3A_401 = arith.constant 0 : i32
      %dma_start3A_402 = tpu.memref_slice %arg11[%dma_start3A_400, %dma_start3A_401] : memref<10240x32xbf16, #tpu.memory_space<vmem_shared>> -> memref<10240x32xbf16, #tpu.memory_space<vmem_shared>>
      tpu.enqueue_indirect_dma source(%dma_start3A_396 : memref<128x32xbf16, #tpu.memory_space<vmem>>) target(%dma_start3A_402 : memref<10240x32xbf16, #tpu.memory_space<vmem_shared>>) offsets(%dma_start3A_399 : memref<128xi32, #tpu.memory_space<vmem>>) semaphore(%arg28 : memref<!tpu.dma_semaphore, #tpu.memory_space<semaphore_mem>>) {add = true}
    }
    %scan3A_100 = arith.constant 20 : i32
    %dma_wait3A_101 = arith.constant 0 : i32
    %dma_wait3A_102 = arith.constant 0 : i32
    %dma_wait3A_103 = arith.constant 0 : i32
    %dma_wait3A_104 = tpu.memref_slice %arg10[%dma_wait3A_102, %dma_wait3A_103] : memref<1024x32xbf16, #tpu.memory_space<vmem>> -> memref<128x32xbf16, #tpu.memory_space<vmem>>
    %dma_wait3A_105 = arith.constant 0 : i32
    %dma_wait3A_106 = tpu.memref_slice %arg9[%dma_wait3A_101, %dma_wait3A_105] : memref<160x128xi32, #tpu.memory_space<vmem>> -> memref<1x128xi32, #tpu.memory_space<vmem>>
    %dma_wait3A_107 = tpu.memref_squeeze %dma_wait3A_106 : memref<1x128xi32, #tpu.memory_space<vmem>> -> memref<128xi32, #tpu.memory_space<vmem>>
    %dma_wait3A_108 = arith.constant 0 : i32
    %dma_wait3A_109 = arith.constant 0 : i32
    %dma_wait3A_110 = tpu.memref_slice %arg11[%dma_wait3A_108, %dma_wait3A_109] : memref<10240x32xbf16, #tpu.memory_space<vmem_shared>> -> memref<10240x32xbf16, #tpu.memory_space<vmem_shared>>
    tpu.wait_indirect_dma semaphore(%arg21 : memref<!tpu.dma_semaphore, #tpu.memory_space<semaphore_mem>>) src(%dma_wait3A_104 : memref<128x32xbf16, #tpu.memory_space<vmem>>) dst(%dma_wait3A_110 : memref<10240x32xbf16, #tpu.memory_space<vmem_shared>>)
    %dma_wait3A_111 = arith.constant 0 : i32
    %dma_wait3A_112 = arith.constant 128 : i32
    %dma_wait3A_113 = arith.constant 0 : i32
    %dma_wait3A_114 = tpu.memref_slice %arg10[%dma_wait3A_112, %dma_wait3A_113] : memref<1024x32xbf16, #tpu.memory_space<vmem>> -> memref<128x32xbf16, #tpu.memory_space<vmem>>
    %dma_wait3A_115 = arith.constant 0 : i32
    %dma_wait3A_116 = tpu.memref_slice %arg9[%dma_wait3A_111, %dma_wait3A_115] : memref<160x128xi32, #tpu.memory_space<vmem>> -> memref<1x128xi32, #tpu.memory_space<vmem>>
    %dma_wait3A_117 = tpu.memref_squeeze %dma_wait3A_116 : memref<1x128xi32, #tpu.memory_space<vmem>> -> memref<128xi32, #tpu.memory_space<vmem>>
    %dma_wait3A_118 = arith.constant 0 : i32
    %dma_wait3A_119 = arith.constant 0 : i32
    %dma_wait3A_120 = tpu.memref_slice %arg11[%dma_wait3A_118, %dma_wait3A_119] : memref<10240x32xbf16, #tpu.memory_space<vmem_shared>> -> memref<10240x32xbf16, #tpu.memory_space<vmem_shared>>
    tpu.wait_indirect_dma semaphore(%arg22 : memref<!tpu.dma_semaphore, #tpu.memory_space<semaphore_mem>>) src(%dma_wait3A_114 : memref<128x32xbf16, #tpu.memory_space<vmem>>) dst(%dma_wait3A_120 : memref<10240x32xbf16, #tpu.memory_space<vmem_shared>>)
    %dma_wait3A_121 = arith.constant 0 : i32
    %dma_wait3A_122 = arith.constant 256 : i32
    %dma_wait3A_123 = arith.constant 0 : i32
    %dma_wait3A_124 = tpu.memref_slice %arg10[%dma_wait3A_122, %dma_wait3A_123] : memref<1024x32xbf16, #tpu.memory_space<vmem>> -> memref<128x32xbf16, #tpu.memory_space<vmem>>
    %dma_wait3A_125 = arith.constant 0 : i32
    %dma_wait3A_126 = tpu.memref_slice %arg9[%dma_wait3A_121, %dma_wait3A_125] : memref<160x128xi32, #tpu.memory_space<vmem>> -> memref<1x128xi32, #tpu.memory_space<vmem>>
    %dma_wait3A_127 = tpu.memref_squeeze %dma_wait3A_126 : memref<1x128xi32, #tpu.memory_space<vmem>> -> memref<128xi32, #tpu.memory_space<vmem>>
    %dma_wait3A_128 = arith.constant 0 : i32
    %dma_wait3A_129 = arith.constant 0 : i32
    %dma_wait3A_130 = tpu.memref_slice %arg11[%dma_wait3A_128, %dma_wait3A_129] : memref<10240x32xbf16, #tpu.memory_space<vmem_shared>> -> memref<10240x32xbf16, #tpu.memory_space<vmem_shared>>
    tpu.wait_indirect_dma semaphore(%arg23 : memref<!tpu.dma_semaphore, #tpu.memory_space<semaphore_mem>>) src(%dma_wait3A_124 : memref<128x32xbf16, #tpu.memory_space<vmem>>) dst(%dma_wait3A_130 : memref<10240x32xbf16, #tpu.memory_space<vmem_shared>>)
    %dma_wait3A_131 = arith.constant 0 : i32
    %dma_wait3A_132 = arith.constant 384 : i32
    %dma_wait3A_133 = arith.constant 0 : i32
    %dma_wait3A_134 = tpu.memref_slice %arg10[%dma_wait3A_132, %dma_wait3A_133] : memref<1024x32xbf16, #tpu.memory_space<vmem>> -> memref<128x32xbf16, #tpu.memory_space<vmem>>
    %dma_wait3A_135 = arith.constant 0 : i32
    %dma_wait3A_136 = tpu.memref_slice %arg9[%dma_wait3A_131, %dma_wait3A_135] : memref<160x128xi32, #tpu.memory_space<vmem>> -> memref<1x128xi32, #tpu.memory_space<vmem>>
    %dma_wait3A_137 = tpu.memref_squeeze %dma_wait3A_136 : memref<1x128xi32, #tpu.memory_space<vmem>> -> memref<128xi32, #tpu.memory_space<vmem>>
    %dma_wait3A_138 = arith.constant 0 : i32
    %dma_wait3A_139 = arith.constant 0 : i32
    %dma_wait3A_140 = tpu.memref_slice %arg11[%dma_wait3A_138, %dma_wait3A_139] : memref<10240x32xbf16, #tpu.memory_space<vmem_shared>> -> memref<10240x32xbf16, #tpu.memory_space<vmem_shared>>
    tpu.wait_indirect_dma semaphore(%arg24 : memref<!tpu.dma_semaphore, #tpu.memory_space<semaphore_mem>>) src(%dma_wait3A_134 : memref<128x32xbf16, #tpu.memory_space<vmem>>) dst(%dma_wait3A_140 : memref<10240x32xbf16, #tpu.memory_space<vmem_shared>>)
    %dma_wait3A_141 = arith.constant 0 : i32
    %dma_wait3A_142 = arith.constant 512 : i32
    %dma_wait3A_143 = arith.constant 0 : i32
    %dma_wait3A_144 = tpu.memref_slice %arg10[%dma_wait3A_142, %dma_wait3A_143] : memref<1024x32xbf16, #tpu.memory_space<vmem>> -> memref<128x32xbf16, #tpu.memory_space<vmem>>
    %dma_wait3A_145 = arith.constant 0 : i32
    %dma_wait3A_146 = tpu.memref_slice %arg9[%dma_wait3A_141, %dma_wait3A_145] : memref<160x128xi32, #tpu.memory_space<vmem>> -> memref<1x128xi32, #tpu.memory_space<vmem>>
    %dma_wait3A_147 = tpu.memref_squeeze %dma_wait3A_146 : memref<1x128xi32, #tpu.memory_space<vmem>> -> memref<128xi32, #tpu.memory_space<vmem>>
    %dma_wait3A_148 = arith.constant 0 : i32
    %dma_wait3A_149 = arith.constant 0 : i32
    %dma_wait3A_150 = tpu.memref_slice %arg11[%dma_wait3A_148, %dma_wait3A_149] : memref<10240x32xbf16, #tpu.memory_space<vmem_shared>> -> memref<10240x32xbf16, #tpu.memory_space<vmem_shared>>
    tpu.wait_indirect_dma semaphore(%arg25 : memref<!tpu.dma_semaphore, #tpu.memory_space<semaphore_mem>>) src(%dma_wait3A_144 : memref<128x32xbf16, #tpu.memory_space<vmem>>) dst(%dma_wait3A_150 : memref<10240x32xbf16, #tpu.memory_space<vmem_shared>>)
    %dma_wait3A_151 = arith.constant 0 : i32
    %dma_wait3A_152 = arith.constant 640 : i32
    %dma_wait3A_153 = arith.constant 0 : i32
    %dma_wait3A_154 = tpu.memref_slice %arg10[%dma_wait3A_152, %dma_wait3A_153] : memref<1024x32xbf16, #tpu.memory_space<vmem>> -> memref<128x32xbf16, #tpu.memory_space<vmem>>
    %dma_wait3A_155 = arith.constant 0 : i32
    %dma_wait3A_156 = tpu.memref_slice %arg9[%dma_wait3A_151, %dma_wait3A_155] : memref<160x128xi32, #tpu.memory_space<vmem>> -> memref<1x128xi32, #tpu.memory_space<vmem>>
    %dma_wait3A_157 = tpu.memref_squeeze %dma_wait3A_156 : memref<1x128xi32, #tpu.memory_space<vmem>> -> memref<128xi32, #tpu.memory_space<vmem>>
    %dma_wait3A_158 = arith.constant 0 : i32
    %dma_wait3A_159 = arith.constant 0 : i32
    %dma_wait3A_160 = tpu.memref_slice %arg11[%dma_wait3A_158, %dma_wait3A_159] : memref<10240x32xbf16, #tpu.memory_space<vmem_shared>> -> memref<10240x32xbf16, #tpu.memory_space<vmem_shared>>
    tpu.wait_indirect_dma semaphore(%arg26 : memref<!tpu.dma_semaphore, #tpu.memory_space<semaphore_mem>>) src(%dma_wait3A_154 : memref<128x32xbf16, #tpu.memory_space<vmem>>) dst(%dma_wait3A_160 : memref<10240x32xbf16, #tpu.memory_space<vmem_shared>>)
    %dma_wait3A_161 = arith.constant 0 : i32
    %dma_wait3A_162 = arith.constant 768 : i32
    %dma_wait3A_163 = arith.constant 0 : i32
    %dma_wait3A_164 = tpu.memref_slice %arg10[%dma_wait3A_162, %dma_wait3A_163] : memref<1024x32xbf16, #tpu.memory_space<vmem>> -> memref<128x32xbf16, #tpu.memory_space<vmem>>
    %dma_wait3A_165 = arith.constant 0 : i32
    %dma_wait3A_166 = tpu.memref_slice %arg9[%dma_wait3A_161, %dma_wait3A_165] : memref<160x128xi32, #tpu.memory_space<vmem>> -> memref<1x128xi32, #tpu.memory_space<vmem>>
    %dma_wait3A_167 = tpu.memref_squeeze %dma_wait3A_166 : memref<1x128xi32, #tpu.memory_space<vmem>> -> memref<128xi32, #tpu.memory_space<vmem>>
    %dma_wait3A_168 = arith.constant 0 : i32
    %dma_wait3A_169 = arith.constant 0 : i32
    %dma_wait3A_170 = tpu.memref_slice %arg11[%dma_wait3A_168, %dma_wait3A_169] : memref<10240x32xbf16, #tpu.memory_space<vmem_shared>> -> memref<10240x32xbf16, #tpu.memory_space<vmem_shared>>
    tpu.wait_indirect_dma semaphore(%arg27 : memref<!tpu.dma_semaphore, #tpu.memory_space<semaphore_mem>>) src(%dma_wait3A_164 : memref<128x32xbf16, #tpu.memory_space<vmem>>) dst(%dma_wait3A_170 : memref<10240x32xbf16, #tpu.memory_space<vmem_shared>>)
    %dma_wait3A_171 = arith.constant 0 : i32
    %dma_wait3A_172 = arith.constant 896 : i32
    %dma_wait3A_173 = arith.constant 0 : i32
    %dma_wait3A_174 = tpu.memref_slice %arg10[%dma_wait3A_172, %dma_wait3A_173] : memref<1024x32xbf16, #tpu.memory_space<vmem>> -> memref<128x32xbf16, #tpu.memory_space<vmem>>
    %dma_wait3A_175 = arith.constant 0 : i32
    %dma_wait3A_176 = tpu.memref_slice %arg9[%dma_wait3A_171, %dma_wait3A_175] : memref<160x128xi32, #tpu.memory_space<vmem>> -> memref<1x128xi32, #tpu.memory_space<vmem>>
    %dma_wait3A_177 = tpu.memref_squeeze %dma_wait3A_176 : memref<1x128xi32, #tpu.memory_space<vmem>> -> memref<128xi32, #tpu.memory_space<vmem>>
    %dma_wait3A_178 = arith.constant 0 : i32
    %dma_wait3A_179 = arith.constant 0 : i32
    %dma_wait3A_180 = tpu.memref_slice %arg11[%dma_wait3A_178, %dma_wait3A_179] : memref<10240x32xbf16, #tpu.memory_space<vmem_shared>> -> memref<10240x32xbf16, #tpu.memory_space<vmem_shared>>
    tpu.wait_indirect_dma semaphore(%arg28 : memref<!tpu.dma_semaphore, #tpu.memory_space<semaphore_mem>>) src(%dma_wait3A_174 : memref<128x32xbf16, #tpu.memory_space<vmem>>) dst(%dma_wait3A_180 : memref<10240x32xbf16, #tpu.memory_space<vmem_shared>>)
    %barrier3A_181 = arith.constant 0 : index
    tpu.barrier barrier_id(%barrier3A_181)
    %mul3A_182 = arith.constant 10240 : i32
    %mul3A_183 = arith.muli %arg0, %mul3A_182 : i32
    %add3A = arith.addi %mul3A_183, %multiple_of3A : i32
    %multiple_of3A_184 = tpu.assume_multiple %add3A, 8 : i32
    "tpu.region"() ({
      %run_scoped3A = tpu.sem_alloc : memref<!tpu.dma_semaphore, #tpu.memory_space<semaphore_mem>>
      %dma_start3A_185 = arith.constant 0 : i32
      %dma_start3A_186 = tpu.memref_slice %arg7[%multiple_of3A_184, %dma_start3A_185] : memref<20480x32xbf16, #tpu.memory_space<hbm>> -> memref<640x32xbf16, #tpu.memory_space<hbm>>
      %dma_start3A_187 = arith.constant 0 : i32
      %dma_start3A_188 = tpu.memref_slice %arg11[%multiple_of3A, %dma_start3A_187] : memref<10240x32xbf16, #tpu.memory_space<vmem_shared>> -> memref<640x32xbf16, #tpu.memory_space<vmem_shared>>
      tpu.enqueue_dma source(%dma_start3A_188 : memref<640x32xbf16, #tpu.memory_space<vmem_shared>>) target(%dma_start3A_186 : memref<640x32xbf16, #tpu.memory_space<hbm>>) target_semaphore(%run_scoped3A : memref<!tpu.dma_semaphore, #tpu.memory_space<semaphore_mem>>)
      %dma_wait3A_189 = arith.constant 0 : i32
      %dma_wait3A_190 = tpu.memref_slice %arg7[%multiple_of3A_184, %dma_wait3A_189] : memref<20480x32xbf16, #tpu.memory_space<hbm>> -> memref<640x32xbf16, #tpu.memory_space<hbm>>
      %dma_wait3A_191 = arith.constant 0 : i32
      %dma_wait3A_192 = tpu.memref_slice %arg11[%multiple_of3A, %dma_wait3A_191] : memref<10240x32xbf16, #tpu.memory_space<vmem_shared>> -> memref<640x32xbf16, #tpu.memory_space<vmem_shared>>
      tpu.wait_dma2 semaphore(%run_scoped3A : memref<!tpu.dma_semaphore, #tpu.memory_space<semaphore_mem>>) src(%dma_wait3A_192 : memref<640x32xbf16, #tpu.memory_space<vmem_shared>>) dst(%dma_wait3A_190 : memref<640x32xbf16, #tpu.memory_space<hbm>>)
      tpu.yield
    }) : () -> ()
    return
  }
}

module attributes {stable_mosaic.version = 14 : i64} {
  func.func @_mmy_body(%arg0: i32, %arg1: memref<1024x128xbf16, #tpu.memory_space<vmem>>, %arg2: memref<128x128xf32, #tpu.memory_space<vmem>>, %arg3: memref<1024x64xbf16, #tpu.memory_space<vmem>>, %arg4: memref<1024x64xbf16, #tpu.memory_space<vmem>>) attributes {dimension_semantics = [#tpu.dimension_semantics<arbitrary>], iteration_bounds = array<i64: 10>, scalar_prefetch = 0 : i64, scratch_operands = 0 : i64, tpu.core_type = #tpu.core_type<tc>, window_params = [{transform_indices = @transform_0, window_bounds = array<i64: 1024, 128>}, {pipeline_mode = #tpu.pipeline_mode<synchronous>, transform_indices = @transform_1, window_bounds = array<i64: 128, 128>}, {transform_indices = @transform_2, window_bounds = array<i64: 1024, 64>}, {transform_indices = @transform_3, window_bounds = array<i64: 1024, 64>}]} {
    %get3A = arith.constant 0 : index
    %get3A_0 = arith.constant 0 : index
    %get3A_1 = vector.load %arg1[%get3A, %get3A_0] : memref<1024x128xbf16, #tpu.memory_space<vmem>>, vector<1024x128xbf16>
    %get3A_2 = arith.constant 0 : index
    %get3A_3 = arith.constant 0 : index
    %get3A_4 = vector.load %arg2[%get3A_2, %get3A_3] : memref<128x128xf32, #tpu.memory_space<vmem>>, vector<128x128xf32>
    %convert_element_type3A = arith.truncf %get3A_4 : vector<128x128xf32> to vector<128x128xbf16>
    %dot_general3A = arith.constant dense<0.000000e+00> : vector<1024x128xf32>
    %dot_general3A_5 = tpu.matmul %get3A_1, %convert_element_type3A, %dot_general3A {dimension_numbers = #tpu.dot_dimension_numbers<[1], [0], [0], [1], [0, 0, 1, 1], [], []>, transpose_lhs_hint = false} : vector<1024x128xbf16>, vector<128x128xbf16>, vector<1024x128xf32> -> vector<1024x128xf32>
    %convert_element_type3A_6 = arith.truncf %dot_general3A_5 : vector<1024x128xf32> to vector<1024x128xbf16>
    %slice3A = vector.extract_strided_slice %convert_element_type3A_6 {offsets = [0, 0], sizes = [1024, 64], strides = [1, 1]} : vector<1024x128xbf16> to vector<1024x64xbf16>
    %swap3A = arith.constant 0 : index
    %swap3A_7 = arith.constant 0 : index
    %swap3A_8 = vector.load %arg3[%swap3A, %swap3A_7] : memref<1024x64xbf16, #tpu.memory_space<vmem>>, vector<1024x64xbf16>
    tpu.vector_store %arg3[%swap3A, %swap3A_7], %slice3A {strides = array<i32>} : memref<1024x64xbf16, #tpu.memory_space<vmem>>, vector<1024x64xbf16>,
    %slice3A_9 = vector.extract_strided_slice %convert_element_type3A_6 {offsets = [0, 64], sizes = [1024, 64], strides = [1, 1]} : vector<1024x128xbf16> to vector<1024x64xbf16>
    %swap3A_10 = arith.constant 0 : index
    %swap3A_11 = arith.constant 0 : index
    %swap3A_12 = vector.load %arg4[%swap3A_10, %swap3A_11] : memref<1024x64xbf16, #tpu.memory_space<vmem>>, vector<1024x64xbf16>
    tpu.vector_store %arg4[%swap3A_10, %swap3A_11], %slice3A_9 {strides = array<i32>} : memref<1024x64xbf16, #tpu.memory_space<vmem>>, vector<1024x64xbf16>,
    return
  }
  func.func @transform_0(%arg0: i32) -> (i32, i32) {
    %c0_i32 = arith.constant 0 : i32
    %c0_i32_0 = arith.constant 0 : i32
    return %arg0, %c0_i32 : i32, i32
  }
  func.func @transform_1(%arg0: i32) -> (i32, i32) {
    %c0_i32 = arith.constant 0 : i32
    %c0_i32_0 = arith.constant 0 : i32
    %c0_i32_1 = arith.constant 0 : i32
    return %c0_i32, %c0_i32_0 : i32, i32
  }
  func.func @transform_2(%arg0: i32) -> (i32, i32) {
    %c0_i32 = arith.constant 0 : i32
    %c0_i32_0 = arith.constant 0 : i32
    return %arg0, %c0_i32 : i32, i32
  }
  func.func @transform_3(%arg0: i32) -> (i32, i32) {
    %c0_i32 = arith.constant 0 : i32
    %c0_i32_0 = arith.constant 0 : i32
    return %arg0, %c0_i32 : i32, i32
  }
}

module attributes {stable_mosaic.version = 14 : i64} {
  func.func @_mmz_body(%arg0: i32, %arg1: memref<1024x128xbf16, #tpu.memory_space<vmem>>, %arg2: memref<128x128xf32, #tpu.memory_space<vmem>>, %arg3: memref<1x128xf32, #tpu.memory_space<vmem>>, %arg4: memref<1024x128xf32, #tpu.memory_space<vmem>>) attributes {dimension_semantics = [#tpu.dimension_semantics<arbitrary>], iteration_bounds = array<i64: 10>, scalar_prefetch = 0 : i64, scratch_operands = 0 : i64, tpu.core_type = #tpu.core_type<tc>, window_params = [{transform_indices = @transform_0, window_bounds = array<i64: 1024, 128>}, {pipeline_mode = #tpu.pipeline_mode<synchronous>, transform_indices = @transform_1, window_bounds = array<i64: 128, 128>}, {pipeline_mode = #tpu.pipeline_mode<synchronous>, transform_indices = @transform_2, window_bounds = array<i64: 1, 128>}, {transform_indices = @transform_3, window_bounds = array<i64: 1024, 128>}]} {
    %get3A = arith.constant 0 : index
    %get3A_0 = arith.constant 0 : index
    %get3A_1 = vector.load %arg1[%get3A, %get3A_0] : memref<1024x128xbf16, #tpu.memory_space<vmem>>, vector<1024x128xbf16>
    %get3A_2 = arith.constant 0 : index
    %get3A_3 = arith.constant 0 : index
    %get3A_4 = vector.load %arg2[%get3A_2, %get3A_3] : memref<128x128xf32, #tpu.memory_space<vmem>>, vector<128x128xf32>
    %convert_element_type3A = arith.truncf %get3A_4 : vector<128x128xf32> to vector<128x128xbf16>
    %dot_general3A = arith.constant dense<0.000000e+00> : vector<1024x128xf32>
    %dot_general3A_5 = tpu.matmul %get3A_1, %convert_element_type3A, %dot_general3A {dimension_numbers = #tpu.dot_dimension_numbers<[1], [0], [0], [1], [0, 0, 1, 1], [], []>, transpose_lhs_hint = false} : vector<1024x128xbf16>, vector<128x128xbf16>, vector<1024x128xf32> -> vector<1024x128xf32>
    %get3A_6 = arith.constant 0 : index
    %get3A_7 = arith.constant 0 : index
    %get3A_8 = vector.load %arg3[%get3A_6, %get3A_7] : memref<1x128xf32, #tpu.memory_space<vmem>>, vector<1x128xf32>
    %add3A = vector.broadcast %get3A_8 : vector<1x128xf32> to vector<1024x128xf32>
    %add3A_9 = arith.addf %dot_general3A_5, %add3A : vector<1024x128xf32>
    %swap3A = arith.constant 0 : index
    %swap3A_10 = arith.constant 0 : index
    %swap3A_11 = vector.load %arg4[%swap3A, %swap3A_10] : memref<1024x128xf32, #tpu.memory_space<vmem>>, vector<1024x128xf32>
    tpu.vector_store %arg4[%swap3A, %swap3A_10], %add3A_9 {strides = array<i32>} : memref<1024x128xf32, #tpu.memory_space<vmem>>, vector<1024x128xf32>,
    return
  }
  func.func @transform_0(%arg0: i32) -> (i32, i32) {
    %c0_i32 = arith.constant 0 : i32
    %c0_i32_0 = arith.constant 0 : i32
    return %arg0, %c0_i32 : i32, i32
  }
  func.func @transform_1(%arg0: i32) -> (i32, i32) {
    %c0_i32 = arith.constant 0 : i32
    %c0_i32_0 = arith.constant 0 : i32
    %c0_i32_1 = arith.constant 0 : i32
    return %c0_i32, %c0_i32_0 : i32, i32
  }
  func.func @transform_2(%arg0: i32) -> (i32, i32) {
    %c0_i32 = arith.constant 0 : i32
    %c0_i32_0 = arith.constant 0 : i32
    %c0_i32_1 = arith.constant 0 : i32
    return %c0_i32, %c0_i32_0 : i32, i32
  }
  func.func @transform_3(%arg0: i32) -> (i32, i32) {
    %c0_i32 = arith.constant 0 : i32
    %c0_i32_0 = arith.constant 0 : i32
    return %arg0, %c0_i32 : i32, i32
  }
}

module attributes {stable_mosaic.version = 14 : i64} {
  func.func @_comb_body(%arg0: i32, %arg1: memref<1024x64xbf16, #tpu.memory_space<vmem>>, %arg2: memref<1024x64xbf16, #tpu.memory_space<vmem>>, %arg3: memref<1024x1xf32, #tpu.memory_space<vmem>>, %arg4: memref<1024x1xf32, #tpu.memory_space<vmem>>, %arg5: memref<1024x128xf32, #tpu.memory_space<vmem>>, %arg6: memref<128x64xf32, #tpu.memory_space<vmem>>, %arg7: memref<1024x128xbf16, #tpu.memory_space<vmem>>, %arg8: memref<1024x32xbf16, #tpu.memory_space<vmem>>, %arg9: memref<1024x32xbf16, #tpu.memory_space<vmem>>) attributes {dimension_semantics = [#tpu.dimension_semantics<arbitrary>], iteration_bounds = array<i64: 10>, scalar_prefetch = 0 : i64, scratch_operands = 0 : i64, tpu.core_type = #tpu.core_type<tc>, window_params = [{transform_indices = @transform_0, window_bounds = array<i64: 1024, 64>}, {transform_indices = @transform_1, window_bounds = array<i64: 1024, 64>}, {transform_indices = @transform_2, window_bounds = array<i64: 1024, 1>}, {transform_indices = @transform_3, window_bounds = array<i64: 1024, 1>}, {transform_indices = @transform_4, window_bounds = array<i64: 1024, 128>}, {pipeline_mode = #tpu.pipeline_mode<synchronous>, transform_indices = @transform_5, window_bounds = array<i64: 128, 64>}, {transform_indices = @transform_6, window_bounds = array<i64: 1024, 128>}, {transform_indices = @transform_7, window_bounds = array<i64: 1024, 32>}, {transform_indices = @transform_8, window_bounds = array<i64: 1024, 32>}]} {
    %get3A = arith.constant 0 : index
    %get3A_0 = arith.constant 0 : index
    %get3A_1 = vector.load %arg3[%get3A, %get3A_0] : memref<1024x1xf32, #tpu.memory_space<vmem>>, vector<1024x1xf32>
    %get3A_2 = arith.constant 0 : index
    %get3A_3 = arith.constant 0 : index
    %get3A_4 = vector.load %arg4[%get3A_2, %get3A_3] : memref<1024x1xf32, #tpu.memory_space<vmem>>, vector<1024x1xf32>
    %add3A = arith.addf %get3A_1, %get3A_4 : vector<1024x1xf32>
    %max3A = arith.constant 1.000000e+00 : f32
    %max3A_5 = vector.broadcast %max3A : f32 to vector<1024x1xf32>
    %max3A_6 = arith.maximumf %add3A, %max3A_5 : vector<1024x1xf32>
    %div3A = arith.constant 1.000000e+00 : f32
    %div3A_7 = vector.broadcast %div3A : f32 to vector<1024x1xf32>
    %div3A_8 = arith.divf %div3A_7, %max3A_6 : vector<1024x1xf32>
    %get3A_9 = arith.constant 0 : index
    %get3A_10 = arith.constant 0 : index
    %get3A_11 = vector.load %arg1[%get3A_9, %get3A_10] : memref<1024x64xbf16, #tpu.memory_space<vmem>>, vector<1024x64xbf16>
    %get3A_12 = arith.constant 0 : index
    %get3A_13 = arith.constant 0 : index
    %get3A_14 = vector.load %arg2[%get3A_12, %get3A_13] : memref<1024x64xbf16, #tpu.memory_space<vmem>>, vector<1024x64xbf16>
    %concatenate3A = tpu.concatenate %get3A_11, %get3A_14 in 1 : vector<1024x64xbf16>, vector<1024x64xbf16> -> vector<1024x128xbf16>
    %convert_element_type3A = arith.extf %concatenate3A : vector<1024x128xbf16> to vector<1024x128xf32>
    %mul3A = vector.broadcast %div3A_8 : vector<1024x1xf32> to vector<1024x128xf32>
    %mul3A_15 = arith.mulf %convert_element_type3A, %mul3A : vector<1024x128xf32>
    %get3A_16 = arith.constant 0 : index
    %get3A_17 = arith.constant 0 : index
    %get3A_18 = vector.load %arg5[%get3A_16, %get3A_17] : memref<1024x128xf32, #tpu.memory_space<vmem>>, vector<1024x128xf32>
    %add3A_19 = arith.addf %mul3A_15, %get3A_18 : vector<1024x128xf32>
    %max3A_20 = arith.constant 0.000000e+00 : f32
    %max3A_21 = vector.broadcast %max3A_20 : f32 to vector<1024x128xf32>
    %max3A_22 = arith.maximumf %add3A_19, %max3A_21 : vector<1024x128xf32>
    %convert_element_type3A_23 = arith.truncf %max3A_22 : vector<1024x128xf32> to vector<1024x128xbf16>
    %swap3A = arith.constant 0 : index
    %swap3A_24 = arith.constant 0 : index
    %swap3A_25 = vector.load %arg7[%swap3A, %swap3A_24] : memref<1024x128xbf16, #tpu.memory_space<vmem>>, vector<1024x128xbf16>
    tpu.vector_store %arg7[%swap3A, %swap3A_24], %convert_element_type3A_23 {strides = array<i32>} : memref<1024x128xbf16, #tpu.memory_space<vmem>>, vector<1024x128xbf16>,
    %convert_element_type3A_26 = arith.truncf %max3A_22 : vector<1024x128xf32> to vector<1024x128xbf16>
    %get3A_27 = arith.constant 0 : index
    %get3A_28 = arith.constant 0 : index
    %get3A_29 = vector.load %arg6[%get3A_27, %get3A_28] : memref<128x64xf32, #tpu.memory_space<vmem>>, vector<128x64xf32>
    %convert_element_type3A_30 = arith.truncf %get3A_29 : vector<128x64xf32> to vector<128x64xbf16>
    %dot_general3A = arith.constant dense<0.000000e+00> : vector<1024x64xf32>
    %dot_general3A_31 = tpu.matmul %convert_element_type3A_26, %convert_element_type3A_30, %dot_general3A {dimension_numbers = #tpu.dot_dimension_numbers<[1], [0], [0], [1], [0, 0, 1, 1], [], []>, transpose_lhs_hint = false} : vector<1024x128xbf16>, vector<128x64xbf16>, vector<1024x64xf32> -> vector<1024x64xf32>
    %convert_element_type3A_32 = arith.truncf %dot_general3A_31 : vector<1024x64xf32> to vector<1024x64xbf16>
    %slice3A = vector.extract_strided_slice %convert_element_type3A_32 {offsets = [0, 0], sizes = [1024, 32], strides = [1, 1]} : vector<1024x64xbf16> to vector<1024x32xbf16>
    %swap3A_33 = arith.constant 0 : index
    %swap3A_34 = arith.constant 0 : index
    %swap3A_35 = vector.load %arg8[%swap3A_33, %swap3A_34] : memref<1024x32xbf16, #tpu.memory_space<vmem>>, vector<1024x32xbf16>
    tpu.vector_store %arg8[%swap3A_33, %swap3A_34], %slice3A {strides = array<i32>} : memref<1024x32xbf16, #tpu.memory_space<vmem>>, vector<1024x32xbf16>,
    %slice3A_36 = vector.extract_strided_slice %convert_element_type3A_32 {offsets = [0, 32], sizes = [1024, 32], strides = [1, 1]} : vector<1024x64xbf16> to vector<1024x32xbf16>
    %swap3A_37 = arith.constant 0 : index
    %swap3A_38 = arith.constant 0 : index
    %swap3A_39 = vector.load %arg9[%swap3A_37, %swap3A_38] : memref<1024x32xbf16, #tpu.memory_space<vmem>>, vector<1024x32xbf16>
    tpu.vector_store %arg9[%swap3A_37, %swap3A_38], %slice3A_36 {strides = array<i32>} : memref<1024x32xbf16, #tpu.memory_space<vmem>>, vector<1024x32xbf16>,
    return
  }
  func.func @transform_0(%arg0: i32) -> (i32, i32) {
    %c0_i32 = arith.constant 0 : i32
    %c0_i32_0 = arith.constant 0 : i32
    return %arg0, %c0_i32 : i32, i32
  }
  func.func @transform_1(%arg0: i32) -> (i32, i32) {
    %add3A = arith.constant 10 : i32
    %add3A_0 = arith.addi %add3A, %arg0 : i32
    %c0_i32 = arith.constant 0 : i32
    %c0_i32_1 = arith.constant 0 : i32
    return %add3A_0, %c0_i32 : i32, i32
  }
  func.func @transform_2(%arg0: i32) -> (i32, i32) {
    %c0_i32 = arith.constant 0 : i32
    %c0_i32_0 = arith.constant 0 : i32
    return %arg0, %c0_i32 : i32, i32
  }
  func.func @transform_3(%arg0: i32) -> (i32, i32) {
    %c0_i32 = arith.constant 0 : i32
    %c0_i32_0 = arith.constant 0 : i32
    return %arg0, %c0_i32 : i32, i32
  }
  func.func @transform_4(%arg0: i32) -> (i32, i32) {
    %c0_i32 = arith.constant 0 : i32
    %c0_i32_0 = arith.constant 0 : i32
    return %arg0, %c0_i32 : i32, i32
  }
  func.func @transform_5(%arg0: i32) -> (i32, i32) {
    %c0_i32 = arith.constant 0 : i32
    %c0_i32_0 = arith.constant 0 : i32
    %c0_i32_1 = arith.constant 0 : i32
    return %c0_i32, %c0_i32_0 : i32, i32
  }
  func.func @transform_6(%arg0: i32) -> (i32, i32) {
    %c0_i32 = arith.constant 0 : i32
    %c0_i32_0 = arith.constant 0 : i32
    return %arg0, %c0_i32 : i32, i32
  }
  func.func @transform_7(%arg0: i32) -> (i32, i32) {
    %c0_i32 = arith.constant 0 : i32
    %c0_i32_0 = arith.constant 0 : i32
    return %arg0, %c0_i32 : i32, i32
  }
  func.func @transform_8(%arg0: i32) -> (i32, i32) {
    %c0_i32 = arith.constant 0 : i32
    %c0_i32_0 = arith.constant 0 : i32
    return %arg0, %c0_i32 : i32, i32
  }
}

module attributes {stable_mosaic.version = 14 : i64} {
  func.func @_mmz_body(%arg0: i32, %arg1: memref<1024x128xbf16, #tpu.memory_space<vmem>>, %arg2: memref<128x64xf32, #tpu.memory_space<vmem>>, %arg3: memref<1x64xf32, #tpu.memory_space<vmem>>, %arg4: memref<1024x64xf32, #tpu.memory_space<vmem>>) attributes {dimension_semantics = [#tpu.dimension_semantics<arbitrary>], iteration_bounds = array<i64: 10>, scalar_prefetch = 0 : i64, scratch_operands = 0 : i64, tpu.core_type = #tpu.core_type<tc>, window_params = [{transform_indices = @transform_0, window_bounds = array<i64: 1024, 128>}, {pipeline_mode = #tpu.pipeline_mode<synchronous>, transform_indices = @transform_1, window_bounds = array<i64: 128, 64>}, {pipeline_mode = #tpu.pipeline_mode<synchronous>, transform_indices = @transform_2, window_bounds = array<i64: 1, 64>}, {transform_indices = @transform_3, window_bounds = array<i64: 1024, 64>}]} {
    %get3A = arith.constant 0 : index
    %get3A_0 = arith.constant 0 : index
    %get3A_1 = vector.load %arg1[%get3A, %get3A_0] : memref<1024x128xbf16, #tpu.memory_space<vmem>>, vector<1024x128xbf16>
    %get3A_2 = arith.constant 0 : index
    %get3A_3 = arith.constant 0 : index
    %get3A_4 = vector.load %arg2[%get3A_2, %get3A_3] : memref<128x64xf32, #tpu.memory_space<vmem>>, vector<128x64xf32>
    %convert_element_type3A = arith.truncf %get3A_4 : vector<128x64xf32> to vector<128x64xbf16>
    %dot_general3A = arith.constant dense<0.000000e+00> : vector<1024x64xf32>
    %dot_general3A_5 = tpu.matmul %get3A_1, %convert_element_type3A, %dot_general3A {dimension_numbers = #tpu.dot_dimension_numbers<[1], [0], [0], [1], [0, 0, 1, 1], [], []>, transpose_lhs_hint = false} : vector<1024x128xbf16>, vector<128x64xbf16>, vector<1024x64xf32> -> vector<1024x64xf32>
    %get3A_6 = arith.constant 0 : index
    %get3A_7 = arith.constant 0 : index
    %get3A_8 = vector.load %arg3[%get3A_6, %get3A_7] : memref<1x64xf32, #tpu.memory_space<vmem>>, vector<1x64xf32>
    %add3A = vector.broadcast %get3A_8 : vector<1x64xf32> to vector<1024x64xf32>
    %add3A_9 = arith.addf %dot_general3A_5, %add3A : vector<1024x64xf32>
    %swap3A = arith.constant 0 : index
    %swap3A_10 = arith.constant 0 : index
    %swap3A_11 = vector.load %arg4[%swap3A, %swap3A_10] : memref<1024x64xf32, #tpu.memory_space<vmem>>, vector<1024x64xf32>
    tpu.vector_store %arg4[%swap3A, %swap3A_10], %add3A_9 {strides = array<i32>} : memref<1024x64xf32, #tpu.memory_space<vmem>>, vector<1024x64xf32>,
    return
  }
  func.func @transform_0(%arg0: i32) -> (i32, i32) {
    %c0_i32 = arith.constant 0 : i32
    %c0_i32_0 = arith.constant 0 : i32
    return %arg0, %c0_i32 : i32, i32
  }
  func.func @transform_1(%arg0: i32) -> (i32, i32) {
    %c0_i32 = arith.constant 0 : i32
    %c0_i32_0 = arith.constant 0 : i32
    %c0_i32_1 = arith.constant 0 : i32
    return %c0_i32, %c0_i32_0 : i32, i32
  }
  func.func @transform_2(%arg0: i32) -> (i32, i32) {
    %c0_i32 = arith.constant 0 : i32
    %c0_i32_0 = arith.constant 0 : i32
    %c0_i32_1 = arith.constant 0 : i32
    return %c0_i32, %c0_i32_0 : i32, i32
  }
  func.func @transform_3(%arg0: i32) -> (i32, i32) {
    %c0_i32 = arith.constant 0 : i32
    %c0_i32_0 = arith.constant 0 : i32
    return %arg0, %c0_i32 : i32, i32
  }
}

module attributes {stable_mosaic.version = 14 : i64} {
  func.func @_final_body(%arg0: i32, %arg1: memref<1024x32xbf16, #tpu.memory_space<vmem>>, %arg2: memref<1024x32xbf16, #tpu.memory_space<vmem>>, %arg3: memref<1024x1xf32, #tpu.memory_space<vmem>>, %arg4: memref<1024x1xf32, #tpu.memory_space<vmem>>, %arg5: memref<1024x64xf32, #tpu.memory_space<vmem>>, %arg6: memref<1024x64xf32, #tpu.memory_space<vmem>>) attributes {dimension_semantics = [#tpu.dimension_semantics<arbitrary>], iteration_bounds = array<i64: 10>, scalar_prefetch = 0 : i64, scratch_operands = 0 : i64, tpu.core_type = #tpu.core_type<tc>, window_params = [{transform_indices = @transform_0, window_bounds = array<i64: 1024, 32>}, {transform_indices = @transform_1, window_bounds = array<i64: 1024, 32>}, {transform_indices = @transform_2, window_bounds = array<i64: 1024, 1>}, {transform_indices = @transform_3, window_bounds = array<i64: 1024, 1>}, {transform_indices = @transform_4, window_bounds = array<i64: 1024, 64>}, {transform_indices = @transform_5, window_bounds = array<i64: 1024, 64>}]} {
    %get3A = arith.constant 0 : index
    %get3A_0 = arith.constant 0 : index
    %get3A_1 = vector.load %arg3[%get3A, %get3A_0] : memref<1024x1xf32, #tpu.memory_space<vmem>>, vector<1024x1xf32>
    %get3A_2 = arith.constant 0 : index
    %get3A_3 = arith.constant 0 : index
    %get3A_4 = vector.load %arg4[%get3A_2, %get3A_3] : memref<1024x1xf32, #tpu.memory_space<vmem>>, vector<1024x1xf32>
    %add3A = arith.addf %get3A_1, %get3A_4 : vector<1024x1xf32>
    %max3A = arith.constant 1.000000e+00 : f32
    %max3A_5 = vector.broadcast %max3A : f32 to vector<1024x1xf32>
    %max3A_6 = arith.maximumf %add3A, %max3A_5 : vector<1024x1xf32>
    %div3A = arith.constant 1.000000e+00 : f32
    %div3A_7 = vector.broadcast %div3A : f32 to vector<1024x1xf32>
    %div3A_8 = arith.divf %div3A_7, %max3A_6 : vector<1024x1xf32>
    %get3A_9 = arith.constant 0 : index
    %get3A_10 = arith.constant 0 : index
    %get3A_11 = vector.load %arg1[%get3A_9, %get3A_10] : memref<1024x32xbf16, #tpu.memory_space<vmem>>, vector<1024x32xbf16>
    %get3A_12 = arith.constant 0 : index
    %get3A_13 = arith.constant 0 : index
    %get3A_14 = vector.load %arg2[%get3A_12, %get3A_13] : memref<1024x32xbf16, #tpu.memory_space<vmem>>, vector<1024x32xbf16>
    %concatenate3A = tpu.concatenate %get3A_11, %get3A_14 in 1 : vector<1024x32xbf16>, vector<1024x32xbf16> -> vector<1024x64xbf16>
    %convert_element_type3A = arith.extf %concatenate3A : vector<1024x64xbf16> to vector<1024x64xf32>
    %mul3A = vector.broadcast %div3A_8 : vector<1024x1xf32> to vector<1024x64xf32>
    %mul3A_15 = arith.mulf %convert_element_type3A, %mul3A : vector<1024x64xf32>
    %get3A_16 = arith.constant 0 : index
    %get3A_17 = arith.constant 0 : index
    %get3A_18 = vector.load %arg5[%get3A_16, %get3A_17] : memref<1024x64xf32, #tpu.memory_space<vmem>>, vector<1024x64xf32>
    %add3A_19 = arith.addf %mul3A_15, %get3A_18 : vector<1024x64xf32>
    %swap3A = arith.constant 0 : index
    %swap3A_20 = arith.constant 0 : index
    %swap3A_21 = vector.load %arg6[%swap3A, %swap3A_20] : memref<1024x64xf32, #tpu.memory_space<vmem>>, vector<1024x64xf32>
    tpu.vector_store %arg6[%swap3A, %swap3A_20], %add3A_19 {strides = array<i32>} : memref<1024x64xf32, #tpu.memory_space<vmem>>, vector<1024x64xf32>,
    return
  }
  func.func @transform_0(%arg0: i32) -> (i32, i32) {
    %c0_i32 = arith.constant 0 : i32
    %c0_i32_0 = arith.constant 0 : i32
    return %arg0, %c0_i32 : i32, i32
  }
  func.func @transform_1(%arg0: i32) -> (i32, i32) {
    %add3A = arith.constant 10 : i32
    %add3A_0 = arith.addi %add3A, %arg0 : i32
    %c0_i32 = arith.constant 0 : i32
    %c0_i32_1 = arith.constant 0 : i32
    return %add3A_0, %c0_i32 : i32, i32
  }
  func.func @transform_2(%arg0: i32) -> (i32, i32) {
    %c0_i32 = arith.constant 0 : i32
    %c0_i32_0 = arith.constant 0 : i32
    return %arg0, %c0_i32 : i32, i32
  }
  func.func @transform_3(%arg0: i32) -> (i32, i32) {
    %c0_i32 = arith.constant 0 : i32
    %c0_i32_0 = arith.constant 0 : i32
    return %arg0, %c0_i32 : i32, i32
  }
  func.func @transform_4(%arg0: i32) -> (i32, i32) {
    %c0_i32 = arith.constant 0 : i32
    %c0_i32_0 = arith.constant 0 : i32
    return %arg0, %c0_i32 : i32, i32
  }
  func.func @transform_5(%arg0: i32) -> (i32, i32) {
    %c0_i32 = arith.constant 0 : i32
    %c0_i32_0 = arith.constant 0 : i32
    return %arg0, %c0_i32 : i32, i32
  }
}

</mosaic_0001>

<sc_bundles>
// kernel: kernel.12.cloned.1.call-start
scs
__scs_entry_jumppad:
0x0: {  	(pc) =	sbr.rel $0x88, $3  }
0x1: {  	(tag) =	ssettag $0x0;
	lr =	simm.s32 $0x1  }
0x2: {  	[smem:$0x3F99] =	sst lr;
	_ =	strace $0xD0000000  }
0x3: {  	_ = 	snop  }
0x4: {  	_ = 	snop  }
0x5: {  	_ = 	snop  }
0x6: {  	_ = 	snop  }
0x7: {  	_ = 	snop  }
__scs_overlays_trampoline_lowered:
0x8: {  	[smem:$0x3FA8] =	sst s0  }
0x9: {  	[smem:$0x3FA9] =	sst s1  }
0xa: {  	[smem:$0x3FAA] =	sst s2  }
0xb: {  	[smem:$0x3FAB] =	sst s3  }
0xc: {  	[smem:$0x3FAC] =	sst s4  }
0xd: {  	[smem:$0x3FAD] =	sst s5  }
0xe: {  	[smem:$0x3FAE] =	sst s6  }
0xf: {  	[smem:$0x3FAF] =	sst s7  }
0x10: {  	[smem:$0x3FB0] =	sst s8  }
0x11: {  	[smem:$0x3FB1] =	sst s9;
	s0 =	simm.s32 @!p0 $0x0  }
0x12: {  	s1 =	sld [smem:$0x3F97];
	s0 =	simm.s32 @p0 $0x1  }
0x13: {  	[smem:$0x3FB2] =	sst s0;
	s0 =	simm.s32 @!p1 $0x0  }
0x14: {  	s2 =	sld [smem:$0x3F96];
	s0 =	simm.s32 @p1 $0x1  }
0x15: {  	[smem:$0x3FB3] =	sst s0;
	s0 =	simm.s32 @!p2 $0x0  }
0x16: {  	s3 =	sld [smem:$0x3FDB];
	s0 =	simm.s32 @p2 $0x1  }
0x17: {  	s4 =	simm.s32 $0x1BF5;
	[smem:$0x3FB5] =	sst s0  }
0x18: {  	s0 =	sld [smem:$0x3F98];
	_ =	swait.ge [sflag:s4], $0x0  }
0x19: {  	s7 =	sld [smem:$0x3F99]  }
0x1a: {  	s8 =	sadd.s32 $0xFFFFE003, lr  }
0x1b: {  	s9 =	sadd.s32 $0xFFFFFEF7, lr;
	s5 =	simm.s32 $0xFFFFFFFF;
	p2 =	slt.u32 s8, $0xFFFFF086  }
0x1c: {  	p1 =	slt.u32 s9, $0xF7A;
	s5 =	simm.s32 @!p2 $0x0  }
0x1d: {  	s5 =	simm.s32 @p1 $0x1;
	p0 =	seq.s32 s7, s2  }
0x1e: {  	s7 =	smul.u32 @!p0 $0xF7A, s2;
	p2 =	seq.s32 @!p0 s5, $0x0  }
0x1f: {  	s9 =	smul.u32 $0xF7A, s1;
	s8 =	simm.s32 @!p0 $0x1BF5;
	p2 =	por !p2, p0  }
0x20: {  	[sflag:s8] =	ssyncset.s32 @!p0 $0xFFFFF086;
	s6 =	sadd.s32 @!p0 s3, s7;
	s7 =	simm.s32 @!p0 $0x108  }
0x21: {  	s3 =	sadd.s32 s3, s9;
	s6 =	sadd.s32 @!p0 $0x88, s6;
	s7 =	simm.s32 @p2 $0x1082  }
0x22: {  	[simem:s7], [sflag:s8] =	dma.local @!p0 [hbm:s6], $0xF7A  }
0x23: {  	s9 =	sor.u32 $0xD0000000, s2;
	s6 =	simm.s32 $0x108;
	_ =	swait.ge @!p0 [sflag:s8], $0x0  }
0x24: {  	s3 =	sadd.s32 $0x88, s3;
	s6 =	simm.s32 @!p1 $0x1082;
	[sflag:s4] =	ssyncset.s32 $0xFFFFF086  }
0x25: {  	[simem:s6], [sflag:s4] =	dma.local [hbm:s3], $0xF7A  }
0x26: {  	[smem:$0x3F99] =	sst s1;
	(tag) =	ssettag s2;
	_ =	strace s9  }
0x27: {  	s1 =	sld [smem:$0x3FA9]  }
0x28: {  	s2 =	sld [smem:$0x3FAA]  }
0x29: {  	s4 =	sld [smem:$0x3FAC]  }
0x2a: {  	p0 =	seq.s32 s5, $0x0;
	s5 =	sld [smem:$0x3FAD]  }
0x2b: {  	s6 =	sld [smem:$0x3FAE]  }
0x2c: {  	s7 =	sld [smem:$0x3FAF]  }
0x2d: {  	s3 =	simm.s32 $0x108;
	s8 =	sld [smem:$0x3FB0]  }
0x2e: {  	s3 =	simm.s32 @!p0 $0x1082;
	s9 =	sld [smem:$0x3FB1]  }
0x2f: {  	lr =	sadd.s32 s0, s3;
	s0 =	sld [smem:$0x3FA8]  }
0x30: {  	s3 =	sld [smem:$0x3FAB]  }
0x31: {  	[smem:$0x3FB4] =	sst s10  }
0x32: {  	s10 =	sld [smem:$0x3FB2];
	_ =	sdelay $0x3  }
0x33: {  	p0 =	seq.s32 s10, $0x1;
	s10 =	sld [smem:$0x3FB4];
	_ =	sdelay $0x3  }
0x34: {  	[smem:$0x3FB4] =	sst s10  }
0x35: {  	s10 =	sld [smem:$0x3FB3];
	_ =	sdelay $0x3  }
0x36: {  	p1 =	seq.s32 s10, $0x1;
	s10 =	sld [smem:$0x3FB4];
	_ =	sdelay $0x3  }
0x37: {  	[smem:$0x3FB4] =	sst s10  }
0x38: {  	s10 =	sld [smem:$0x3FB5]  }
0x39: {  	_ = 	snop;
	(pc) =	sbr.ind lr, $3  }
0x3a: {  	_ = 	snop  }
0x3b: {  	_ = 	snop  }
0x3c: {  	p2 =	seq.s32 s10, $0x1;
	s10 =	sld [smem:$0x3FB4]  }
0x3d: {  	_ =	shalt  }
0x3e: {  	_ =	shalt  }
0x3f: {  	_ =	shalt  }
0x40: {  	_ =	shalt  }
0x41: {  	_ =	shalt  }
0x42: {  	_ =	shalt  }
0x43: {  	_ =	shalt  }
0x44: {  	_ =	shalt  }
0x45: {  	_ =	shalt  }
0x46: {  	_ =	shalt  }
0x47: {  	_ =	shalt  }
0x48: {  	_ =	shalt  }
0x49: {  	_ =	shalt  }
0x4a: {  	_ =	shalt  }
0x4b: {  	_ =	shalt  }
0x4c: {  	_ =	shalt  }
0x4d: {  	_ =	shalt  }
0x4e: {  	_ =	shalt  }
0x4f: {  	_ =	shalt  }
0x50: {  	_ =	shalt  }
0x51: {  	_ =	shalt  }
0x52: {  	_ =	shalt  }
0x53: {  	_ =	shalt  }
0x54: {  	_ =	shalt  }
0x55: {  	_ =	shalt  }
0x56: {  	_ =	shalt  }
0x57: {  	_ =	shalt  }
0x58: {  	_ =	shalt  }
0x59: {  	_ =	shalt  }
0x5a: {  	_ =	shalt  }
0x5b: {  	_ =	shalt  }
0x5c: {  	_ =	shalt  }
0x5d: {  	_ =	shalt  }
0x5e: {  	_ =	shalt  }
0x5f: {  	_ =	shalt  }
0x60: {  	_ =	shalt  }
0x61: {  	_ =	shalt  }
0x62: {  	_ =	shalt  }
0x63: {  	_ =	shalt  }
0x64: {  	_ =	shalt  }
0x65: {  	_ =	shalt  }
0x66: {  	_ =	shalt  }
0x67: {  	_ =	shalt  }
0x68: {  	_ =	shalt  }
0x69: {  	_ =	shalt  }
0x6a: {  	_ =	shalt  }
0x6b: {  	_ =	shalt  }
0x6c: {  	_ =	shalt  }
0x6d: {  	_ =	shalt  }
0x6e: {  	_ =	shalt  }
0x6f: {  	_ =	shalt  }
0x70: {  	_ =	shalt  }
0x71: {  	_ =	shalt  }
0x72: {  	_ =	shalt  }
0x73: {  	_ =	shalt  }
0x74: {  	_ =	shalt  }
0x75: {  	_ =	shalt  }
0x76: {  	_ =	shalt  }
0x77: {  	_ =	shalt  }
0x78: {  	_ =	shalt  }
0x79: {  	_ =	shalt  }
0x7a: {  	_ =	shalt  }
0x7b: {  	_ =	shalt  }
0x7c: {  	_ =	shalt  }
0x7d: {  	_ =	shalt  }
0x7e: {  	_ =	shalt  }
0x7f: {  	_ =	shalt  }
0x80: {  	_ =	shalt  }
0x81: {  	_ =	shalt  }
0x82: {  	_ =	shalt  }
0x83: {  	_ =	shalt  }
0x84: {  	_ =	shalt  }
0x85: {  	_ =	shalt  }
0x86: {  	_ =	shalt  }
0x87: {  	_ =	shalt  }
.Lfunc_end0:
.L_simem_size_0:
called_computation.1_lowered:
.L_overlay_start_0:
0x88: {  	s2 =	sld [smem:$0x3FD9]  }
0x89: {  	s3 =	sld [smem:$0x3FFE];
	_ =	sdelay $0x1  }
0x8a: {  	s1 =	srdreg.scid  }
0x8b: {  	s0 =	sand.u32 $0x1, s1  }
0x8c: {  	s17 =	sshll.u32 s0, $0xA;
	s2 =	sadd.s32 s3, s2  }
0x8d: {  	s2 =	sadd.s32 s2, s17  }
0x8e: {  	[smem:$0x3FC0] =	sst s2  }
0x8f: {  	_ = 	snop  }
0x90: {  	s2 =	sld [smem:$0x3FD0];
	(tm) =	ssettm $0x1  }
0x91: {  	s18 =	sld [smem:$0x3FFB];
	_ =	sdelay $0x3  }
0x92: {  	_ =	strace s18  }
0x93: {  	s3 =	sld [smem:$0x3FFC];
	_ =	sdelay $0x3  }
0x94: {  	_ =	strace s3  }
0x95: {  	s3 =	sld [smem:$0x3FFD];
	_ =	sdelay $0x3  }
0x96: {  	_ =	strace s3  }
0x97: {  	_ =	strace $0x8FFFFFFF  }
0x98: {  	s19 =	sld [smem:$0x3FDB];
	_ =	sdelay $0x1  }
0x99: {  	s4 =	simm.s32 $_scs_section_size  }
0x9a: {  	s5 =	simm.s32 $_size__tile_overlayer_lowered;
	s6 =	simm.s32 $_tile_overlayer_lowered  }
0x9b: {  	s22 =	simm.s32 $0x1BFF;
	s21 =	sshll.u32 s6, $0x1;
	s3 =	sadd.s32 s4, s19  }
0x9c: {  	s7 =	simm.s32 $0x0;
	s20 =	sshll.u32 s5, $0x1;
	s5 =	sadd.s32 s21, s3  }
0x9d: {  	[timem:s7], [sflag:s22] =	dma.local [hbm:s5], s20  }
0x9e: {  	_ =	swait.ge [sflag:s22], s20  }
0x9f: {  	s4 =	ssub.s32 $0x0, s20;
	[sflag:s22] =	ssyncset.done $0x0  }
0xa0: {  	[sflag:s22] =	ssyncadd.s32 s4;
	_ =	sdelay $0x1  }
0xa1: {  	s23 =	simm.s32 $0x1B8B  }
0xa2: {  	_ =	swait.ge [sflag:s23], $0x1  }
0xa3: {  	[sflag:s23] =	ssyncset.done $0x0  }
0xa4: {  	s25 =	simm.s32 $0x1B8E;
	s24 =	sld [smem:$0x3FFE];
	[sflag:s23] =	ssyncadd.s32 $0xFFFFFFFF  }
0xa5: {  	s26 =	simm.s32 $execute0_lowered;
	[smem:$0x3FD2] =	sst s25  }
0xa6: {  	s5 =	sshll.u32 s26, $0x1;
	_ =	strace $0x80000049;
	[dreg:$0x1] =	wrdreg $0xFFFFFFFF  }
0xa7: {  	s28 =	simm.s32 $_size_execute0_lowered;
	s3 =	sadd.s32 s3, s5;
	[dreg:$0x0] =	wrdreg $0x0  }
0xa8: {  	s5 =	sshll.u32 s28, $0x1;
	[dreg:$0x2] =	wrdreg s3  }
0xa9: {  	[dreg:$0x3] =	wrdreg s5  }
0xaa: {  	[dreg:$0x4] =	wrdreg $0xC0  }
0xab: {  	_ =	task [dreg:s7], $0x5FFFF  }
0xac: {  	[dreg:$0x1] =	wrdreg $0xFFFFFFFF  }
0xad: {  	[dreg:$0x0] =	wrdreg $0x60  }
0xae: {  	[dreg:$0x2] =	wrdreg s24  }
0xaf: {  	[dreg:$0x3] =	wrdreg s2  }
0xb0: {  	[dreg:$0x4] =	wrdreg $0xE0000  }
0xb1: {  	[dreg:$0x5] =	wrdreg $0x108000  }
0xb2: {  	[dreg:$0x6] =	wrdreg $0x9  }
0xb3: {  	_ =	task.clear_ibuf [dreg:s7], $0x7FFFF;
	_ =	strace $0x90000049  }
0xb4: {  	s29 =	simm.s32 $0x9;
	_ =	strace $0x8000004B  }
0xb5: {  	_ =	swait.ge [sflag:s29], $0x1  }
0xb6: {  	[sflag:s29] =	ssyncadd.s32 $0xFFFFFFFF  }
0xb7: {  	_ =	strace $0x9000004B  }
0xb8: {  	_ =	sfence  }
0xb9: {  	s30 =	sld [smem:$0x0];
	_ =	sdelay $0x2  }
0xba: {  	s31 =	sshll.u32 s1, $0xD;
	s1 =	sshrl.u32 s1, $0x2  }
0xbb: {  	s3 =	sand.u32 $0x4000, s31;
	s1 =	sadd.s32 s1, s30  }
0xbc: {  	s0 =	sor.u32 s3, s0;
	s1 =	sshll.u32 s1, $0x11  }
0xbd: {  	s0 =	sor.u32 s1, s0  }
0xbe: {  	s0 =	sadd.s32 $0x8F2B, s0  }
0xbf: {  	[sflag:s0] =	ssyncadd.remote.s32 $0x1  }
0xc0: {  	_ =	sfence.sel $0xFFFF  }
0xc1: {  	[dreg:$0x0] =	wrdreg $0xFFFFFFFF;
	(pc) =	sbr.abs _section_cstart, $3  }
0xc2: {  	[dreg:$0x1] =	wrdreg $0xFFFFFFFF  }
0xc3: {  	_ =	task.clear_ibuf [dreg:s7], $0x2FFFF;
	_ =	strace $0x9FFFFFFF  }
0xc4: {  	(tm) =	ssettm $0x7FFFFFFF  }
0xc5: {  	_ =	shalt  }
tec
execute0_lowered:
.L_overlay_start_1:
0x0: {  	(tag) =	ssettag $0x1  }
0x1: {  	s0 =	rddreg [dreg:$0x0]  }
0x2: {  	s1 =	rddreg [dreg:$0x1]  }
0x3: {  	s2 =	rddreg [dreg:$0x2]  }
0x4: {  	s3 =	rddreg [dreg:$0x3];
	s5 =	simm.s32 $0x0  }
0x5: {  	s10 =	stileid.u32;
	s4 =	srdreg.scid;
	s17 =	simm.s32 $0x1  }
0x6: {  	s18 =	simm.s32 $0x2;
	s29 =	simm.s32 $0xC800;
	s30 =	simm.s32 $0xC000  }
0x7: {  	s31 =	simm.s32 $0xD000;
	s13 =	simm.s32 $0x7;
	s19 =	smul.u32 $0xA00, s10  }
0x8: {  	[smem:$0x7FF] =	sst s5;
	s4 =	sand.u32 $0x1, s4;
	s8 =	smul.u32 $0x5000, s10  }
0x9: {  	s9 =	sadd.s32 $0x35C00, s0;
	s20 =	smul.u32 $0x500, s10;
	s11 =	sshll.u32 s10, $0x6  }
0xa: {  	_ =	strace $0x8000004A;
	s6 =	ssub.s32 $0x2, s4;
	[dreg:$0x6] =	wrdreg s9  }
0xb: {  	s24 =	smul.u32 $0x5000, s4;
	s12 =	sor.u32 $0x1C03, s11;
	p0 =	seq.s32 s4, $0x1  }
0xc: {  	s4 =	simm.s32 $0x2600;
	[dreg:$0x9] =	wrdreg s11;
	s26 =	sor.u32 $0x1C04, s11  }
0xd: {  	[dreg:$0x5] =	wrdreg s29;
	s5 =	sadd.s32 s19, s0;
	s7 =	sshrl.u32 s6, $0x1  }
0xe: {  	s22 =	sshrl.u32 s8, $0x1;
	[dreg:$0xa] =	wrdreg s12;
	s4 =	simm.s32 @!p0 $0x7600  }
0xf: {  	s8 =	sshrl.u32 s8, $0x4;
	[dreg:$0xf] =	wrdreg s26;
	s19 =	simm.s32 $0x3  }
0x10: {  	s6 =	ssub.s32 s6, s7;
	s21 =	sadd.s32 $0x17000, s5;
	s5 =	sadd.s32 $0xD000, s5  }
0x11: {  	s23 =	sadd.s32 s22, s2;
	s7 =	sadd.s32 s20, s24;
	[dreg:$0x7] =	wrdreg s21  }
0x12: {  	s0 =	sadd.s32 s4, s0;
	s24 =	simm.s32 $0x8;
	[dreg:$0x8] =	wrdreg s5  }
0x13: {  	s5 =	sadd.s32 s22, s3;
	s1 =	sadd.s32 s1, s7;
	s25 =	smax.u32 s6, $0x1  }
0x14: {  	s0 =	sadd.s32 s0, s8;
	s7 =	sshrl.u32 s23, $0x3;
	[dreg:$0xb] =	wrdreg s1  }
0x15: {  	s21 =	simm.s32 $0x80;
	s22 =	simm.s32 $0xA000;
	[dreg:$0xc] =	wrdreg s25  }
0x16: {  	s23 =	simm.s32 $0xA800;
	s6 =	simm.s32 $0x0;
	[dreg:$0xd] =	wrdreg s0  }
0x17: {  	s28 =	sshrl.u32 s5, $0x3;
	s25 =	simm.s32 $0xB000;
	[dreg:$0xe] =	wrdreg s7  }
0x18: {  	s0 =	simm.s32 $0xD800;
	s1 =	simm.s32 $0x5;
	[dreg:$0x10] =	wrdreg s28  }
.LBB2_1:
0x19: {  	[dreg:$0x11] =	wrdreg s6  }
0x1a: {  	s5 =	rddreg [dreg:$0x7]  }
0x1b: {  	s20 =	rddreg [dreg:$0x8]  }
0x1c: {  	s4 =	simm.s32 $0x0;
	s28 =	rddreg [dreg:$0x6]  }
0x1d: {  	[tilespmem:s4], [sflag:$0x1] =	stream.linear.gather [hbm4b:s5+s4], $0x5000, $0x38;
	[tilespmem:$0x13000] =	vst v63  }
0x1e: {  	s26 =	simm.s32 $0x5000;
	s29 =	rddreg [dreg:$0xa]  }
0x1f: {  	[tilespmem:s26], [sflag:$0x2] =	stream.linear.gather [hbm4b:s20+s4], $0x5000, $0x38;
	[tilespmem:$0x13000] =	vst v63  }
0x20: {  	[spmem:s7], [sflag:s29] =	dma.local [hbm:s28], $0x500  }
0x21: {  	s5 =	rddreg [dreg:$0xd]  }
0x22: {  	s6 =	rddreg [dreg:$0xf]  }
0x23: {  	s7 =	rddreg [dreg:$0x10]  }
0x24: {  	[spmem:s7], [sflag:s6] =	dma.local [hbm:s5], $0x500  }
0x25: {  	_ =	swait.ge [sflag:s17], $0x5000  }
0x26: {  	[sflag:s17] =	ssyncset.done $0x0  }
0x27: {  	[sflag:s17] =	ssyncadd.s32 $0xFFFFB000  }
0x28: {  	_ =	swait.ge [sflag:s18], $0x5000  }
0x29: {  	[sflag:s18] =	ssyncset.done $0x0  }
0x2a: {  	[sflag:s18] =	ssyncadd.s32 $0xFFFFB000  }
0x2b: {  	_ =	swait.ge [sflag:s19], $0x500  }
0x2c: {  	[sflag:s19] =	ssyncset.done $0x0  }
0x2d: {  	s6 =	simm.s32 $0x4;
	[sflag:s19] =	ssyncadd.s32 $0xFFFFFB00  }
0x2e: {  	_ =	swait.ge [sflag:s6], $0x500  }
0x2f: {  	[sflag:s6] =	ssyncset.done $0x0  }
0x30: {  	[sflag:s6] =	ssyncadd.s32 $0xFFFFFB00  }
0x31: {  	[bflag:$0x0] =	sbarrier.arrive $0xFFFF  }
0x32: {  	[tilespmem:s22], [sflag:$0x1] =	stream.indirect.gather [spmem:s3], $0x10, s4, s21, $0xb8;
	[tilespmem:$0x13000] =	vst v63  }
0x33: {  	_ = 	snop  }
0x34: {  	[tilespmem:s23], [sflag:$0x2] =	stream.indirect.gather [spmem:s3], $0x10, s21, s21, $0xb8;
	[tilespmem:$0x13000] =	vst v63  }
0x35: {  	s7 =	simm.s32 $0x100  }
0x36: {  	[tilespmem:s25], [sflag:$0x3] =	stream.indirect.gather [spmem:s3], $0x10, s7, s21, $0xb8;
	[tilespmem:$0x13000] =	vst v63  }
0x37: {  	s8 =	simm.s32 $0x180;
	s9 =	simm.s32 $0xB800;
	p0 =	por $0x1, $0x1  }
0x38: {  	[tilespmem:s9], [sflag:$0x4] =	stream.indirect.gather [spmem:s3], $0x10, s8, s21, $0xb8;
	[tilespmem:$0x13000] =	vst v63  }
0x39: {  	s10 =	simm.s32 $0x200;
	s4 =	simm.s32 @!p0 $0xE  }
0x3a: {  	[tilespmem:s30], [sflag:$0x5] =	stream.indirect.gather [spmem:s3], $0x10, s10, s21, $0xb8;
	[tilespmem:$0x13000] =	vst v63  }
0x3b: {  	_ =	swait.ge @!p0 [sflag:s4], $0x800  }
0x3c: {  	[sflag:s4] =	ssyncset.done @!p0 $0x0  }
0x3d: {  	s12 =	simm.s32 $0x280;
	s11 =	rddreg [dreg:$0x5];
	[sflag:s4] =	ssyncadd.s32 @!p0 $0xFFFFF800  }
0x3e: {  	[tilespmem:s11], [sflag:$0x6] =	stream.indirect.gather [spmem:s3], $0x10, s12, s21, $0xb8;
	[tilespmem:$0x13000] =	vst v63  }
0x3f: {  	_ =	swait.ge [sflag:s17], $0x800  }
0x40: {  	[sflag:s17] =	ssyncset.done $0x0  }
0x41: {  	s14 =	simm.s32 $0x5000;
	s5 =	simm.s32 @!p0 $0xF;
	[sflag:s17] =	ssyncadd.s32 $0xFFFFF800  }
0x42: {  	[spmem:s2] =	stream.indirect.scatter.add.bf16 [tilespmem:s22], [sflag:$0x9], $0x10, s14, s21, $0xb8;
	[tilespmem:$0x13000] =	vst v63  }
0x43: {  	_ =	swait.ge @!p0 [sflag:s5], $0x800  }
0x44: {  	[sflag:s5] =	ssyncset.done @!p0 $0x0  }
0x45: {  	s15 =	simm.s32 $0x300;
	[sflag:s5] =	ssyncadd.s32 @!p0 $0xFFFFF800  }
0x46: {  	[tilespmem:s31], [sflag:$0x7] =	stream.indirect.gather [spmem:s3], $0x10, s15, s21, $0xb8;
	[tilespmem:$0x13000] =	vst v63  }
0x47: {  	_ =	swait.ge [sflag:s18], $0x800  }
0x48: {  	[sflag:s18] =	ssyncset.done $0x0  }
0x49: {  	s16 =	simm.s32 $0x5080;
	s5 =	simm.s32 @!p0 $0x10;
	[sflag:s18] =	ssyncadd.s32 $0xFFFFF800  }
0x4a: {  	[spmem:s2] =	stream.indirect.scatter.add.bf16 [tilespmem:s23], [sflag:$0xA], $0x10, s16, s21, $0xb8;
	[tilespmem:$0x13000] =	vst v63  }
0x4b: {  	_ =	swait.ge @!p0 [sflag:s5], $0x800  }
0x4c: {  	[sflag:s5] =	ssyncset.done @!p0 $0x0  }
0x4d: {  	s20 =	simm.s32 $0x380;
	[sflag:s5] =	ssyncadd.s32 @!p0 $0xFFFFF800  }
0x4e: {  	[tilespmem:s0], [sflag:$0x8] =	stream.indirect.gather [spmem:s3], $0x10, s20, s21, $0xb8;
	[tilespmem:$0x13000] =	vst v63  }
0x4f: {  	_ =	swait.ge [sflag:s19], $0x800  }
0x50: {  	p0 =	por $0x0, $0x0;
	[sflag:s19] =	ssyncset.done $0x0  }
0x51: {  	s26 =	simm.s32 $0x5100;
	s5 =	simm.s32 @p0 $0x4;
	[sflag:s19] =	ssyncadd.s32 $0xFFFFF800  }
0x52: {  	[spmem:s2] =	stream.indirect.scatter.add.bf16 [tilespmem:s25], [sflag:$0xB], $0x10, s26, s21, $0xb8;
	[tilespmem:$0x13000] =	vst v63  }
0x53: {  	_ =	swait.ge @p0 [sflag:s5], $0x800  }
0x54: {  	s4 =	simm.s32 @p0 $0x5180;
	s6 =	simm.s32 @p0 $0x80;
	[sflag:s5] =	ssyncset.done @p0 $0x0  }
0x55: {  	s8 =	simm.s32 @p0 $0xB800;
	[sflag:s5] =	ssyncadd.s32 @p0 $0xFFFFF800;
	s5 =	simm.s32 @!p0 $0x9  }
0x56: {  	[spmem:s2] =	stream.indirect.scatter.add.bf16 @p0 [tilespmem:s8], [sflag:$0xC], $0x10, s4, s6, $0xb8;
	[tilespmem:$0x13000] =	vst v63  }
0x57: {  	_ =	swait.ge @!p0 [sflag:s5], $0x800  }
0x58: {  	s15 =	simm.s32 @!p0 $0xA000;
	s4 =	simm.s32 @!p0 $0x400;
	[sflag:s5] =	ssyncset.done @!p0 $0x0  }
0x59: {  	s8 =	simm.s32 @!p0 $0x80;
	[sflag:s5] =	ssyncadd.s32 @!p0 $0xFFFFF800;
	s5 =	simm.s32 @!p0 $0x4  }
0x5a: {  	[tilespmem:s15], [sflag:$0x1] =	stream.indirect.gather @!p0 [spmem:s3], $0x10, s4, s8, $0xb8;
	[tilespmem:$0x13000] =	vst v63  }
0x5b: {  	_ =	swait.ge @!p0 [sflag:s5], $0x800  }
0x5c: {  	s4 =	simm.s32 @!p0 $0x5180;
	[sflag:s5] =	ssyncset.done @!p0 $0x0  }
0x5d: {  	s15 =	simm.s32 @!p0 $0xB800;
	[sflag:s5] =	ssyncadd.s32 @!p0 $0xFFFFF800;
	s5 =	simm.s32 @!p0 $0xA  }
0x5e: {  	[spmem:s2] =	stream.indirect.scatter.add.bf16 @!p0 [tilespmem:s15], [sflag:$0xC], $0x10, s4, s8, $0xb8;
	[tilespmem:$0x13000] =	vst v63  }
0x5f: {  	_ =	swait.ge @!p0 [sflag:s5], $0x800  }
0x60: {  	[sflag:s5] =	ssyncset.done @!p0 $0x0  }
0x61: {  	s4 =	simm.s32 @!p0 $0x480;
	[sflag:s5] =	ssyncadd.s32 @!p0 $0xFFFFF800;
	s5 =	simm.s32 @!p0 $0xA800  }
0x62: {  	[tilespmem:s5], [sflag:$0x2] =	stream.indirect.gather @!p0 [spmem:s3], $0x10, s4, s8, $0xb8;
	[tilespmem:$0x13000] =	vst v63  }
0x63: {  	_ =	swait.ge [sflag:s1], $0x800  }
0x64: {  	[sflag:s1] =	ssyncset.done $0x0  }
0x65: {  	s28 =	simm.s32 $0x5200;
	s5 =	simm.s32 @p0 $0x6;
	[sflag:s1] =	ssyncadd.s32 $0xFFFFF800  }
0x66: {  	[spmem:s2] =	stream.indirect.scatter.add.bf16 [tilespmem:s30], [sflag:$0xD], $0x10, s28, s21, $0xb8;
	[tilespmem:$0x13000] =	vst v63  }
0x67: {  	_ =	swait.ge @p0 [sflag:s5], $0x800  }
0x68: {  	[sflag:s5] =	ssyncset.done @p0 $0x0  }
0x69: {  	s4 =	simm.s32 @p0 $0x5280;
	[sflag:s5] =	ssyncadd.s32 @p0 $0xFFFFF800;
	s5 =	simm.s32 @p0 $0xC800  }
0x6a: {  	[spmem:s2] =	stream.indirect.scatter.add.bf16 @p0 [tilespmem:s5], [sflag:$0xE], $0x10, s4, s6, $0xb8;
	[tilespmem:$0x13000] =	vst v63  }
0x6b: {  	s4 =	simm.s32 @!p0 $0xB  }
0x6c: {  	_ =	swait.ge @!p0 [sflag:s4], $0x800  }
0x6d: {  	[sflag:s4] =	ssyncset.done @!p0 $0x0  }
0x6e: {  	s5 =	simm.s32 @!p0 $0x500;
	[sflag:s4] =	ssyncadd.s32 @!p0 $0xFFFFF800;
	s4 =	simm.s32 @!p0 $0xB000  }
0x6f: {  	[tilespmem:s4], [sflag:$0x3] =	stream.indirect.gather @!p0 [spmem:s3], $0x10, s5, s8, $0xb8;
	[tilespmem:$0x13000] =	vst v63  }
0x70: {  	s4 =	simm.s32 @!p0 $0x6  }
0x71: {  	_ =	swait.ge @!p0 [sflag:s4], $0x800  }
0x72: {  	[sflag:s4] =	ssyncset.done @!p0 $0x0  }
0x73: {  	s5 =	simm.s32 @!p0 $0x5280;
	[sflag:s4] =	ssyncadd.s32 @!p0 $0xFFFFF800;
	s4 =	simm.s32 @!p0 $0xC800  }
0x74: {  	[spmem:s2] =	stream.indirect.scatter.add.bf16 @!p0 [tilespmem:s4], [sflag:$0xE], $0x10, s5, s8, $0xb8;
	[tilespmem:$0x13000] =	vst v63  }
0x75: {  	s4 =	simm.s32 @!p0 $0xC  }
0x76: {  	_ =	swait.ge @!p0 [sflag:s4], $0x800  }
0x77: {  	[sflag:s4] =	ssyncset.done @!p0 $0x0  }
0x78: {  	[sflag:s4] =	ssyncadd.s32 @!p0 $0xFFFFF800;
	s4 =	simm.s32 @!p0 $0x580  }
0x79: {  	[tilespmem:s15], [sflag:$0x4] =	stream.indirect.gather @!p0 [spmem:s3], $0x10, s4, s8, $0xb8;
	[tilespmem:$0x13000] =	vst v63  }
0x7a: {  	_ =	swait.ge [sflag:s13], $0x800  }
0x7b: {  	[sflag:s13] =	ssyncset.done $0x0  }
0x7c: {  	s29 =	simm.s32 $0x5300;
	s5 =	simm.s32 @!p0 $0xD;
	[sflag:s13] =	ssyncadd.s32 $0xFFFFF800  }
0x7d: {  	[spmem:s2] =	stream.indirect.scatter.add.bf16 [tilespmem:s31], [sflag:$0xF], $0x10, s29, s21, $0xb8;
	[tilespmem:$0x13000] =	vst v63  }
0x7e: {  	_ =	swait.ge @!p0 [sflag:s5], $0x800  }
0x7f: {  	p1 =	por $0x0, $0x0;
	s16 =	simm.s32 $0x2000;
	[sflag:s5] =	ssyncset.done @!p0 $0x0  }
0x80: {  	s4 =	simm.s32 @!p0 $0x600;
	[sflag:s5] =	ssyncadd.s32 @!p0 $0xFFFFF800;
	s5 =	simm.s32 @!p0 $0xC000  }
0x81: {  	[tilespmem:s5], [sflag:$0x5] =	stream.indirect.gather @!p0 [spmem:s3], $0x10, s4, s8, $0xb8;
	[tilespmem:$0x13000] =	vst v63  }
0x82: {  	s15 =	simm.s32 $0x1000;
	s8 =	simm.s32 $0x5380;
	_ =	swait.ge [sflag:s24], $0x800  }
.LBB2_2:
0x83: {  	[sflag:s24] =	ssyncset.done $0x0  }
0x84: {  	s5 =	simm.s32 @!p1 $0xE;
	[sflag:s24] =	ssyncadd.s32 $0xFFFFF800  }
0x85: {  	[spmem:s2] =	stream.indirect.scatter.add.bf16 [tilespmem:s0], [sflag:$0x10], $0x10, s8, s21, $0xb8;
	[tilespmem:$0x13000] =	vst v63  }
0x86: {  	_ =	swait.ge @!p1 [sflag:s5], $0x800  }
0x87: {  	s4 =	sshra.s32 s15, $0x2;
	[sflag:s5] =	ssyncset.done @!p1 $0x0  }
0x88: {  	s7 =	sadd.s32 $0x280, s4;
	s6 =	rddreg [dreg:$0x5];
	[sflag:s5] =	ssyncadd.s32 @!p1 $0xFFFFF800  }
0x89: {  	[tilespmem:s6], [sflag:$0x6] =	stream.indirect.gather [spmem:s3], $0x10, s7, s21, $0xb8;
	[tilespmem:$0x13000] =	vst v63  }
0x8a: {  	_ =	swait.ge [sflag:s17], $0x800  }
0x8b: {  	[sflag:s17] =	ssyncset.done $0x0  }
0x8c: {  	s9 =	sadd.s32 $0x5000, s4;
	s6 =	simm.s32 @!p1 $0xF;
	[sflag:s17] =	ssyncadd.s32 $0xFFFFF800  }
0x8d: {  	[spmem:s2] =	stream.indirect.scatter.add.bf16 [tilespmem:s22], [sflag:$0x9], $0x10, s9, s21, $0xb8;
	[tilespmem:$0x13000] =	vst v63  }
0x8e: {  	_ =	swait.ge @!p1 [sflag:s6], $0x800  }
0x8f: {  	[sflag:s6] =	ssyncset.done @!p1 $0x0  }
0x90: {  	s10 =	sadd.s32 $0x300, s4;
	[sflag:s6] =	ssyncadd.s32 @!p1 $0xFFFFF800  }
0x91: {  	[tilespmem:s31], [sflag:$0x7] =	stream.indirect.gather [spmem:s3], $0x10, s10, s21, $0xb8;
	[tilespmem:$0x13000] =	vst v63  }
0x92: {  	_ =	swait.ge [sflag:s18], $0x800  }
0x93: {  	[sflag:s18] =	ssyncset.done $0x0  }
0x94: {  	s11 =	sadd.s32 $0x5080, s4;
	s6 =	simm.s32 @!p1 $0x10;
	[sflag:s18] =	ssyncadd.s32 $0xFFFFF800  }
0x95: {  	[spmem:s2] =	stream.indirect.scatter.add.bf16 [tilespmem:s23], [sflag:$0xA], $0x10, s11, s21, $0xb8;
	[tilespmem:$0x13000] =	vst v63  }
0x96: {  	_ =	swait.ge @!p1 [sflag:s6], $0x800  }
0x97: {  	[sflag:s6] =	ssyncset.done @!p1 $0x0  }
0x98: {  	s12 =	sadd.s32 $0x380, s4;
	[sflag:s6] =	ssyncadd.s32 @!p1 $0xFFFFF800  }
0x99: {  	[tilespmem:s0], [sflag:$0x8] =	stream.indirect.gather [spmem:s3], $0x10, s12, s21, $0xb8;
	[tilespmem:$0x13000] =	vst v63  }
0x9a: {  	_ =	swait.ge [sflag:s19], $0x800  }
0x9b: {  	p1 =	seq.s32 s15, $0x13000;
	[sflag:s19] =	ssyncset.done $0x0  }
0x9c: {  	s14 =	sadd.s32 $0x5100, s4;
	s6 =	simm.s32 @p1 $0x4;
	[sflag:s19] =	ssyncadd.s32 $0xFFFFF800  }
0x9d: {  	[spmem:s2] =	stream.indirect.scatter.add.bf16 [tilespmem:s25], [sflag:$0xB], $0x10, s14, s21, $0xb8;
	[tilespmem:$0x13000] =	vst v63  }
0x9e: {  	s28 =	sshra.s32 @p1 s15, $0x2;
	_ =	swait.ge @p1 [sflag:s6], $0x800  }
0x9f: {  	s5 =	simm.s32 @p1 $0x80;
	s29 =	simm.s32 @p1 $0xB800;
	[sflag:s6] =	ssyncset.done @p1 $0x0  }
0xa0: {  	s26 =	sadd.s32 @p1 $0x5180, s28;
	[sflag:s6] =	ssyncadd.s32 @p1 $0xFFFFF800;
	s6 =	simm.s32 @!p1 $0x9  }
0xa1: {  	[spmem:s2] =	stream.indirect.scatter.add.bf16 @p1 [tilespmem:s29], [sflag:$0xC], $0x10, s26, s5, $0xb8;
	[tilespmem:$0x13000] =	vst v63  }
0xa2: {  	s15 =	sshra.s32 @!p1 s15, $0x2;
	_ =	swait.ge @!p1 [sflag:s6], $0x800  }
0xa3: {  	s11 =	simm.s32 @!p1 $0x4;
	s7 =	sadd.s32 @!p1 $0x400, s15;
	[sflag:s6] =	ssyncset.done @!p1 $0x0  }
0xa4: {  	s26 =	simm.s32 @!p1 $0x80;
	s29 =	simm.s32 @!p1 $0xA000;
	[sflag:s6] =	ssyncadd.s32 @!p1 $0xFFFFF800  }
0xa5: {  	[tilespmem:s29], [sflag:$0x1] =	stream.indirect.gather @!p1 [spmem:s3], $0x10, s7, s26, $0xb8;
	[tilespmem:$0x13000] =	vst v63  }
0xa6: {  	_ =	swait.ge @!p1 [sflag:s11], $0x800  }
0xa7: {  	s9 =	sadd.s32 @!p1 $0x5180, s15;
	[sflag:s11] =	ssyncset.done @!p1 $0x0  }
0xa8: {  	s29 =	simm.s32 @!p1 $0xB800;
	[sflag:s11] =	ssyncadd.s32 @!p1 $0xFFFFF800;
	s11 =	simm.s32 @!p1 $0xA  }
0xa9: {  	[spmem:s2] =	stream.indirect.scatter.add.bf16 @!p1 [tilespmem:s29], [sflag:$0xC], $0x10, s9, s26, $0xb8;
	[tilespmem:$0x13000] =	vst v63  }
0xaa: {  	s20 =	smov.u32 s16;
	_ =	swait.ge @!p1 [sflag:s11], $0x800  }
0xab: {  	s10 =	sadd.s32 @!p1 $0x480, s15;
	s12 =	sadd.s32 @!p1 $0x5280, s15;
	[sflag:s11] =	ssyncset.done @!p1 $0x0  }
0xac: {  	s14 =	sadd.s32 @p1 $0x5280, s28;
	s9 =	simm.s32 @!p1 $0xA800;
	[sflag:s11] =	ssyncadd.s32 @!p1 $0xFFFFF800  }
0xad: {  	[tilespmem:s9], [sflag:$0x2] =	stream.indirect.gather @!p1 [spmem:s3], $0x10, s10, s26, $0xb8;
	[tilespmem:$0x13000] =	vst v63  }
0xae: {  	s28 =	sadd.s32 @!p1 $0x600, s15;
	s6 =	sadd.s32 @!p1 $0x580, s15;
	_ =	swait.ge [sflag:s1], $0x800  }
0xaf: {  	s7 =	sadd.s32 @!p1 $0x500, s15;
	s15 =	smov.u32 s20;
	[sflag:s1] =	ssyncset.done $0x0  }
0xb0: {  	s20 =	sadd.s32 $0x5200, s4;
	s10 =	simm.s32 @p1 $0x6;
	[sflag:s1] =	ssyncadd.s32 $0xFFFFF800  }
0xb1: {  	[spmem:s2] =	stream.indirect.scatter.add.bf16 [tilespmem:s30], [sflag:$0xD], $0x10, s20, s21, $0xb8;
	[tilespmem:$0x13000] =	vst v63  }
0xb2: {  	_ =	swait.ge @p1 [sflag:s10], $0x800  }
0xb3: {  	[sflag:s10] =	ssyncset.done @p1 $0x0  }
0xb4: {  	s9 =	simm.s32 @p1 $0xC800;
	[sflag:s10] =	ssyncadd.s32 @p1 $0xFFFFF800;
	s10 =	simm.s32 @!p1 $0xB  }
0xb5: {  	[spmem:s2] =	stream.indirect.scatter.add.bf16 @p1 [tilespmem:s9], [sflag:$0xE], $0x10, s14, s5, $0xb8;
	[tilespmem:$0x13000] =	vst v63  }
0xb6: {  	_ =	swait.ge @!p1 [sflag:s10], $0x800  }
0xb7: {  	[sflag:s10] =	ssyncset.done @!p1 $0x0  }
0xb8: {  	s5 =	simm.s32 @!p1 $0xB000;
	s9 =	simm.s32 @!p1 $0x6;
	[sflag:s10] =	ssyncadd.s32 @!p1 $0xFFFFF800  }
0xb9: {  	[tilespmem:s5], [sflag:$0x3] =	stream.indirect.gather @!p1 [spmem:s3], $0x10, s7, s26, $0xb8;
	[tilespmem:$0x13000] =	vst v63  }
0xba: {  	_ =	swait.ge @!p1 [sflag:s9], $0x800  }
0xbb: {  	[sflag:s9] =	ssyncset.done @!p1 $0x0  }
0xbc: {  	s5 =	simm.s32 @!p1 $0xC800;
	s7 =	simm.s32 @!p1 $0xC;
	[sflag:s9] =	ssyncadd.s32 @!p1 $0xFFFFF800  }
0xbd: {  	[spmem:s2] =	stream.indirect.scatter.add.bf16 @!p1 [tilespmem:s5], [sflag:$0xE], $0x10, s12, s26, $0xb8;
	[tilespmem:$0x13000] =	vst v63  }
0xbe: {  	_ =	swait.ge @!p1 [sflag:s7], $0x800  }
0xbf: {  	[sflag:s7] =	ssyncset.done @!p1 $0x0  }
0xc0: {  	[sflag:s7] =	ssyncadd.s32 @!p1 $0xFFFFF800  }
0xc1: {  	[tilespmem:s29], [sflag:$0x4] =	stream.indirect.gather @!p1 [spmem:s3], $0x10, s6, s26, $0xb8;
	[tilespmem:$0x13000] =	vst v63  }
0xc2: {  	s16 =	sadd.s32 $0x1000, s16;
	_ =	swait.ge [sflag:s13], $0x800  }
0xc3: {  	p0 =	sne.s32 s16, $0x14000;
	s8 =	sadd.s32 $0x5380, s4;
	[sflag:s13] =	ssyncset.done $0x0  }
0xc4: {  	s4 =	sadd.s32 $0x5300, s4;
	s5 =	simm.s32 @!p1 $0xD;
	[sflag:s13] =	ssyncadd.s32 $0xFFFFF800  }
0xc5: {  	[spmem:s2] =	stream.indirect.scatter.add.bf16 [tilespmem:s31], [sflag:$0xF], $0x10, s4, s21, $0xb8;
	[tilespmem:$0x13000] =	vst v63  }
.Ltmp0:
0xc6: {  	_ =	swait.ge @!p1 [sflag:s5], $0x800;
	(pc) =	sbr.rel @p0 .LBB2_2-.Ltmp0, $4  }
0xc7: {  	[sflag:s5] =	ssyncset.done @!p1 $0x0  }
0xc8: {  	s4 =	simm.s32 @!p1 $0xC000;
	[sflag:s5] =	ssyncadd.s32 @!p1 $0xFFFFF800  }
0xc9: {  	[tilespmem:s4], [sflag:$0x5] =	stream.indirect.gather @!p1 [spmem:s3], $0x10, s28, s26, $0xb8;
	[tilespmem:$0x13000] =	vst v63  }
0xca: {  	p1 =	seq.s32 s15, $0x0;
	_ =	swait.ge [sflag:s24], $0x800  }
0xcb: {  	[sflag:s24] =	ssyncset.done $0x0  }
0xcc: {  	s5 =	simm.s32 @!p1 $0xE;
	[sflag:s24] =	ssyncadd.s32 $0xFFFFF800  }
0xcd: {  	[spmem:s2] =	stream.indirect.scatter.add.bf16 [tilespmem:s0], [sflag:$0x10], $0x10, s8, s21, $0xb8;
	[tilespmem:$0x13000] =	vst v63  }
0xce: {  	_ =	swait.ge @!p1 [sflag:s5], $0x800  }
0xcf: {  	s4 =	sshra.s32 s15, $0x2;
	[sflag:s5] =	ssyncset.done @!p1 $0x0  }
0xd0: {  	s12 =	sadd.s32 $0x280, s4;
	s6 =	rddreg [dreg:$0x5];
	[sflag:s5] =	ssyncadd.s32 @!p1 $0xFFFFF800  }
0xd1: {  	[tilespmem:s6], [sflag:$0x6] =	stream.indirect.gather [spmem:s3], $0x10, s12, s21, $0xb8;
	[tilespmem:$0x13000] =	vst v63  }
0xd2: {  	_ =	swait.ge [sflag:s17], $0x800  }
0xd3: {  	[sflag:s17] =	ssyncset.done $0x0  }
0xd4: {  	s14 =	sadd.s32 $0x5000, s4;
	s6 =	simm.s32 @!p1 $0xF;
	[sflag:s17] =	ssyncadd.s32 $0xFFFFF800  }
0xd5: {  	[spmem:s2] =	stream.indirect.scatter.add.bf16 [tilespmem:s22], [sflag:$0x9], $0x10, s14, s21, $0xb8;
	[tilespmem:$0x13000] =	vst v63  }
0xd6: {  	_ =	swait.ge @!p1 [sflag:s6], $0x800  }
0xd7: {  	[sflag:s6] =	ssyncset.done @!p1 $0x0  }
0xd8: {  	s16 =	sadd.s32 $0x300, s4;
	[sflag:s6] =	ssyncadd.s32 @!p1 $0xFFFFF800  }
0xd9: {  	[tilespmem:s31], [sflag:$0x7] =	stream.indirect.gather [spmem:s3], $0x10, s16, s21, $0xb8;
	[tilespmem:$0x13000] =	vst v63  }
0xda: {  	_ =	swait.ge [sflag:s18], $0x800  }
0xdb: {  	[sflag:s18] =	ssyncset.done $0x0  }
0xdc: {  	s20 =	sadd.s32 $0x5080, s4;
	s6 =	simm.s32 @!p1 $0x10;
	[sflag:s18] =	ssyncadd.s32 $0xFFFFF800  }
0xdd: {  	[spmem:s2] =	stream.indirect.scatter.add.bf16 [tilespmem:s23], [sflag:$0xA], $0x10, s20, s21, $0xb8;
	[tilespmem:$0x13000] =	vst v63  }
0xde: {  	_ =	swait.ge @!p1 [sflag:s6], $0x800  }
0xdf: {  	[sflag:s6] =	ssyncset.done @!p1 $0x0  }
0xe0: {  	s26 =	sadd.s32 $0x380, s4;
	[sflag:s6] =	ssyncadd.s32 @!p1 $0xFFFFF800  }
0xe1: {  	[tilespmem:s0], [sflag:$0x8] =	stream.indirect.gather [spmem:s3], $0x10, s26, s21, $0xb8;
	[tilespmem:$0x13000] =	vst v63  }
0xe2: {  	_ =	swait.ge [sflag:s19], $0x800  }
0xe3: {  	p0 =	seq.s32 s15, $0x13000;
	[sflag:s19] =	ssyncset.done $0x0  }
0xe4: {  	s28 =	sadd.s32 $0x5100, s4;
	s6 =	simm.s32 @p0 $0x4;
	[sflag:s19] =	ssyncadd.s32 $0xFFFFF800  }
0xe5: {  	[spmem:s2] =	stream.indirect.scatter.add.bf16 [tilespmem:s25], [sflag:$0xB], $0x10, s28, s21, $0xb8;
	[tilespmem:$0x13000] =	vst v63  }
0xe6: {  	s9 =	simm.s32 @p0 $0xB800;
	_ =	swait.ge @p0 [sflag:s6], $0x800  }
0xe7: {  	s8 =	simm.s32 @p0 $0x80;
	s5 =	sshra.s32 @p0 s15, $0x2;
	[sflag:s6] =	ssyncset.done @p0 $0x0  }
0xe8: {  	s7 =	sadd.s32 @p0 $0x5180, s5;
	[sflag:s6] =	ssyncadd.s32 @p0 $0xFFFFF800;
	s6 =	simm.s32 @!p0 $0x9  }
0xe9: {  	[spmem:s2] =	stream.indirect.scatter.add.bf16 @p0 [tilespmem:s9], [sflag:$0xC], $0x10, s7, s8, $0xb8;
	[tilespmem:$0x13000] =	vst v63  }
0xea: {  	s10 =	simm.s32 @!p0 $0x80;
	_ =	swait.ge @!p0 [sflag:s6], $0x800  }
0xeb: {  	s11 =	simm.s32 @!p0 $0xA000;
	s7 =	sshra.s32 @!p0 s15, $0x2;
	[sflag:s6] =	ssyncset.done @!p0 $0x0  }
0xec: {  	s9 =	sadd.s32 @!p0 $0x400, s7;
	[sflag:s6] =	ssyncadd.s32 @!p0 $0xFFFFF800;
	s6 =	simm.s32 @!p0 $0x4  }
0xed: {  	[tilespmem:s11], [sflag:$0x1] =	stream.indirect.gather @!p0 [spmem:s3], $0x10, s9, s10, $0xb8;
	[tilespmem:$0x13000] =	vst v63  }
0xee: {  	_ =	swait.ge @!p0 [sflag:s6], $0x800  }
0xef: {  	s9 =	sadd.s32 @!p0 $0x5180, s7;
	[sflag:s6] =	ssyncset.done @!p0 $0x0  }
0xf0: {  	s11 =	simm.s32 @!p0 $0xB800;
	[sflag:s6] =	ssyncadd.s32 @!p0 $0xFFFFF800;
	s6 =	simm.s32 @!p0 $0xA  }
0xf1: {  	[spmem:s2] =	stream.indirect.scatter.add.bf16 @!p0 [tilespmem:s11], [sflag:$0xC], $0x10, s9, s10, $0xb8;
	[tilespmem:$0x13000] =	vst v63  }
0xf2: {  	_ =	swait.ge @!p0 [sflag:s6], $0x800  }
0xf3: {  	[sflag:s6] =	ssyncset.done @!p0 $0x0  }
0xf4: {  	s9 =	sadd.s32 @!p0 $0x480, s7;
	[sflag:s6] =	ssyncadd.s32 @!p0 $0xFFFFF800;
	s6 =	simm.s32 @!p0 $0xA800  }
0xf5: {  	[tilespmem:s6], [sflag:$0x2] =	stream.indirect.gather @!p0 [spmem:s3], $0x10, s9, s10, $0xb8;
	[tilespmem:$0x13000] =	vst v63  }
0xf6: {  	_ =	swait.ge [sflag:s1], $0x800  }
0xf7: {  	[sflag:s1] =	ssyncset.done $0x0  }
0xf8: {  	s29 =	sadd.s32 $0x5200, s4;
	s6 =	simm.s32 @p0 $0x6;
	[sflag:s1] =	ssyncadd.s32 $0xFFFFF800  }
0xf9: {  	[spmem:s2] =	stream.indirect.scatter.add.bf16 [tilespmem:s30], [sflag:$0xD], $0x10, s29, s21, $0xb8;
	[tilespmem:$0x13000] =	vst v63  }
0xfa: {  	_ =	swait.ge @p0 [sflag:s6], $0x800  }
0xfb: {  	[sflag:s6] =	ssyncset.done @p0 $0x0  }
0xfc: {  	s5 =	sadd.s32 @p0 $0x5280, s5;
	[sflag:s6] =	ssyncadd.s32 @p0 $0xFFFFF800;
	s6 =	simm.s32 @p0 $0xC800  }
0xfd: {  	[spmem:s2] =	stream.indirect.scatter.add.bf16 @p0 [tilespmem:s6], [sflag:$0xE], $0x10, s5, s8, $0xb8;
	[tilespmem:$0x13000] =	vst v63  }
0xfe: {  	s5 =	simm.s32 @!p0 $0xB  }
0xff: {  	_ =	swait.ge @!p0 [sflag:s5], $0x800  }
0x100: {  	[sflag:s5] =	ssyncset.done @!p0 $0x0  }
0x101: {  	s6 =	sadd.s32 @!p0 $0x500, s7;
	[sflag:s5] =	ssyncadd.s32 @!p0 $0xFFFFF800;
	s5 =	simm.s32 @!p0 $0xB000  }
0x102: {  	[tilespmem:s5], [sflag:$0x3] =	stream.indirect.gather @!p0 [spmem:s3], $0x10, s6, s10, $0xb8;
	[tilespmem:$0x13000] =	vst v63  }
0x103: {  	s5 =	simm.s32 @!p0 $0x6  }
0x104: {  	_ =	swait.ge @!p0 [sflag:s5], $0x800  }
0x105: {  	[sflag:s5] =	ssyncset.done @!p0 $0x0  }
0x106: {  	s6 =	sadd.s32 @!p0 $0x5280, s7;
	[sflag:s5] =	ssyncadd.s32 @!p0 $0xFFFFF800;
	s5 =	simm.s32 @!p0 $0xC800  }
0x107: {  	[spmem:s2] =	stream.indirect.scatter.add.bf16 @!p0 [tilespmem:s5], [sflag:$0xE], $0x10, s6, s10, $0xb8;
	[tilespmem:$0x13000] =	vst v63  }
0x108: {  	s5 =	simm.s32 @!p0 $0xC  }
0x109: {  	_ =	swait.ge @!p0 [sflag:s5], $0x800  }
0x10a: {  	[sflag:s5] =	ssyncset.done @!p0 $0x0  }
0x10b: {  	[sflag:s5] =	ssyncadd.s32 @!p0 $0xFFFFF800;
	s5 =	sadd.s32 @!p0 $0x580, s7  }
0x10c: {  	[tilespmem:s11], [sflag:$0x4] =	stream.indirect.gather @!p0 [spmem:s3], $0x10, s5, s10, $0xb8;
	[tilespmem:$0x13000] =	vst v63  }
0x10d: {  	_ =	swait.ge [sflag:s13], $0x800  }
0x10e: {  	[sflag:s13] =	ssyncset.done $0x0  }
0x10f: {  	s6 =	sadd.s32 $0x5300, s4;
	s5 =	simm.s32 @!p0 $0xD;
	[sflag:s13] =	ssyncadd.s32 $0xFFFFF800  }
0x110: {  	[spmem:s2] =	stream.indirect.scatter.add.bf16 [tilespmem:s31], [sflag:$0xF], $0x10, s6, s21, $0xb8;
	[tilespmem:$0x13000] =	vst v63  }
0x111: {  	_ =	swait.ge @!p0 [sflag:s5], $0x800  }
0x112: {  	[sflag:s5] =	ssyncset.done @!p0 $0x0  }
0x113: {  	s6 =	sadd.s32 @!p0 $0x600, s7;
	[sflag:s5] =	ssyncadd.s32 @!p0 $0xFFFFF800;
	s5 =	simm.s32 @!p0 $0xC000  }
0x114: {  	[tilespmem:s5], [sflag:$0x5] =	stream.indirect.gather @!p0 [spmem:s3], $0x10, s6, s10, $0xb8;
	[tilespmem:$0x13000] =	vst v63  }
0x115: {  	_ =	swait.ge [sflag:s24], $0x800  }
0x116: {  	[sflag:s24] =	ssyncset.done $0x0  }
0x117: {  	s4 =	sadd.s32 $0x5380, s4;
	s7 =	simm.s32 $0x9;
	[sflag:s24] =	ssyncadd.s32 $0xFFFFF800  }
0x118: {  	[spmem:s2] =	stream.indirect.scatter.add.bf16 [tilespmem:s0], [sflag:$0x10], $0x10, s4, s21, $0xb8;
	[tilespmem:$0x13000] =	vst v63  }
0x119: {  	_ =	swait.ge [sflag:s7], $0x800  }
0x11a: {  	[sflag:s7] =	ssyncset.done $0x0  }
0x11b: {  	s8 =	simm.s32 $0xA;
	[sflag:s7] =	ssyncadd.s32 $0xFFFFF800  }
0x11c: {  	_ =	swait.ge [sflag:s8], $0x800  }
0x11d: {  	[sflag:s8] =	ssyncset.done $0x0  }
0x11e: {  	s9 =	simm.s32 $0xB;
	[sflag:s8] =	ssyncadd.s32 $0xFFFFF800  }
0x11f: {  	_ =	swait.ge [sflag:s9], $0x800  }
0x120: {  	[sflag:s9] =	ssyncset.done $0x0  }
0x121: {  	s10 =	simm.s32 $0xC;
	[sflag:s9] =	ssyncadd.s32 $0xFFFFF800  }
0x122: {  	_ =	swait.ge [sflag:s10], $0x800  }
0x123: {  	[sflag:s10] =	ssyncset.done $0x0  }
0x124: {  	s11 =	simm.s32 $0xD;
	[sflag:s10] =	ssyncadd.s32 $0xFFFFF800  }
0x125: {  	_ =	swait.ge [sflag:s11], $0x800  }
0x126: {  	[sflag:s11] =	ssyncset.done $0x0  }
0x127: {  	s12 =	simm.s32 $0xE;
	[sflag:s11] =	ssyncadd.s32 $0xFFFFF800  }
0x128: {  	_ =	swait.ge [sflag:s12], $0x800  }
0x129: {  	[sflag:s12] =	ssyncset.done $0x0  }
0x12a: {  	s14 =	simm.s32 $0xF;
	[sflag:s12] =	ssyncadd.s32 $0xFFFFF800  }
0x12b: {  	_ =	swait.ge [sflag:s14], $0x800  }
0x12c: {  	[sflag:s14] =	ssyncset.done $0x0  }
0x12d: {  	s15 =	simm.s32 $0x10;
	[sflag:s14] =	ssyncadd.s32 $0xFFFFF800  }
0x12e: {  	_ =	swait.ge [sflag:s15], $0x800  }
0x12f: {  	[sflag:s15] =	ssyncset.done $0x0  }
0x130: {  	[sflag:s15] =	ssyncadd.s32 $0xFFFFF800  }
0x131: {  	[bflag:$0x0] =	sbarrier.arrive $0xFFFF  }
0x132: {  	s16 =	rddreg [dreg:$0x9]  }
0x133: {  	s20 =	rddreg [dreg:$0xb]  }
0x134: {  	s26 =	simm.s32 $0x11;
	s7 =	rddreg [dreg:$0xe];
	s4 =	sor.u32 $0x1C11, s16  }
0x135: {  	[hbm:s20], [sflag:s4] =	dma.local [spmem:s7], $0x500  }
0x136: {  	_ =	swait.ge [sflag:s26], $0x500  }
0x137: {  	s28 =	rddreg [dreg:$0x11]  }
0x138: {  	s29 =	rddreg [dreg:$0xc];
	s6 =	sadd.s32 $0x1, s28  }
0x139: {  	p0 =	sne.s32 s6, s29  }
.Ltmp1:
0x13a: {  	_ = 	snop;
	(pc) =	sbr.rel @p0 .LBB2_1-.Ltmp1, $3  }
0x13b: {  	_ =	sdelay $0x1  }
0x13c: {  	[sflag:s26] =	ssyncset.done $0x0  }
0x13d: {  	[sflag:s26] =	ssyncadd.s32 $0xFFFFFB00  }
0x13e: {  	_ =	sfence.sel $0x180000  }
0x13f: {  	[bflag:$0x0] =	sbarrier.arrive $0xFFFF  }
0x140: {  	_ =	strace $0x9000004A  }
0x141: {  	s0 =	stileid.u32;
	[bflag:$0x2] =	sbarrier.arrive $0xFFFF  }
0x142: {  	p0 =	sne.s32 s0, $0x0;
	s0 =	rddreg [dreg:$0x4]  }
0x143: {  	s0 =	sadd.s32 @!p0 $0x100000, s0  }
0x144: {  	[sflag:s0] =	ssyncadd.tile.s32 @!p0 $0x1;
	_ =	shalt  }
.Lfunc_end2:
_tile_overlayer_lowered:
.L_overlay_start_2:
0x145: {  	(tag) =	ssettag $0x2  }
0x146: {  	s0 =	rddreg [dreg:$0x0];
	s2 =	stileid.u32  }
0x147: {  	s1 =	rddreg [dreg:$0x1];
	p0 =	sne.s32 s2, $0x0  }
0x148: {  	s3 =	rddreg [dreg:$0x2];
	[bflag:$0x3] =	sbarrier.arrive $0xFFFF;
	s2 =	simm.s32 @!p0 $0x1C11  }
0x149: {  	[timem:s3], [sflag:s2] =	dma.local @!p0 [hbm:s0], s1  }
0x14a: {  	s0 =	simm.s32 @!p0 $0x11  }
0x14b: {  	_ =	swait.ge @!p0 [sflag:s0], s1  }
0x14c: {  	s1 =	ssub.s32 @!p0 $0x0, s1;
	[sflag:s0] =	ssyncset.done @!p0 $0x0  }
0x14d: {  	[sflag:s0] =	ssyncadd.s32 @!p0 s1  }
0x14e: {  	[bflag:$0x3] =	sbarrier.arrive $0xFFFF  }
0x14f: {  	_ =	shalt  }

// kernel: kernel.9.cloned.1.call-start
scs
__scs_entry_jumppad:
0x0: {  	(pc) =	sbr.rel $0x88, $3  }
0x1: {  	(tag) =	ssettag $0x0;
	lr =	simm.s32 $0x1  }
0x2: {  	[smem:$0x3F99] =	sst lr;
	_ =	strace $0xD0000000  }
0x3: {  	_ = 	snop  }
0x4: {  	_ = 	snop  }
0x5: {  	_ = 	snop  }
0x6: {  	_ = 	snop  }
0x7: {  	_ = 	snop  }
__scs_overlays_trampoline_lowered:
0x8: {  	[smem:$0x3FA8] =	sst s0  }
0x9: {  	[smem:$0x3FA9] =	sst s1  }
0xa: {  	[smem:$0x3FAA] =	sst s2  }
0xb: {  	[smem:$0x3FAB] =	sst s3  }
0xc: {  	[smem:$0x3FAC] =	sst s4  }
0xd: {  	[smem:$0x3FAD] =	sst s5  }
0xe: {  	[smem:$0x3FAE] =	sst s6  }
0xf: {  	[smem:$0x3FAF] =	sst s7  }
0x10: {  	[smem:$0x3FB0] =	sst s8  }
0x11: {  	[smem:$0x3FB1] =	sst s9;
	s0 =	simm.s32 @!p0 $0x0  }
0x12: {  	s1 =	sld [smem:$0x3F97];
	s0 =	simm.s32 @p0 $0x1  }
0x13: {  	[smem:$0x3FB2] =	sst s0;
	s0 =	simm.s32 @!p1 $0x0  }
0x14: {  	s2 =	sld [smem:$0x3F96];
	s0 =	simm.s32 @p1 $0x1  }
0x15: {  	[smem:$0x3FB3] =	sst s0;
	s0 =	simm.s32 @!p2 $0x0  }
0x16: {  	s3 =	sld [smem:$0x3FDB];
	s0 =	simm.s32 @p2 $0x1  }
0x17: {  	s4 =	simm.s32 $0x1BF5;
	[smem:$0x3FB5] =	sst s0  }
0x18: {  	s0 =	sld [smem:$0x3F98];
	_ =	swait.ge [sflag:s4], $0x0  }
0x19: {  	s7 =	sld [smem:$0x3F99]  }
0x1a: {  	s8 =	sadd.s32 $0xFFFFE003, lr  }
0x1b: {  	s9 =	sadd.s32 $0xFFFFFEF7, lr;
	s5 =	simm.s32 $0xFFFFFFFF;
	p2 =	slt.u32 s8, $0xFFFFF086  }
0x1c: {  	p1 =	slt.u32 s9, $0xF7A;
	s5 =	simm.s32 @!p2 $0x0  }
0x1d: {  	s5 =	simm.s32 @p1 $0x1;
	p0 =	seq.s32 s7, s2  }
0x1e: {  	s7 =	smul.u32 @!p0 $0xF7A, s2;
	p2 =	seq.s32 @!p0 s5, $0x0  }
0x1f: {  	s9 =	smul.u32 $0xF7A, s1;
	s8 =	simm.s32 @!p0 $0x1BF5;
	p2 =	por !p2, p0  }
0x20: {  	[sflag:s8] =	ssyncset.s32 @!p0 $0xFFFFF086;
	s6 =	sadd.s32 @!p0 s3, s7;
	s7 =	simm.s32 @!p0 $0x108  }
0x21: {  	s3 =	sadd.s32 s3, s9;
	s6 =	sadd.s32 @!p0 $0x88, s6;
	s7 =	simm.s32 @p2 $0x1082  }
0x22: {  	[simem:s7], [sflag:s8] =	dma.local @!p0 [hbm:s6], $0xF7A  }
0x23: {  	s9 =	sor.u32 $0xD0000000, s2;
	s6 =	simm.s32 $0x108;
	_ =	swait.ge @!p0 [sflag:s8], $0x0  }
0x24: {  	s3 =	sadd.s32 $0x88, s3;
	s6 =	simm.s32 @!p1 $0x1082;
	[sflag:s4] =	ssyncset.s32 $0xFFFFF086  }
0x25: {  	[simem:s6], [sflag:s4] =	dma.local [hbm:s3], $0xF7A  }
0x26: {  	[smem:$0x3F99] =	sst s1;
	(tag) =	ssettag s2;
	_ =	strace s9  }
0x27: {  	s1 =	sld [smem:$0x3FA9]  }
0x28: {  	s2 =	sld [smem:$0x3FAA]  }
0x29: {  	s4 =	sld [smem:$0x3FAC]  }
0x2a: {  	p0 =	seq.s32 s5, $0x0;
	s5 =	sld [smem:$0x3FAD]  }
0x2b: {  	s6 =	sld [smem:$0x3FAE]  }
0x2c: {  	s7 =	sld [smem:$0x3FAF]  }
0x2d: {  	s3 =	simm.s32 $0x108;
	s8 =	sld [smem:$0x3FB0]  }
0x2e: {  	s3 =	simm.s32 @!p0 $0x1082;
	s9 =	sld [smem:$0x3FB1]  }
0x2f: {  	lr =	sadd.s32 s0, s3;
	s0 =	sld [smem:$0x3FA8]  }
0x30: {  	s3 =	sld [smem:$0x3FAB]  }
0x31: {  	[smem:$0x3FB4] =	sst s10  }
0x32: {  	s10 =	sld [smem:$0x3FB2];
	_ =	sdelay $0x3  }
0x33: {  	p0 =	seq.s32 s10, $0x1;
	s10 =	sld [smem:$0x3FB4];
	_ =	sdelay $0x3  }
0x34: {  	[smem:$0x3FB4] =	sst s10  }
0x35: {  	s10 =	sld [smem:$0x3FB3];
	_ =	sdelay $0x3  }
0x36: {  	p1 =	seq.s32 s10, $0x1;
	s10 =	sld [smem:$0x3FB4];
	_ =	sdelay $0x3  }
0x37: {  	[smem:$0x3FB4] =	sst s10  }
0x38: {  	s10 =	sld [smem:$0x3FB5]  }
0x39: {  	_ = 	snop;
	(pc) =	sbr.ind lr, $3  }
0x3a: {  	_ = 	snop  }
0x3b: {  	_ = 	snop  }
0x3c: {  	p2 =	seq.s32 s10, $0x1;
	s10 =	sld [smem:$0x3FB4]  }
0x3d: {  	_ =	shalt  }
0x3e: {  	_ =	shalt  }
0x3f: {  	_ =	shalt  }
0x40: {  	_ =	shalt  }
0x41: {  	_ =	shalt  }
0x42: {  	_ =	shalt  }
0x43: {  	_ =	shalt  }
0x44: {  	_ =	shalt  }
0x45: {  	_ =	shalt  }
0x46: {  	_ =	shalt  }
0x47: {  	_ =	shalt  }
0x48: {  	_ =	shalt  }
0x49: {  	_ =	shalt  }
0x4a: {  	_ =	shalt  }
0x4b: {  	_ =	shalt  }
0x4c: {  	_ =	shalt  }
0x4d: {  	_ =	shalt  }
0x4e: {  	_ =	shalt  }
0x4f: {  	_ =	shalt  }
0x50: {  	_ =	shalt  }
0x51: {  	_ =	shalt  }
0x52: {  	_ =	shalt  }
0x53: {  	_ =	shalt  }
0x54: {  	_ =	shalt  }
0x55: {  	_ =	shalt  }
0x56: {  	_ =	shalt  }
0x57: {  	_ =	shalt  }
0x58: {  	_ =	shalt  }
0x59: {  	_ =	shalt  }
0x5a: {  	_ =	shalt  }
0x5b: {  	_ =	shalt  }
0x5c: {  	_ =	shalt  }
0x5d: {  	_ =	shalt  }
0x5e: {  	_ =	shalt  }
0x5f: {  	_ =	shalt  }
0x60: {  	_ =	shalt  }
0x61: {  	_ =	shalt  }
0x62: {  	_ =	shalt  }
0x63: {  	_ =	shalt  }
0x64: {  	_ =	shalt  }
0x65: {  	_ =	shalt  }
0x66: {  	_ =	shalt  }
0x67: {  	_ =	shalt  }
0x68: {  	_ =	shalt  }
0x69: {  	_ =	shalt  }
0x6a: {  	_ =	shalt  }
0x6b: {  	_ =	shalt  }
0x6c: {  	_ =	shalt  }
0x6d: {  	_ =	shalt  }
0x6e: {  	_ =	shalt  }
0x6f: {  	_ =	shalt  }
0x70: {  	_ =	shalt  }
0x71: {  	_ =	shalt  }
0x72: {  	_ =	shalt  }
0x73: {  	_ =	shalt  }
0x74: {  	_ =	shalt  }
0x75: {  	_ =	shalt  }
0x76: {  	_ =	shalt  }
0x77: {  	_ =	shalt  }
0x78: {  	_ =	shalt  }
0x79: {  	_ =	shalt  }
0x7a: {  	_ =	shalt  }
0x7b: {  	_ =	shalt  }
0x7c: {  	_ =	shalt  }
0x7d: {  	_ =	shalt  }
0x7e: {  	_ =	shalt  }
0x7f: {  	_ =	shalt  }
0x80: {  	_ =	shalt  }
0x81: {  	_ =	shalt  }
0x82: {  	_ =	shalt  }
0x83: {  	_ =	shalt  }
0x84: {  	_ =	shalt  }
0x85: {  	_ =	shalt  }
0x86: {  	_ =	shalt  }
0x87: {  	_ =	shalt  }
.Lfunc_end0:
.L_simem_size_0:
called_computation_lowered:
.L_overlay_start_0:
0x88: {  	s2 =	sld [smem:$0x3FD9]  }
0x89: {  	s3 =	sld [smem:$0x3FFE];
	_ =	sdelay $0x1  }
0x8a: {  	s1 =	srdreg.scid  }
0x8b: {  	s0 =	sand.u32 $0x1, s1  }
0x8c: {  	s17 =	sshll.u32 s0, $0xA;
	s2 =	sadd.s32 s3, s2  }
0x8d: {  	s2 =	sadd.s32 s2, s17  }
0x8e: {  	[smem:$0x3FC0] =	sst s2  }
0x8f: {  	_ = 	snop  }
0x90: {  	s2 =	sld [smem:$0x3FD0];
	(tm) =	ssettm $0x1  }
0x91: {  	s18 =	sld [smem:$0x3FFB];
	_ =	sdelay $0x3  }
0x92: {  	_ =	strace s18  }
0x93: {  	s3 =	sld [smem:$0x3FFC];
	_ =	sdelay $0x3  }
0x94: {  	_ =	strace s3  }
0x95: {  	s3 =	sld [smem:$0x3FFD];
	_ =	sdelay $0x3  }
0x96: {  	_ =	strace s3  }
0x97: {  	_ =	strace $0x8FFFFFFF  }
0x98: {  	s19 =	sld [smem:$0x3FDB];
	_ =	sdelay $0x1  }
0x99: {  	s4 =	simm.s32 $_scs_section_size  }
0x9a: {  	s5 =	simm.s32 $_size__tile_overlayer_lowered;
	s6 =	simm.s32 $_tile_overlayer_lowered  }
0x9b: {  	s22 =	simm.s32 $0x1BFF;
	s21 =	sshll.u32 s6, $0x1;
	s3 =	sadd.s32 s4, s19  }
0x9c: {  	s7 =	simm.s32 $0x0;
	s20 =	sshll.u32 s5, $0x1;
	s5 =	sadd.s32 s21, s3  }
0x9d: {  	[timem:s7], [sflag:s22] =	dma.local [hbm:s5], s20  }
0x9e: {  	_ =	swait.ge [sflag:s22], s20  }
0x9f: {  	s4 =	ssub.s32 $0x0, s20;
	[sflag:s22] =	ssyncset.done $0x0  }
0xa0: {  	[sflag:s22] =	ssyncadd.s32 s4;
	_ =	sdelay $0x1  }
0xa1: {  	s23 =	simm.s32 $0x1B8B  }
0xa2: {  	_ =	swait.ge [sflag:s23], $0x1  }
0xa3: {  	[sflag:s23] =	ssyncset.done $0x0  }
0xa4: {  	s25 =	simm.s32 $0x1B8E;
	s24 =	sld [smem:$0x3FFE];
	[sflag:s23] =	ssyncadd.s32 $0xFFFFFFFF  }
0xa5: {  	s26 =	simm.s32 $execute0_lowered;
	[smem:$0x3FD2] =	sst s25  }
0xa6: {  	s5 =	sshll.u32 s26, $0x1;
	_ =	strace $0x80000046;
	[dreg:$0x1] =	wrdreg $0xFFFFFFFF  }
0xa7: {  	s28 =	simm.s32 $_size_execute0_lowered;
	s3 =	sadd.s32 s3, s5;
	[dreg:$0x0] =	wrdreg $0x0  }
0xa8: {  	s5 =	sshll.u32 s28, $0x1;
	[dreg:$0x2] =	wrdreg s3  }
0xa9: {  	[dreg:$0x3] =	wrdreg s5  }
0xaa: {  	[dreg:$0x4] =	wrdreg $0xC0  }
0xab: {  	_ =	task [dreg:s7], $0x5FFFF  }
0xac: {  	[dreg:$0x1] =	wrdreg $0xFFFFFFFF  }
0xad: {  	[dreg:$0x0] =	wrdreg $0x60  }
0xae: {  	[dreg:$0x2] =	wrdreg s2  }
0xaf: {  	[dreg:$0x3] =	wrdreg s24  }
0xb0: {  	[dreg:$0x4] =	wrdreg $0x120000  }
0xb1: {  	[dreg:$0x5] =	wrdreg $0x170000  }
0xb2: {  	[dreg:$0x6] =	wrdreg $0x1C0800  }
0xb3: {  	[dreg:$0x7] =	wrdreg $0x9  }
0xb4: {  	_ =	task.clear_ibuf [dreg:s7], $0x8FFFF;
	_ =	strace $0x90000046  }
0xb5: {  	s29 =	simm.s32 $0x9;
	_ =	strace $0x80000048  }
0xb6: {  	_ =	swait.ge [sflag:s29], $0x1  }
0xb7: {  	[sflag:s29] =	ssyncadd.s32 $0xFFFFFFFF  }
0xb8: {  	_ =	strace $0x90000048  }
0xb9: {  	_ =	sfence  }
0xba: {  	s30 =	sld [smem:$0x0];
	_ =	sdelay $0x2  }
0xbb: {  	s31 =	sshll.u32 s1, $0xD;
	s1 =	sshrl.u32 s1, $0x2  }
0xbc: {  	s3 =	sand.u32 $0x4000, s31;
	s1 =	sadd.s32 s1, s30  }
0xbd: {  	s0 =	sor.u32 s3, s0;
	s1 =	sshll.u32 s1, $0x11  }
0xbe: {  	s0 =	sor.u32 s1, s0  }
0xbf: {  	s0 =	sadd.s32 $0x8F2B, s0  }
0xc0: {  	[sflag:s0] =	ssyncadd.remote.s32 $0x1  }
0xc1: {  	_ =	sfence.sel $0xFFFF  }
0xc2: {  	[dreg:$0x0] =	wrdreg $0xFFFFFFFF;
	(pc) =	sbr.abs _section_cstart, $3  }
0xc3: {  	[dreg:$0x1] =	wrdreg $0xFFFFFFFF  }
0xc4: {  	_ =	task.clear_ibuf [dreg:s7], $0x2FFFF;
	_ =	strace $0x9FFFFFFF  }
0xc5: {  	(tm) =	ssettm $0x7FFFFFFF  }
tec
execute0_lowered:
.L_overlay_start_1:
0x0: {  	(tag) =	ssettag $0x1  }
0x1: {  	s0 =	rddreg [dreg:$0x0]  }
0x2: {  	s2 =	rddreg [dreg:$0x1]  }
0x3: {  	s1 =	rddreg [dreg:$0x2]  }
0x4: {  	s3 =	rddreg [dreg:$0x3];
	s14 =	stileid.u32  }
0x5: {  	s5 =	srdreg.scid;
	s4 =	rddreg [dreg:$0x4]  }
0x6: {  	s8 =	simm.s32 $0x0;
	s28 =	simm.s32 $0xB000;
	s29 =	simm.s32 $0xC000  }
0x7: {  	s30 =	simm.s32 $0xD000;
	s5 =	sand.u32 $0x1, s5;
	s6 =	smul.u32 $0x280, s14  }
0x8: {  	[smem:$0x7FF] =	sst s8;
	s13 =	smul.u32 $0xA00, s14;
	s9 =	sadd.s32 $0x2600, s2  }
0x9: {  	s10 =	sadd.s32 $0xC600, s2;
	s11 =	sadd.s32 $0x21000, s2;
	s20 =	sshll.u32 s14, $0x6  }
0xa: {  	s7 =	smul.u32 $0x2800, s5;
	_ =	strace $0x80000047;
	[dreg:$0x6] =	wrdreg s10  }
0xb: {  	[dreg:$0x7] =	wrdreg s11;
	s16 =	ssub.s32 $0x2, s5;
	p0 =	seq.s32 s5, $0x0  }
0xc: {  	s26 =	sor.u32 $0x1C04, s20;
	s5 =	simm.s32 $0x0;
	s8 =	sadd.s32 s13, s2  }
0xd: {  	s12 =	sshrl.u32 s16, $0x1;
	s13 =	smul.u32 $0xA000, s14;
	s14 =	sor.u32 $0x1C03, s20  }
0xe: {  	s9 =	smov.u32 @p0 s0;
	[dreg:$0x10] =	wrdreg s26;
	s26 =	simm.s32 $0x80  }
0xf: {  	s7 =	sadd.s32 s6, s7;
	s17 =	ssub.s32 s16, s12;
	s18 =	sadd.s32 $0x17000, s8  }
0x10: {  	s8 =	sadd.s32 $0xD000, s8;
	[dreg:$0xa] =	wrdreg s14;
	s6 =	sadd.s32 s6, s4  }
0x11: {  	s14 =	sor.u32 $0x1C12, s20;
	s20 =	simm.s32 $0xE000;
	s12 =	simm.s32 $0x11  }
0x12: {  	s15 =	sshll.u32 s7, $0x2;
	s7 =	sshrl.u32 s7, $0x3;
	[dreg:$0x8] =	wrdreg s18  }
0x13: {  	[dreg:$0x9] =	wrdreg s8;
	s19 =	sshrl.u32 s13, $0x1;
	s23 =	sshrl.u32 s13, $0x4  }
0x14: {  	s24 =	smax.u32 s17, $0x1;
	s16 =	sshrl.u32 s6, $0x3;
	s17 =	simm.s32 $0x12  }
0x15: {  	s6 =	simm.s32 $0x11000;
	s8 =	simm.s32 $0x6;
	[dreg:$0x12] =	wrdreg s14  }
0x16: {  	s10 =	sadd.s32 s15, s2;
	s2 =	sadd.s32 s7, s2;
	s21 =	sadd.s32 s19, s1  }
0x17: {  	s22 =	sadd.s32 s19, s3;
	[dreg:$0xd] =	wrdreg s24;
	s25 =	sadd.s32 s9, s23  }
0x18: {  	s23 =	simm.s32 $0x2;
	s24 =	simm.s32 $0x3;
	s19 =	simm.s32 $0xD000  }
0x19: {  	s15 =	simm.s32 $0x10000;
	s7 =	simm.s32 $0x5;
	[dreg:$0x13] =	wrdreg s16  }
0x1a: {  	s9 =	simm.s32 $0x7;
	s10 =	sadd.s32 $0x21C00, s10;
	[dreg:$0xe] =	wrdreg s25  }
0x1b: {  	s2 =	sadd.s32 $0x21200, s2;
	s13 =	sshrl.u32 s21, $0x3;
	[dreg:$0xb] =	wrdreg s10  }
0x1c: {  	s31 =	sshrl.u32 s22, $0x3;
	s22 =	simm.s32 $0x1;
	[dreg:$0xc] =	wrdreg s2  }
0x1d: {  	s25 =	simm.s32 $0x4;
	s21 =	simm.s32 $0xA000;
	[dreg:$0x11] =	wrdreg s31  }
0x1e: {  	v0 =	vimm.f32 $1.000000000e+00;
	s2 =	simm.s32 $0xF000;
	s10 =	simm.s32 $0x8;
	[dreg:$0xf] =	wrdreg s13  }
.LBB2_1:
0x1f: {  	[dreg:$0x14] =	wrdreg s5  }
0x20: {  	s18 =	rddreg [dreg:$0x8]  }
0x21: {  	s0 =	simm.s32 $0x0;
	s31 =	rddreg [dreg:$0x9]  }
0x22: {  	[tilespmem:s0], [sflag:$0x1] =	stream.linear.gather [hbm4b:s18+s0], $0x5000, $0x38;
	[tilespmem:$0x1C300] =	vst v63  }
0x23: {  	s11 =	simm.s32 $0x5000;
	s18 =	rddreg [dreg:$0x6]  }
0x24: {  	[tilespmem:s11], [sflag:$0x2] =	stream.linear.gather [hbm4b:s31+s0], $0x5000, $0x38;
	[tilespmem:$0x1C300] =	vst v63  }
0x25: {  	s31 =	rddreg [dreg:$0xa]  }
0x26: {  	[spmem:s13], [sflag:s31] =	dma.local [hbm:s18], $0xA00  }
0x27: {  	s5 =	rddreg [dreg:$0xe]  }
0x28: {  	s11 =	rddreg [dreg:$0x10]  }
0x29: {  	s13 =	rddreg [dreg:$0x11]  }
0x2a: {  	[spmem:s13], [sflag:s11] =	dma.local [hbm:s5], $0xA00;
	[tilespmem:$0x1C000] =	vst v0  }
0x2b: {  	[tilespmem:$0x1C010] =	vst v0  }
0x2c: {  	[tilespmem:$0x1C020] =	vst v0  }
0x2d: {  	[tilespmem:$0x1C030] =	vst v0  }
0x2e: {  	[tilespmem:$0x1C040] =	vst v0  }
0x2f: {  	[tilespmem:$0x1C050] =	vst v0  }
0x30: {  	[tilespmem:$0x1C060] =	vst v0  }
0x31: {  	[tilespmem:$0x1C070] =	vst v0;
	s5 =	rddreg [dreg:$0x7]  }
0x32: {  	[spmem:s16], [sflag:s14] =	dma.local [hbm:s5], $0x50  }
0x33: {  	_ =	swait.ge [sflag:s17], $0x50  }
0x34: {  	[sflag:s17] =	ssyncset.done $0x0  }
0x35: {  	[sflag:s17] =	ssyncadd.s32 $0xFFFFFFB0  }
0x36: {  	_ =	swait.ge [sflag:s22], $0x5000  }
0x37: {  	[sflag:s22] =	ssyncset.done $0x0  }
0x38: {  	[sflag:s22] =	ssyncadd.s32 $0xFFFFB000  }
0x39: {  	_ =	swait.ge [sflag:s23], $0x5000  }
0x3a: {  	[sflag:s23] =	ssyncset.done $0x0  }
0x3b: {  	[sflag:s23] =	ssyncadd.s32 $0xFFFFB000  }
0x3c: {  	_ =	swait.ge [sflag:s24], $0xA00  }
0x3d: {  	[sflag:s24] =	ssyncset.done $0x0  }
0x3e: {  	[sflag:s24] =	ssyncadd.s32 $0xFFFFF600  }
0x3f: {  	_ =	swait.ge [sflag:s25], $0xA00  }
0x40: {  	[sflag:s25] =	ssyncset.done $0x0  }
0x41: {  	[sflag:s25] =	ssyncadd.s32 $0xFFFFF600  }
0x42: {  	[bflag:$0x0] =	sbarrier.arrive $0xFFFF  }
0x43: {  	[tilespmem:s21], [sflag:$0x1] =	stream.indirect.gather [spmem:s3], $0x20, s0, s26, $0xb8;
	[tilespmem:$0x1C300] =	vst v63  }
0x44: {  	_ = 	snop  }
0x45: {  	[tilespmem:s28], [sflag:$0x2] =	stream.indirect.gather [spmem:s3], $0x20, s26, s26, $0xb8;
	[tilespmem:$0x1C300] =	vst v63  }
0x46: {  	s13 =	simm.s32 $0x100  }
0x47: {  	[tilespmem:s29], [sflag:$0x3] =	stream.indirect.gather [spmem:s3], $0x20, s13, s26, $0xb8;
	[tilespmem:$0x1C300] =	vst v63  }
0x48: {  	p2 =	por $0x1, $0x1;
	s14 =	simm.s32 $0x180  }
0x49: {  	[tilespmem:s19], [sflag:$0x4] =	stream.indirect.gather [spmem:s3], $0x20, s14, s26, $0xb8;
	[tilespmem:$0x1C300] =	vst v63  }
0x4a: {  	s16 =	simm.s32 $0x200;
	s5 =	simm.s32 @!p2 $0xE  }
0x4b: {  	[tilespmem:s20], [sflag:$0x5] =	stream.indirect.gather [spmem:s3], $0x20, s16, s26, $0xb8;
	[tilespmem:$0x1C300] =	vst v63  }
0x4c: {  	_ =	swait.ge @!p2 [sflag:s5], $0x1000  }
0x4d: {  	[sflag:s5] =	ssyncset.done @!p2 $0x0  }
0x4e: {  	p3 =	por $0x0, $0x0;
	s17 =	simm.s32 $0x280;
	[sflag:s5] =	ssyncadd.s32 @!p2 $0xFFFFF000  }
0x4f: {  	[tilespmem:s2], [sflag:$0x6] =	stream.indirect.gather [spmem:s3], $0x20, s17, s26, $0xb8;
	[tilespmem:$0x1C300] =	vst v63  }
0x50: {  	s14 =	simm.s32 $0x1;
	s5 =	simm.s32 $0x1;
	_ =	swait.ge [sflag:s22], $0x1000  }
0x51: {  	s14 =	simm.s32 @!p0 $0x0;
	s5 =	simm.s32 @!p3 $0x0;
	[sflag:s22] =	ssyncset.done $0x0  }
0x52: {  	p1 =	seq.s32 s14, s5;
	s5 =	simm.s32 $0x5000;
	[sflag:s22] =	ssyncadd.s32 $0xFFFFF000  }
0x53: {  	[spmem:s1] =	stream.indirect.scatter.add.bf16 [tilespmem:s21], [sflag:$0x9], $0x20, s5, s26, $0xb8;
	[tilespmem:$0x1C300] =	vst v63  }
0x54: {  	s16 =	simm.s32 @!p2 $0xF;
	s11 =	simm.s32 @!p1 $0x80;
	s13 =	simm.s32 @!p1 $0x1C000  }
0x55: {  	[spmem:s4] =	stream.indirect.scatter.add.f32 @!p1 [tilespmem:s13], [sflag:$0x11], $0x1, s5, s11, $0xb8;
	[tilespmem:$0x1C300] =	vst v63  }
0x56: {  	_ =	swait.ge @!p2 [sflag:s16], $0x1000  }
0x57: {  	[sflag:s16] =	ssyncset.done @!p2 $0x0  }
0x58: {  	s18 =	simm.s32 $0x300;
	[sflag:s16] =	ssyncadd.s32 @!p2 $0xFFFFF000  }
0x59: {  	[tilespmem:s15], [sflag:$0x7] =	stream.indirect.gather [spmem:s3], $0x20, s18, s26, $0xb8;
	[tilespmem:$0x1C300] =	vst v63  }
0x5a: {  	_ =	swait.ge [sflag:s23], $0x1000  }
0x5b: {  	p1 =	por !p3, !p3;
	[sflag:s23] =	ssyncset.done $0x0  }
0x5c: {  	s11 =	simm.s32 $0x5080;
	p1 =	por @!p0 p3, p3;
	[sflag:s23] =	ssyncadd.s32 $0xFFFFF000  }
0x5d: {  	[spmem:s1] =	stream.indirect.scatter.add.bf16 [tilespmem:s28], [sflag:$0xA], $0x20, s11, s26, $0xb8;
	[tilespmem:$0x1C300] =	vst v63  }
0x5e: {  	s13 =	simm.s32 @!p2 $0x10;
	s5 =	simm.s32 @p1 $0x1C000;
	s18 =	simm.s32 @p1 $0x80  }
0x5f: {  	[spmem:s4] =	stream.indirect.scatter.add.f32 @p1 [tilespmem:s5], [sflag:$0x11], $0x1, s11, s18, $0xb8;
	[tilespmem:$0x1C300] =	vst v63  }
0x60: {  	_ =	swait.ge @!p2 [sflag:s13], $0x1000  }
0x61: {  	[sflag:s13] =	ssyncset.done @!p2 $0x0  }
0x62: {  	s31 =	simm.s32 $0x380;
	[sflag:s13] =	ssyncadd.s32 @!p2 $0xFFFFF000  }
0x63: {  	[tilespmem:s6], [sflag:$0x8] =	stream.indirect.gather [spmem:s3], $0x20, s31, s26, $0xb8;
	[tilespmem:$0x1C300] =	vst v63  }
0x64: {  	_ =	swait.ge [sflag:s24], $0x1000  }
0x65: {  	[sflag:s24] =	ssyncset.done $0x0  }
0x66: {  	s11 =	simm.s32 $0x5100;
	p2 =	por $0x0, $0x0;
	[sflag:s24] =	ssyncadd.s32 $0xFFFFF000  }
0x67: {  	[spmem:s1] =	stream.indirect.scatter.add.bf16 [tilespmem:s29], [sflag:$0xB], $0x20, s11, s26, $0xb8;
	[tilespmem:$0x1C300] =	vst v63  }
0x68: {  	s13 =	simm.s32 @!p2 $0x9  }
0x69: {  	[spmem:s4] =	stream.indirect.scatter.add.f32 @p1 [tilespmem:s5], [sflag:$0x11], $0x1, s11, s18, $0xb8;
	[tilespmem:$0x1C300] =	vst v63  }
0x6a: {  	_ =	swait.ge @!p2 [sflag:s13], $0x1000  }
0x6b: {  	s16 =	simm.s32 @!p2 $0xA000;
	[sflag:s13] =	ssyncset.done @!p2 $0x0  }
0x6c: {  	s11 =	simm.s32 @!p2 $0x80;
	[sflag:s13] =	ssyncadd.s32 @!p2 $0xFFFFF000;
	s13 =	simm.s32 @!p2 $0x400  }
0x6d: {  	[tilespmem:s16], [sflag:$0x1] =	stream.indirect.gather @!p2 [spmem:s3], $0x20, s13, s11, $0xb8;
	[tilespmem:$0x1C300] =	vst v63  }
0x6e: {  	_ =	swait.ge [sflag:s25], $0x1000  }
0x6f: {  	[sflag:s25] =	ssyncset.done $0x0  }
0x70: {  	s13 =	simm.s32 $0x5180;
	[sflag:s25] =	ssyncadd.s32 $0xFFFFF000  }
0x71: {  	[spmem:s1] =	stream.indirect.scatter.add.bf16 [tilespmem:s19], [sflag:$0xC], $0x20, s13, s26, $0xb8;
	[tilespmem:$0x1C300] =	vst v63  }
0x72: {  	s16 =	simm.s32 @!p2 $0xA  }
0x73: {  	[spmem:s4] =	stream.indirect.scatter.add.f32 @p1 [tilespmem:s5], [sflag:$0x11], $0x1, s13, s18, $0xb8;
	[tilespmem:$0x1C300] =	vst v63  }
0x74: {  	_ =	swait.ge @!p2 [sflag:s16], $0x1000  }
0x75: {  	[sflag:s16] =	ssyncset.done @!p2 $0x0  }
0x76: {  	s17 =	simm.s32 @!p2 $0xB000;
	s13 =	simm.s32 @!p2 $0x480;
	[sflag:s16] =	ssyncadd.s32 @!p2 $0xFFFFF000  }
0x77: {  	[tilespmem:s17], [sflag:$0x2] =	stream.indirect.gather @!p2 [spmem:s3], $0x20, s13, s11, $0xb8;
	[tilespmem:$0x1C300] =	vst v63  }
0x78: {  	_ =	swait.ge [sflag:s7], $0x1000  }
0x79: {  	[sflag:s7] =	ssyncset.done $0x0  }
0x7a: {  	s13 =	simm.s32 $0x5200;
	[sflag:s7] =	ssyncadd.s32 $0xFFFFF000  }
0x7b: {  	[spmem:s1] =	stream.indirect.scatter.add.bf16 [tilespmem:s20], [sflag:$0xD], $0x20, s13, s26, $0xb8;
	[tilespmem:$0x1C300] =	vst v63  }
0x7c: {  	s16 =	simm.s32 @!p2 $0xB  }
0x7d: {  	[spmem:s4] =	stream.indirect.scatter.add.f32 @p1 [tilespmem:s5], [sflag:$0x11], $0x1, s13, s18, $0xb8;
	[tilespmem:$0x1C300] =	vst v63  }
0x7e: {  	_ =	swait.ge @!p2 [sflag:s16], $0x1000  }
0x7f: {  	[sflag:s16] =	ssyncset.done @!p2 $0x0  }
0x80: {  	s17 =	simm.s32 @!p2 $0xC000;
	s13 =	simm.s32 @!p2 $0x500;
	[sflag:s16] =	ssyncadd.s32 @!p2 $0xFFFFF000  }
0x81: {  	[tilespmem:s17], [sflag:$0x3] =	stream.indirect.gather @!p2 [spmem:s3], $0x20, s13, s11, $0xb8;
	[tilespmem:$0x1C300] =	vst v63  }
0x82: {  	_ =	swait.ge [sflag:s8], $0x1000  }
0x83: {  	[sflag:s8] =	ssyncset.done $0x0  }
0x84: {  	s13 =	simm.s32 $0x5280;
	[sflag:s8] =	ssyncadd.s32 $0xFFFFF000  }
0x85: {  	[spmem:s1] =	stream.indirect.scatter.add.bf16 [tilespmem:s2], [sflag:$0xE], $0x20, s13, s26, $0xb8;
	[tilespmem:$0x1C300] =	vst v63  }
0x86: {  	s16 =	simm.s32 @!p2 $0xC  }
0x87: {  	[spmem:s4] =	stream.indirect.scatter.add.f32 @p1 [tilespmem:s5], [sflag:$0x11], $0x1, s13, s18, $0xb8;
	[tilespmem:$0x1C300] =	vst v63  }
0x88: {  	_ =	swait.ge @!p2 [sflag:s16], $0x1000  }
0x89: {  	[sflag:s16] =	ssyncset.done @!p2 $0x0  }
0x8a: {  	s17 =	simm.s32 @!p2 $0xD000;
	s13 =	simm.s32 @!p2 $0x580;
	[sflag:s16] =	ssyncadd.s32 @!p2 $0xFFFFF000  }
0x8b: {  	[tilespmem:s17], [sflag:$0x4] =	stream.indirect.gather @!p2 [spmem:s3], $0x20, s13, s11, $0xb8;
	[tilespmem:$0x1C300] =	vst v63  }
0x8c: {  	_ =	swait.ge [sflag:s9], $0x1000  }
0x8d: {  	[sflag:s9] =	ssyncset.done $0x0  }
0x8e: {  	s13 =	simm.s32 $0x5300;
	[sflag:s9] =	ssyncadd.s32 $0xFFFFF000  }
0x8f: {  	[spmem:s1] =	stream.indirect.scatter.add.bf16 [tilespmem:s15], [sflag:$0xF], $0x20, s13, s26, $0xb8;
	[tilespmem:$0x1C300] =	vst v63  }
0x90: {  	s16 =	simm.s32 @!p2 $0xD  }
0x91: {  	[spmem:s4] =	stream.indirect.scatter.add.f32 @p1 [tilespmem:s5], [sflag:$0x11], $0x1, s13, s18, $0xb8;
	[tilespmem:$0x1C300] =	vst v63  }
0x92: {  	_ =	swait.ge @!p2 [sflag:s16], $0x1000  }
0x93: {  	s20 =	simm.s32 $0x0;
	s17 =	simm.s32 @!p2 $0xE000;
	[sflag:s16] =	ssyncset.done @!p2 $0x0  }
0x94: {  	s13 =	simm.s32 @!p2 $0x600;
	[sflag:s16] =	ssyncadd.s32 @!p2 $0xFFFFF000;
	s16 =	simm.s32 $0x2000  }
0x95: {  	[tilespmem:s17], [sflag:$0x5] =	stream.indirect.gather @!p2 [spmem:s3], $0x20, s13, s11, $0xb8;
	[tilespmem:$0x1C300] =	vst v63  }
0x96: {  	s17 =	simm.s32 $0x1000;
	s11 =	simm.s32 $0x0;
	_ =	swait.ge [sflag:s10], $0x1000  }
.LBB2_2:
0x97: {  	[sflag:s10] =	ssyncset.done $0x0  }
0x98: {  	s11 =	sadd.s32 $0x1, s11;
	s19 =	smov.u32 s16;
	s16 =	sadd.s32 $0x1000, s16  }
0x99: {  	s13 =	sadd.s32 $0x5380, s20;
	p2 =	sne.s32 s16, $0x14000;
	[sflag:s10] =	ssyncadd.s32 $0xFFFFF000  }
0x9a: {  	[spmem:s1] =	stream.indirect.scatter.add.bf16 [tilespmem:s6], [sflag:$0x10], $0x20, s13, s26, $0xb8;
	[tilespmem:$0x1C300] =	vst v63  }
0x9b: {  	p3 =	seq.s32 s17, $0x0  }
0x9c: {  	[spmem:s4] =	stream.indirect.scatter.add.f32 @p1 [tilespmem:s5], [sflag:$0x11], $0x1, s13, s18, $0xb8;
	[tilespmem:$0x1C300] =	vst v63  }
0x9d: {  	s5 =	simm.s32 @!p3 $0xE  }
0x9e: {  	p4 =	sgt.u32 s11, $0x9;
	s13 =	simm.s32 $0x1;
	_ =	swait.ge @!p3 [sflag:s5], $0x1000  }
0x9f: {  	s20 =	sshra.s32 s17, $0x2;
	s13 =	simm.s32 @!p4 $0x0;
	[sflag:s5] =	ssyncset.done @!p3 $0x0  }
0xa0: {  	p1 =	seq.s32 s14, s13;
	[sflag:s5] =	ssyncadd.s32 @!p3 $0xFFFFF000;
	s5 =	sadd.s32 $0x280, s20  }
0xa1: {  	[tilespmem:s2], [sflag:$0x6] =	stream.indirect.gather [spmem:s3], $0x20, s5, s26, $0xb8;
	[tilespmem:$0x1C300] =	vst v63  }
0xa2: {  	_ =	swait.ge [sflag:s22], $0x1000  }
0xa3: {  	s5 =	sadd.s32 $0x5000, s20;
	[sflag:s22] =	ssyncset.done $0x0  }
0xa4: {  	[sflag:s22] =	ssyncadd.s32 $0xFFFFF000  }
0xa5: {  	[spmem:s1] =	stream.indirect.scatter.add.bf16 [tilespmem:s21], [sflag:$0x9], $0x20, s5, s26, $0xb8;
	[tilespmem:$0x1C300] =	vst v63  }
0xa6: {  	s13 =	simm.s32 @!p1 $0x80;
	s18 =	simm.s32 @!p1 $0x1C000;
	s21 =	simm.s32 @!p3 $0xF  }
0xa7: {  	[spmem:s4] =	stream.indirect.scatter.add.f32 @!p1 [tilespmem:s18], [sflag:$0x11], $0x1, s5, s13, $0xb8;
	[tilespmem:$0x1C300] =	vst v63  }
0xa8: {  	_ =	swait.ge @!p3 [sflag:s21], $0x1000  }
0xa9: {  	p1 =	por !p4, !p4;
	s5 =	sadd.s32 $0x300, s20;
	[sflag:s21] =	ssyncset.done @!p3 $0x0  }
0xaa: {  	p1 =	por @!p0 p4, p4;
	[sflag:s21] =	ssyncadd.s32 @!p3 $0xFFFFF000  }
0xab: {  	[tilespmem:s15], [sflag:$0x7] =	stream.indirect.gather [spmem:s3], $0x20, s5, s26, $0xb8;
	[tilespmem:$0x1C300] =	vst v63  }
0xac: {  	s18 =	simm.s32 @p1 $0x80;
	s5 =	simm.s32 @p1 $0x1C000;
	_ =	swait.ge [sflag:s23], $0x1000  }
0xad: {  	s13 =	sadd.s32 $0x5080, s20;
	[sflag:s23] =	ssyncset.done $0x0  }
0xae: {  	[sflag:s23] =	ssyncadd.s32 $0xFFFFF000  }
0xaf: {  	[spmem:s1] =	stream.indirect.scatter.add.bf16 [tilespmem:s28], [sflag:$0xA], $0x20, s13, s26, $0xb8;
	[tilespmem:$0x1C300] =	vst v63  }
0xb0: {  	s21 =	simm.s32 @!p3 $0x10  }
0xb1: {  	[spmem:s4] =	stream.indirect.scatter.add.f32 @p1 [tilespmem:s5], [sflag:$0x11], $0x1, s13, s18, $0xb8;
	[tilespmem:$0x1C300] =	vst v63  }
0xb2: {  	_ =	swait.ge @!p3 [sflag:s21], $0x1000  }
0xb3: {  	[sflag:s21] =	ssyncset.done @!p3 $0x0  }
0xb4: {  	s13 =	sadd.s32 $0x380, s20;
	[sflag:s21] =	ssyncadd.s32 @!p3 $0xFFFFF000  }
0xb5: {  	[tilespmem:s6], [sflag:$0x8] =	stream.indirect.gather [spmem:s3], $0x20, s13, s26, $0xb8;
	[tilespmem:$0x1C300] =	vst v63  }
0xb6: {  	_ =	swait.ge [sflag:s24], $0x1000  }
0xb7: {  	[sflag:s24] =	ssyncset.done $0x0  }
0xb8: {  	p3 =	seq.s32 s17, $0x13000;
	s13 =	sadd.s32 $0x5100, s20;
	[sflag:s24] =	ssyncadd.s32 $0xFFFFF000  }
0xb9: {  	[spmem:s1] =	stream.indirect.scatter.add.bf16 [tilespmem:s29], [sflag:$0xB], $0x20, s13, s26, $0xb8;
	[tilespmem:$0x1C300] =	vst v63  }
0xba: {  	s21 =	simm.s32 @!p3 $0x9;
	s28 =	sshra.s32 @!p3 s17, $0x2;
	s17 =	smov.u32 s19  }
0xbb: {  	[spmem:s4] =	stream.indirect.scatter.add.f32 @p1 [tilespmem:s5], [sflag:$0x11], $0x1, s13, s18, $0xb8;
	[tilespmem:$0x1C300] =	vst v63  }
0xbc: {  	s19 =	simm.s32 @!p3 $0x80;
	s29 =	simm.s32 @!p3 $0xA000;
	_ =	swait.ge @!p3 [sflag:s21], $0x1000  }
0xbd: {  	s31 =	sadd.s32 @!p3 $0x500, s28;
	s13 =	sadd.s32 @!p3 $0x580, s28;
	[sflag:s21] =	ssyncset.done @!p3 $0x0  }
0xbe: {  	s0 =	sadd.s32 @!p3 $0x480, s28;
	[sflag:s21] =	ssyncadd.s32 @!p3 $0xFFFFF000;
	s21 =	sadd.s32 @!p3 $0x400, s28  }
0xbf: {  	[tilespmem:s29], [sflag:$0x1] =	stream.indirect.gather @!p3 [spmem:s3], $0x20, s21, s19, $0xb8;
	[tilespmem:$0x1C300] =	vst v63  }
0xc0: {  	s21 =	sadd.s32 @!p3 $0x600, s28;
	_ =	swait.ge [sflag:s25], $0x1000  }
0xc1: {  	[sflag:s25] =	ssyncset.done $0x0  }
0xc2: {  	s28 =	sadd.s32 $0x5180, s20;
	[sflag:s25] =	ssyncadd.s32 $0xFFFFF000  }
0xc3: {  	[spmem:s1] =	stream.indirect.scatter.add.bf16 [tilespmem:s30], [sflag:$0xC], $0x20, s28, s26, $0xb8;
	[tilespmem:$0x1C300] =	vst v63  }
0xc4: {  	s29 =	simm.s32 @!p3 $0xA  }
0xc5: {  	[spmem:s4] =	stream.indirect.scatter.add.f32 @p1 [tilespmem:s5], [sflag:$0x11], $0x1, s28, s18, $0xb8;
	[tilespmem:$0x1C300] =	vst v63  }
0xc6: {  	s28 =	simm.s32 @!p3 $0xB000;
	_ =	swait.ge @!p3 [sflag:s29], $0x1000  }
0xc7: {  	[sflag:s29] =	ssyncset.done @!p3 $0x0  }
0xc8: {  	[sflag:s29] =	ssyncadd.s32 @!p3 $0xFFFFF000;
	s29 =	simm.s32 $0xC000  }
0xc9: {  	[tilespmem:s28], [sflag:$0x2] =	stream.indirect.gather @!p3 [spmem:s3], $0x20, s0, s19, $0xb8;
	[tilespmem:$0x1C300] =	vst v63  }
0xca: {  	_ =	swait.ge [sflag:s7], $0x1000  }
0xcb: {  	[sflag:s7] =	ssyncset.done $0x0  }
0xcc: {  	s0 =	sadd.s32 $0x5200, s20;
	s28 =	simm.s32 $0xE000;
	[sflag:s7] =	ssyncadd.s32 $0xFFFFF000  }
0xcd: {  	[spmem:s1] =	stream.indirect.scatter.add.bf16 [tilespmem:s28], [sflag:$0xD], $0x20, s0, s26, $0xb8;
	[tilespmem:$0x1C300] =	vst v63  }
0xce: {  	s28 =	simm.s32 @!p3 $0xB  }
0xcf: {  	[spmem:s4] =	stream.indirect.scatter.add.f32 @p1 [tilespmem:s5], [sflag:$0x11], $0x1, s0, s18, $0xb8;
	[tilespmem:$0x1C300] =	vst v63  }
0xd0: {  	s0 =	simm.s32 @!p3 $0xC000;
	_ =	swait.ge @!p3 [sflag:s28], $0x1000  }
0xd1: {  	[sflag:s28] =	ssyncset.done @!p3 $0x0  }
0xd2: {  	[sflag:s28] =	ssyncadd.s32 @!p3 $0xFFFFF000  }
0xd3: {  	[tilespmem:s0], [sflag:$0x3] =	stream.indirect.gather @!p3 [spmem:s3], $0x20, s31, s19, $0xb8;
	[tilespmem:$0x1C300] =	vst v63  }
0xd4: {  	_ =	swait.ge [sflag:s8], $0x1000  }
0xd5: {  	[sflag:s8] =	ssyncset.done $0x0  }
0xd6: {  	s0 =	sadd.s32 $0x5280, s20;
	[sflag:s8] =	ssyncadd.s32 $0xFFFFF000  }
0xd7: {  	[spmem:s1] =	stream.indirect.scatter.add.bf16 [tilespmem:s2], [sflag:$0xE], $0x20, s0, s26, $0xb8;
	[tilespmem:$0x1C300] =	vst v63  }
0xd8: {  	s28 =	simm.s32 @!p3 $0xC  }
0xd9: {  	[spmem:s4] =	stream.indirect.scatter.add.f32 @p1 [tilespmem:s5], [sflag:$0x11], $0x1, s0, s18, $0xb8;
	[tilespmem:$0x1C300] =	vst v63  }
0xda: {  	s0 =	simm.s32 @!p3 $0xD000;
	_ =	swait.ge @!p3 [sflag:s28], $0x1000  }
0xdb: {  	[sflag:s28] =	ssyncset.done @!p3 $0x0  }
0xdc: {  	[sflag:s28] =	ssyncadd.s32 @!p3 $0xFFFFF000;
	s28 =	simm.s32 $0xB000  }
0xdd: {  	[tilespmem:s0], [sflag:$0x4] =	stream.indirect.gather @!p3 [spmem:s3], $0x20, s13, s19, $0xb8;
	[tilespmem:$0x1C300] =	vst v63  }
0xde: {  	_ =	swait.ge [sflag:s9], $0x1000  }
0xdf: {  	[sflag:s9] =	ssyncset.done $0x0  }
0xe0: {  	s0 =	sadd.s32 $0x5300, s20;
	[sflag:s9] =	ssyncadd.s32 $0xFFFFF000  }
0xe1: {  	[spmem:s1] =	stream.indirect.scatter.add.bf16 [tilespmem:s15], [sflag:$0xF], $0x20, s0, s26, $0xb8;
	[tilespmem:$0x1C300] =	vst v63  }
0xe2: {  	s13 =	simm.s32 @!p3 $0xD  }
0xe3: {  	[spmem:s4] =	stream.indirect.scatter.add.f32 @p1 [tilespmem:s5], [sflag:$0x11], $0x1, s0, s18, $0xb8;
	[tilespmem:$0x1C300] =	vst v63  }
0xe4: {  	s0 =	simm.s32 @!p3 $0xE000;
	_ =	swait.ge @!p3 [sflag:s13], $0x1000  }
.Ltmp0:
0xe5: {  	[sflag:s13] =	ssyncset.done @!p3 $0x0;
	(pc) =	sbr.rel @p2 .LBB2_2-.Ltmp0, $4  }
0xe6: {  	[sflag:s13] =	ssyncadd.s32 @!p3 $0xFFFFF000  }
0xe7: {  	[tilespmem:s0], [sflag:$0x5] =	stream.indirect.gather @!p3 [spmem:s3], $0x20, s21, s19, $0xb8;
	[tilespmem:$0x1C300] =	vst v63  }
0xe8: {  	s21 =	simm.s32 $0xA000  }
0xe9: {  	_ =	swait.ge [sflag:s10], $0x1000  }
0xea: {  	[sflag:s10] =	ssyncset.done $0x0  }
0xeb: {  	s0 =	sadd.s32 $0x5380, s20;
	[sflag:s10] =	ssyncadd.s32 $0xFFFFF000  }
0xec: {  	[spmem:s1] =	stream.indirect.scatter.add.bf16 [tilespmem:s6], [sflag:$0x10], $0x20, s0, s26, $0xb8;
	[tilespmem:$0x1C300] =	vst v63  }
0xed: {  	p2 =	seq.s32 s17, $0x0  }
0xee: {  	[spmem:s4] =	stream.indirect.scatter.add.f32 @p1 [tilespmem:s5], [sflag:$0x11], $0x1, s0, s18, $0xb8;
	[tilespmem:$0x1C300] =	vst v63  }
0xef: {  	s0 =	simm.s32 @!p2 $0xE  }
0xf0: {  	_ =	swait.ge @!p2 [sflag:s0], $0x1000  }
0xf1: {  	s5 =	sshra.s32 s17, $0x2;
	[sflag:s0] =	ssyncset.done @!p2 $0x0  }
0xf2: {  	s11 =	sadd.s32 $0x1, s11;
	s18 =	sadd.s32 $0x280, s5;
	[sflag:s0] =	ssyncadd.s32 @!p2 $0xFFFFF000  }
0xf3: {  	[tilespmem:s2], [sflag:$0x6] =	stream.indirect.gather [spmem:s3], $0x20, s18, s26, $0xb8;
	[tilespmem:$0x1C300] =	vst v63  }
0xf4: {  	p3 =	sgt.u32 s11, $0x9;
	s0 =	simm.s32 $0x1;
	_ =	swait.ge [sflag:s22], $0x1000  }
0xf5: {  	s0 =	simm.s32 @!p3 $0x0;
	[sflag:s22] =	ssyncset.done $0x0  }
0xf6: {  	p1 =	seq.s32 s14, s0;
	s0 =	sadd.s32 $0x5000, s5;
	[sflag:s22] =	ssyncadd.s32 $0xFFFFF000  }
0xf7: {  	[spmem:s1] =	stream.indirect.scatter.add.bf16 [tilespmem:s21], [sflag:$0x9], $0x20, s0, s26, $0xb8;
	[tilespmem:$0x1C300] =	vst v63  }
0xf8: {  	s14 =	simm.s32 @!p2 $0xF;
	s11 =	simm.s32 @!p1 $0x80;
	s13 =	simm.s32 @!p1 $0x1C000  }
0xf9: {  	[spmem:s4] =	stream.indirect.scatter.add.f32 @!p1 [tilespmem:s13], [sflag:$0x11], $0x1, s0, s11, $0xb8;
	[tilespmem:$0x1C300] =	vst v63  }
0xfa: {  	_ =	swait.ge @!p2 [sflag:s14], $0x1000  }
0xfb: {  	[sflag:s14] =	ssyncset.done @!p2 $0x0  }
0xfc: {  	s19 =	sadd.s32 $0x300, s5;
	[sflag:s14] =	ssyncadd.s32 @!p2 $0xFFFFF000  }
0xfd: {  	[tilespmem:s15], [sflag:$0x7] =	stream.indirect.gather [spmem:s3], $0x20, s19, s26, $0xb8;
	[tilespmem:$0x1C300] =	vst v63  }
0xfe: {  	_ =	swait.ge [sflag:s23], $0x1000  }
0xff: {  	p1 =	por !p3, !p3;
	[sflag:s23] =	ssyncset.done $0x0  }
0x100: {  	s0 =	sadd.s32 $0x5080, s5;
	p1 =	por @!p0 p3, p3;
	[sflag:s23] =	ssyncadd.s32 $0xFFFFF000  }
0x101: {  	[spmem:s1] =	stream.indirect.scatter.add.bf16 [tilespmem:s28], [sflag:$0xA], $0x20, s0, s26, $0xb8;
	[tilespmem:$0x1C300] =	vst v63  }
0x102: {  	s13 =	simm.s32 @!p2 $0x10;
	s11 =	simm.s32 @p1 $0x80;
	s14 =	simm.s32 @p1 $0x1C000  }
0x103: {  	[spmem:s4] =	stream.indirect.scatter.add.f32 @p1 [tilespmem:s14], [sflag:$0x11], $0x1, s0, s11, $0xb8;
	[tilespmem:$0x1C300] =	vst v63  }
0x104: {  	_ =	swait.ge @!p2 [sflag:s13], $0x1000  }
0x105: {  	[sflag:s13] =	ssyncset.done @!p2 $0x0  }
0x106: {  	s20 =	sadd.s32 $0x380, s5;
	[sflag:s13] =	ssyncadd.s32 @!p2 $0xFFFFF000  }
0x107: {  	[tilespmem:s6], [sflag:$0x8] =	stream.indirect.gather [spmem:s3], $0x20, s20, s26, $0xb8;
	[tilespmem:$0x1C300] =	vst v63  }
0x108: {  	_ =	swait.ge [sflag:s24], $0x1000  }
0x109: {  	[sflag:s24] =	ssyncset.done $0x0  }
0x10a: {  	s0 =	sadd.s32 $0x5100, s5;
	p2 =	seq.s32 s17, $0x13000;
	[sflag:s24] =	ssyncadd.s32 $0xFFFFF000  }
0x10b: {  	[spmem:s1] =	stream.indirect.scatter.add.bf16 [tilespmem:s29], [sflag:$0xB], $0x20, s0, s26, $0xb8;
	[tilespmem:$0x1C300] =	vst v63  }
0x10c: {  	s13 =	simm.s32 @!p2 $0x9  }
0x10d: {  	[spmem:s4] =	stream.indirect.scatter.add.f32 @p1 [tilespmem:s14], [sflag:$0x11], $0x1, s0, s11, $0xb8;
	[tilespmem:$0x1C300] =	vst v63  }
0x10e: {  	_ =	swait.ge @!p2 [sflag:s13], $0x1000  }
0x10f: {  	s16 =	simm.s32 @!p2 $0x80;
	s0 =	sshra.s32 @!p2 s17, $0x2;
	[sflag:s13] =	ssyncset.done @!p2 $0x0  }
0x110: {  	s17 =	simm.s32 @!p2 $0xA000;
	[sflag:s13] =	ssyncadd.s32 @!p2 $0xFFFFF000;
	s13 =	sadd.s32 @!p2 $0x400, s0  }
0x111: {  	[tilespmem:s17], [sflag:$0x1] =	stream.indirect.gather @!p2 [spmem:s3], $0x20, s13, s16, $0xb8;
	[tilespmem:$0x1C300] =	vst v63  }
0x112: {  	_ =	swait.ge [sflag:s25], $0x1000  }
0x113: {  	[sflag:s25] =	ssyncset.done $0x0  }
0x114: {  	s13 =	sadd.s32 $0x5180, s5;
	[sflag:s25] =	ssyncadd.s32 $0xFFFFF000  }
0x115: {  	[spmem:s1] =	stream.indirect.scatter.add.bf16 [tilespmem:s30], [sflag:$0xC], $0x20, s13, s26, $0xb8;
	[tilespmem:$0x1C300] =	vst v63  }
0x116: {  	s17 =	simm.s32 @!p2 $0xA  }
0x117: {  	[spmem:s4] =	stream.indirect.scatter.add.f32 @p1 [tilespmem:s14], [sflag:$0x11], $0x1, s13, s11, $0xb8;
	[tilespmem:$0x1C300] =	vst v63  }
0x118: {  	_ =	swait.ge @!p2 [sflag:s17], $0x1000  }
0x119: {  	[sflag:s17] =	ssyncset.done @!p2 $0x0  }
0x11a: {  	s13 =	sadd.s32 @!p2 $0x480, s0;
	[sflag:s17] =	ssyncadd.s32 @!p2 $0xFFFFF000;
	s17 =	simm.s32 @!p2 $0xB000  }
0x11b: {  	[tilespmem:s17], [sflag:$0x2] =	stream.indirect.gather @!p2 [spmem:s3], $0x20, s13, s16, $0xb8;
	[tilespmem:$0x1C300] =	vst v63  }
0x11c: {  	_ =	swait.ge [sflag:s7], $0x1000  }
0x11d: {  	[sflag:s7] =	ssyncset.done $0x0  }
0x11e: {  	s31 =	simm.s32 $0xE000;
	s13 =	sadd.s32 $0x5200, s5;
	[sflag:s7] =	ssyncadd.s32 $0xFFFFF000  }
0x11f: {  	[spmem:s1] =	stream.indirect.scatter.add.bf16 [tilespmem:s31], [sflag:$0xD], $0x20, s13, s26, $0xb8;
	[tilespmem:$0x1C300] =	vst v63  }
0x120: {  	s17 =	simm.s32 @!p2 $0xB  }
0x121: {  	[spmem:s4] =	stream.indirect.scatter.add.f32 @p1 [tilespmem:s14], [sflag:$0x11], $0x1, s13, s11, $0xb8;
	[tilespmem:$0x1C300] =	vst v63  }
0x122: {  	_ =	swait.ge @!p2 [sflag:s17], $0x1000  }
0x123: {  	[sflag:s17] =	ssyncset.done @!p2 $0x0  }
0x124: {  	s13 =	sadd.s32 @!p2 $0x500, s0;
	[sflag:s17] =	ssyncadd.s32 @!p2 $0xFFFFF000;
	s17 =	simm.s32 @!p2 $0xC000  }
0x125: {  	[tilespmem:s17], [sflag:$0x3] =	stream.indirect.gather @!p2 [spmem:s3], $0x20, s13, s16, $0xb8;
	[tilespmem:$0x1C300] =	vst v63  }
0x126: {  	_ =	swait.ge [sflag:s8], $0x1000  }
0x127: {  	[sflag:s8] =	ssyncset.done $0x0  }
0x128: {  	s13 =	sadd.s32 $0x5280, s5;
	[sflag:s8] =	ssyncadd.s32 $0xFFFFF000  }
0x129: {  	[spmem:s1] =	stream.indirect.scatter.add.bf16 [tilespmem:s2], [sflag:$0xE], $0x20, s13, s26, $0xb8;
	[tilespmem:$0x1C300] =	vst v63  }
0x12a: {  	s17 =	simm.s32 @!p2 $0xC  }
0x12b: {  	[spmem:s4] =	stream.indirect.scatter.add.f32 @p1 [tilespmem:s14], [sflag:$0x11], $0x1, s13, s11, $0xb8;
	[tilespmem:$0x1C300] =	vst v63  }
0x12c: {  	_ =	swait.ge @!p2 [sflag:s17], $0x1000  }
0x12d: {  	[sflag:s17] =	ssyncset.done @!p2 $0x0  }
0x12e: {  	s13 =	sadd.s32 @!p2 $0x580, s0;
	[sflag:s17] =	ssyncadd.s32 @!p2 $0xFFFFF000;
	s17 =	simm.s32 @!p2 $0xD000  }
0x12f: {  	[tilespmem:s17], [sflag:$0x4] =	stream.indirect.gather @!p2 [spmem:s3], $0x20, s13, s16, $0xb8;
	[tilespmem:$0x1C300] =	vst v63  }
0x130: {  	_ =	swait.ge [sflag:s9], $0x1000  }
0x131: {  	[sflag:s9] =	ssyncset.done $0x0  }
0x132: {  	s13 =	sadd.s32 $0x5300, s5;
	[sflag:s9] =	ssyncadd.s32 $0xFFFFF000  }
0x133: {  	[spmem:s1] =	stream.indirect.scatter.add.bf16 [tilespmem:s15], [sflag:$0xF], $0x20, s13, s26, $0xb8;
	[tilespmem:$0x1C300] =	vst v63  }
0x134: {  	_ = 	snop  }
0x135: {  	[spmem:s4] =	stream.indirect.scatter.add.f32 @p1 [tilespmem:s14], [sflag:$0x11], $0x1, s13, s11, $0xb8;
	[tilespmem:$0x1C300] =	vst v63  }
0x136: {  	s13 =	simm.s32 @!p2 $0xD  }
0x137: {  	_ =	swait.ge @!p2 [sflag:s13], $0x1000  }
0x138: {  	[sflag:s13] =	ssyncset.done @!p2 $0x0  }
0x139: {  	s0 =	sadd.s32 @!p2 $0x600, s0;
	[sflag:s13] =	ssyncadd.s32 @!p2 $0xFFFFF000;
	s13 =	simm.s32 @!p2 $0xE000  }
0x13a: {  	[tilespmem:s13], [sflag:$0x5] =	stream.indirect.gather @!p2 [spmem:s3], $0x20, s0, s16, $0xb8;
	[tilespmem:$0x1C300] =	vst v63  }
0x13b: {  	_ =	swait.ge [sflag:s10], $0x1000  }
0x13c: {  	[sflag:s10] =	ssyncset.done $0x0  }
0x13d: {  	s0 =	sadd.s32 $0x5380, s5;
	[sflag:s10] =	ssyncadd.s32 $0xFFFFF000  }
0x13e: {  	[spmem:s1] =	stream.indirect.scatter.add.bf16 [tilespmem:s6], [sflag:$0x10], $0x20, s0, s26, $0xb8;
	[tilespmem:$0x1C300] =	vst v63  }
0x13f: {  	s13 =	simm.s32 $0x9  }
0x140: {  	[spmem:s4] =	stream.indirect.scatter.add.f32 @p1 [tilespmem:s14], [sflag:$0x11], $0x1, s0, s11, $0xb8;
	[tilespmem:$0x1C300] =	vst v63  }
0x141: {  	_ =	swait.ge [sflag:s13], $0x1000  }
0x142: {  	[sflag:s13] =	ssyncset.done $0x0  }
0x143: {  	s14 =	simm.s32 $0xA;
	[sflag:s13] =	ssyncadd.s32 $0xFFFFF000  }
0x144: {  	_ =	swait.ge [sflag:s14], $0x1000  }
0x145: {  	[sflag:s14] =	ssyncset.done $0x0  }
0x146: {  	s16 =	simm.s32 $0xB;
	[sflag:s14] =	ssyncadd.s32 $0xFFFFF000  }
0x147: {  	_ =	swait.ge [sflag:s16], $0x1000  }
0x148: {  	[sflag:s16] =	ssyncset.done $0x0  }
0x149: {  	s17 =	simm.s32 $0xC;
	[sflag:s16] =	ssyncadd.s32 $0xFFFFF000  }
0x14a: {  	_ =	swait.ge [sflag:s17], $0x1000  }
0x14b: {  	[sflag:s17] =	ssyncset.done $0x0  }
0x14c: {  	s18 =	simm.s32 $0xD;
	[sflag:s17] =	ssyncadd.s32 $0xFFFFF000  }
0x14d: {  	_ =	swait.ge [sflag:s18], $0x1000  }
0x14e: {  	[sflag:s18] =	ssyncset.done $0x0  }
0x14f: {  	s19 =	simm.s32 $0xE;
	[sflag:s18] =	ssyncadd.s32 $0xFFFFF000  }
0x150: {  	_ =	swait.ge [sflag:s19], $0x1000  }
0x151: {  	[sflag:s19] =	ssyncset.done $0x0  }
0x152: {  	s20 =	simm.s32 $0xF;
	[sflag:s19] =	ssyncadd.s32 $0xFFFFF000  }
0x153: {  	_ =	swait.ge [sflag:s20], $0x1000  }
0x154: {  	[sflag:s20] =	ssyncset.done $0x0  }
0x155: {  	s31 =	simm.s32 $0x10;
	[sflag:s20] =	ssyncadd.s32 $0xFFFFF000  }
0x156: {  	_ =	swait.ge [sflag:s31], $0x1000  }
0x157: {  	[sflag:s31] =	ssyncset.done $0x0  }
0x158: {  	[sflag:s31] =	ssyncadd.s32 $0xFFFFF000  }
0x159: {  	s5 =	simm.s32 $0x4F;
	_ =	swait.ge [sflag:s12], $0x80  }
0x15a: {  	s19 =	simm.s32 $0xD000;
	s20 =	simm.s32 $0xE000;
	[sflag:s12] =	ssyncset.done $0x0  }
.LBB2_4:
0x15b: {  	p1 =	sne.s32 s5, $0x1;
	s5 =	sadd.s32 $0xFFFFFFFF, s5;
	[sflag:s12] =	ssyncadd.s32 $0xFFFFFF80  }
.Ltmp1:
0x15c: {  	(pc) =	sbr.rel @p1 .LBB2_4-.Ltmp1, $3  }
0x15d: {  	_ =	sdelay $0x1  }
0x15e: {  	_ =	swait.ge [sflag:s12], $0x80  }
0x15f: {  	[sflag:s12] =	ssyncset.done $0x0  }
0x160: {  	[sflag:s12] =	ssyncadd.s32 $0xFFFFFF80  }
0x161: {  	[bflag:$0x0] =	sbarrier.arrive $0xFFFF  }
0x162: {  	s0 =	rddreg [dreg:$0xb]  }
0x163: {  	s13 =	rddreg [dreg:$0xf]  }
0x164: {  	s17 =	simm.s32 $0x12;
	s14 =	rddreg [dreg:$0x12]  }
0x165: {  	[hbm:s0], [sflag:s14] =	dma.local [spmem:s13], $0xA00  }
0x166: {  	_ =	swait.ge [sflag:s17], $0xA00  }
0x167: {  	[sflag:s17] =	ssyncset.done $0x0;
	s18 =	rddreg [dreg:$0xc]  }
0x168: {  	s16 =	rddreg [dreg:$0x13];
	[sflag:s17] =	ssyncadd.s32 $0xFFFFF600  }
0x169: {  	[hbm:s18], [sflag:s14] =	dma.local [spmem:s16], $0x50  }
0x16a: {  	_ =	swait.ge [sflag:s17], $0x50  }
0x16b: {  	s5 =	rddreg [dreg:$0x14]  }
0x16c: {  	s31 =	rddreg [dreg:$0xd];
	s5 =	sadd.s32 $0x1, s5  }
0x16d: {  	p1 =	sne.s32 s5, s31  }
.Ltmp2:
0x16e: {  	_ = 	snop;
	(pc) =	sbr.rel @p1 .LBB2_1-.Ltmp2, $3  }
0x16f: {  	_ =	sdelay $0x1  }
0x170: {  	[sflag:s17] =	ssyncset.done $0x0  }
0x171: {  	[sflag:s17] =	ssyncadd.s32 $0xFFFFFFB0  }
0x172: {  	_ =	sfence.sel $0x180000  }
0x173: {  	[bflag:$0x0] =	sbarrier.arrive $0xFFFF  }
0x174: {  	_ =	strace $0x90000047  }
0x175: {  	s0 =	stileid.u32;
	[bflag:$0x2] =	sbarrier.arrive $0xFFFF  }
0x176: {  	p0 =	sne.s32 s0, $0x0;
	s0 =	rddreg [dreg:$0x5]  }
0x177: {  	s0 =	sadd.s32 @!p0 $0x100000, s0  }
0x178: {  	[sflag:s0] =	ssyncadd.tile.s32 @!p0 $0x1;
	_ =	shalt  }
.Lfunc_end2:
_tile_overlayer_lowered:
.L_overlay_start_2:
0x179: {  	(tag) =	ssettag $0x2  }
0x17a: {  	s0 =	rddreg [dreg:$0x0];
	s2 =	stileid.u32  }
0x17b: {  	s1 =	rddreg [dreg:$0x1];
	p0 =	sne.s32 s2, $0x0  }
0x17c: {  	s3 =	rddreg [dreg:$0x2];
	[bflag:$0x3] =	sbarrier.arrive $0xFFFF;
	s2 =	simm.s32 @!p0 $0x1C12  }
0x17d: {  	[timem:s3], [sflag:s2] =	dma.local @!p0 [hbm:s0], s1  }
0x17e: {  	s0 =	simm.s32 @!p0 $0x12  }
0x17f: {  	_ =	swait.ge @!p0 [sflag:s0], s1  }
0x180: {  	s1 =	ssub.s32 @!p0 $0x0, s1;
	[sflag:s0] =	ssyncset.done @!p0 $0x0  }
0x181: {  	[sflag:s0] =	ssyncadd.s32 @!p0 s1  }
0x182: {  	[bflag:$0x3] =	sbarrier.arrive $0xFFFF  }
0x183: {  	_ =	shalt  }

</sc_bundles>
